<compile_context>
chip_gen: v7x
topology: tpu7x:2x2x1
jax: 0.10.2.dev20260603
libtpu: 0.0.44.dev20260713+nightly
codegen_flags: <defaults>
</compile_context>

<pallas_src>
import jax
import jax.numpy as jnp
from jax import lax
from jax.experimental import pallas as pl
from jax.experimental.pallas import tpu as pltpu
from jax.experimental.pallas import tpu_sc as plsc

N = 10000
E = 160000
ALPHA = 0.2

NC = 2
NS = 16
CHUNK = 128
E_PAD = 163840
NCH = E_PAD // CHUNK
ACC_ROWS = 10240
ROWS_PER_TILE = ACC_ROWS // NS
OUT_CHUNKS = ROWS_PER_TILE // CHUNK
RPT = NCH // (NC * NS)


def _make_seg_sum(edge_split):
  n_passes = 1 if edge_split else 2
  out_type = jax.ShapeDtypeStruct((NC * ACC_ROWS, 128), jnp.float32)

  mesh = plsc.VectorSubcoreMesh(
      core_axis_name="c", subcore_axis_name="s", num_cores=NC, num_subcores=NS)
  scratch = [
      pltpu.VMEM((RPT, CHUNK), jnp.int32),
      pltpu.VMEM((RPT, CHUNK), jnp.int32),
      pltpu.VMEM((CHUNK, 128), jnp.float32),
      pltpu.VMEM((CHUNK, 128), jnp.float32),
      pltpu.VMEM_SHARED((ACC_ROWS, 128), jnp.float32),
      pltpu.SemaphoreType.DMA,
      pltpu.SemaphoreType.DMA,
      pltpu.SemaphoreType.DMA,
      pltpu.SemaphoreType.DMA,
  ]

  def body(src_hbm, dst_hbm, table_hbm, z_hbm, out_hbm,
           sidx, didx, buf_a, buf_b, acc_s, gsem_a, gsem_b, ssem_a, ssem_b):
    cid = lax.axis_index("c")
    sid = lax.axis_index("s")
    row_base = sid * ROWS_PER_TILE

    pltpu.sync_copy(z_hbm, buf_a)
    for oc in range(OUT_CHUNKS):
      pltpu.sync_copy(buf_a, acc_s.at[pl.ds(row_base + oc * CHUNK, CHUNK)])
    plsc.subcore_barrier()

    bufs = (buf_a, buf_b)
    gsems = (gsem_a, gsem_b)
    ssems = (ssem_a, ssem_b)

    for p in range(n_passes):
      if edge_split:
        srow_base = (cid * NS + sid) * RPT
        drow_base = srow_base
      else:
        srow_base = cid * NCH + sid * (n_passes * RPT) + p * RPT
        drow_base = sid * (n_passes * RPT) + p * RPT
      pltpu.sync_copy(src_hbm.at[pl.ds(srow_base, RPT)], sidx)
      pltpu.sync_copy(dst_hbm.at[pl.ds(drow_base, RPT)], didx)

      def super_body(G, carry, p=p):
        for h in range(2):
          g = 2 * G + h
          if p == 0:
            @pl.when(g > 1)
            def _(h=h):
              pltpu.make_async_copy(z_hbm, bufs[h], ssems[h]).wait()
          else:
            pltpu.make_async_copy(z_hbm, bufs[h], ssems[h]).wait()
          pltpu.async_copy(table_hbm.at[sidx.at[g]], bufs[h], gsems[h]).wait()
          pltpu.async_copy(bufs[h], acc_s.at[didx.at[g]], ssems[h], add=True)
        return carry

      lax.fori_loop(0, RPT // 2, super_body, 0)
    for h in range(2):
      pltpu.make_async_copy(z_hbm, bufs[h], ssems[h]).wait()
    plsc.subcore_barrier()

    out_base = cid * ACC_ROWS
    for oc in range(OUT_CHUNKS):
      r0 = row_base + oc * CHUNK
      pltpu.sync_copy(acc_s.at[pl.ds(r0, CHUNK)], bufs[oc % 2])
      pltpu.sync_copy(bufs[oc % 2], out_hbm.at[pl.ds(out_base + r0, CHUNK)])

  return pl.kernel(body, out_type=out_type, mesh=mesh, scratch_types=scratch)


def _make_deg_kernel():
  LAG = 8
  mesh = plsc.VectorSubcoreMesh(
      core_axis_name="c", subcore_axis_name="s", num_cores=NC, num_subcores=NS)
  out_type = jax.ShapeDtypeStruct((NC * ACC_ROWS, 128), jnp.float32)
  scratch = [
      pltpu.VMEM((RPT, CHUNK), jnp.int32),
      pltpu.VMEM((CHUNK, 128), jnp.float32),
      pltpu.VMEM((CHUNK, 128), jnp.float32),
      pltpu.VMEM_SHARED((ACC_ROWS, 128), jnp.float32),
      pltpu.SemaphoreType.DMA,
  ]

  def body(dst_hbm, ones_hbm, z2d_hbm, out_hbm, didx, ones_v, buf_v, acc_s,
           ssem):
    cid = lax.axis_index("c")
    sid = lax.axis_index("s")
    row_base = sid * ROWS_PER_TILE

    pltpu.sync_copy(dst_hbm.at[pl.ds((cid * NS + sid) * RPT, RPT)], didx)
    pltpu.sync_copy(ones_hbm, ones_v)
    pltpu.sync_copy(z2d_hbm, buf_v)
    for oc in range(OUT_CHUNKS):
      pltpu.sync_copy(buf_v, acc_s.at[pl.ds(row_base + oc * CHUNK, CHUNK)])
    plsc.subcore_barrier()

    def chunk_body(k, carry):
      pltpu.async_copy(ones_v, acc_s.at[didx.at[k]], ssem, add=True)

      @pl.when(k >= LAG)
      def _():
        pltpu.make_async_copy(z2d_hbm, buf_v, ssem).wait()
      return carry

    lax.fori_loop(0, RPT, chunk_body, 0)
    for _ in range(LAG):
      pltpu.make_async_copy(z2d_hbm, buf_v, ssem).wait()
    plsc.subcore_barrier()

    out_base = cid * ACC_ROWS
    for oc in range(OUT_CHUNKS):
      r0 = row_base + oc * CHUNK
      pltpu.sync_copy(acc_s.at[pl.ds(r0, CHUNK)], buf_v)
      pltpu.sync_copy(buf_v, out_hbm.at[pl.ds(out_base + r0, CHUNK)])

  return pl.kernel(body, out_type=out_type, mesh=mesh, scratch_types=scratch)


_sc_cache = {}


def _deg_kernel():
  if "deg" not in _sc_cache:
    _sc_cache["deg"] = _make_deg_kernel()
  return _sc_cache["deg"]


def _seg_sum(edge_split):
  key = ("seg", edge_split)
  if key not in _sc_cache:
    _sc_cache[key] = _make_seg_sum(edge_split)
  return _sc_cache[key]

_BM = 2000


def _tc1_body(x_ref, wl_ref, bl_ref, ws_ref, wn_ref, q1_ref, p1_ref):
  h = jnp.dot(x_ref[...], wl_ref[...], preferred_element_type=jnp.float32)
  h = h + bl_ref[...]
  h = jnp.where(h > 0, h, ALPHA * h)
  q1_ref[...] = jnp.dot(h, ws_ref[...], preferred_element_type=jnp.float32)
  p1_ref[...] = jnp.dot(h, wn_ref[...], preferred_element_type=jnp.float32)


def _tc1(x, W_lin, b_lin, Ws1, Wn1):
  grid = (N // _BM,)
  return pl.pallas_call(
      _tc1_body,
      grid=grid,
      in_specs=[
          pl.BlockSpec((_BM, 256), lambda i: (i, 0)),
          pl.BlockSpec((256, 256), lambda i: (0, 0)),
          pl.BlockSpec((1, 256), lambda i: (0, 0)),
          pl.BlockSpec((256, 256), lambda i: (0, 0)),
          pl.BlockSpec((256, 256), lambda i: (0, 0)),
      ],
      out_specs=[
          pl.BlockSpec((_BM, 256), lambda i: (i, 0)),
          pl.BlockSpec((_BM, 256), lambda i: (i, 0)),
      ],
      out_shape=[
          jax.ShapeDtypeStruct((N, 256), jnp.float32),
          jax.ShapeDtypeStruct((N, 256), jnp.float32),
      ],
  )(x, W_lin, b_lin.reshape(1, 256), Ws1, Wn1)


def _tc2_body(q1_ref, a1a_ref, a1b_ref, deg_ref, bc1_ref, ws2_ref, wn2_ref,
              q2_ref, p2_ref):
  inv = 1.0 / jnp.maximum(deg_ref[...], 1.0)
  agg = jnp.concatenate([a1a_ref[...], a1b_ref[...]], axis=1) * inv
  h = q1_ref[...] + agg + bc1_ref[...]
  h = jnp.maximum(h, 0.0)
  q2_ref[...] = jnp.dot(h, ws2_ref[...], preferred_element_type=jnp.float32)
  p2_ref[...] = jnp.dot(h, wn2_ref[...], preferred_element_type=jnp.float32)


def _tc2(q1, a1a, a1b, deg2d, bc1, Ws2, Wn2):
  grid = (N // _BM,)
  return pl.pallas_call(
      _tc2_body,
      grid=grid,
      in_specs=[
          pl.BlockSpec((_BM, 256), lambda i: (i, 0)),
          pl.BlockSpec((_BM, 128), lambda i: (i, 0)),
          pl.BlockSpec((_BM, 128), lambda i: (i, 0)),
          pl.BlockSpec((_BM, 1), lambda i: (i, 0)),
          pl.BlockSpec((1, 256), lambda i: (0, 0)),
          pl.BlockSpec((256, 128), lambda i: (0, 0)),
          pl.BlockSpec((256, 128), lambda i: (0, 0)),
      ],
      out_specs=[
          pl.BlockSpec((_BM, 128), lambda i: (i, 0)),
          pl.BlockSpec((_BM, 128), lambda i: (i, 0)),
      ],
      out_shape=[
          jax.ShapeDtypeStruct((N, 128), jnp.float32),
          jax.ShapeDtypeStruct((N, 128), jnp.float32),
      ],
  )(q1, a1a, a1b, deg2d, bc1.reshape(1, 256), Ws2, Wn2)


def _tc3_body(q2_ref, a2a_ref, a2b_ref, deg_ref, bc2_ref, wo_ref, bo_ref,
              out_ref):
  inv = 1.0 / jnp.maximum(deg_ref[...], 1.0)
  agg = (a2a_ref[...] + a2b_ref[...]) * inv
  h = q2_ref[...] + agg + bc2_ref[...]
  h = jnp.maximum(h, 0.0)
  out_ref[...] = jnp.dot(h, wo_ref[...], preferred_element_type=jnp.float32) + bo_ref[...]


def _tc3(q2, a2a, a2b, deg2d, bc2, W_out, b_out):
  grid = (N // _BM,)
  return pl.pallas_call(
      _tc3_body,
      grid=grid,
      in_specs=[
          pl.BlockSpec((_BM, 128), lambda i: (i, 0)),
          pl.BlockSpec((_BM, 128), lambda i: (i, 0)),
          pl.BlockSpec((_BM, 128), lambda i: (i, 0)),
          pl.BlockSpec((_BM, 1), lambda i: (i, 0)),
          pl.BlockSpec((1, 128), lambda i: (0, 0)),
          pl.BlockSpec((128, 1), lambda i: (0, 0)),
          pl.BlockSpec((1, 1), lambda i: (0, 0)),
      ],
      out_specs=pl.BlockSpec((_BM, 1), lambda i: (i, 0)),
      out_shape=jax.ShapeDtypeStruct((N, 1), jnp.float32),
  )(q2, a2a, a2b, deg2d, bc2.reshape(1, 128), W_out, b_out.reshape(1, 1))


def kernel(x, adj, edge_index, W_lin, b_lin, Ws1, Wn1, bc1, Ws2, Wn2, bc2,
           W_out, b_out):
  src = edge_index[0]
  dst = edge_index[1]
  pad = E_PAD - E
  src2d = jnp.concatenate([src, jnp.zeros((pad,), jnp.int32)]).reshape(
      NCH, CHUNK)
  dst2d = jnp.concatenate([dst, jnp.full((pad,), N, jnp.int32)]).reshape(
      NCH, CHUNK)
  src_cat = jnp.concatenate([src2d, src2d + N], axis=0)
  z2d_f32 = jnp.zeros((CHUNK, 128), jnp.float32)
  ones128 = jnp.ones((CHUNK, 128), jnp.float32)

  degf = _deg_kernel()(dst2d, ones128, z2d_f32)
  deg2d = degf[:N, 0:1] + degf[ACC_ROWS:ACC_ROWS + N, 0:1]

  q1, p1 = _tc1(x, W_lin, b_lin, Ws1, Wn1)
  table1 = jnp.concatenate([p1[:, :128], p1[:, 128:]], axis=0)
  a1f = _seg_sum(False)(src_cat, dst2d, table1, z2d_f32)
  a1a = a1f[:N]
  a1b = a1f[ACC_ROWS:ACC_ROWS + N]

  q2, p2 = _tc2(q1, a1a, a1b, deg2d, bc1, Ws2, Wn2)
  a2f = _seg_sum(True)(src2d, dst2d, p2, z2d_f32)
  a2a = a2f[:N]
  a2b = a2f[ACC_ROWS:ACC_ROWS + N]

  return _tc3(q2, a2a, a2b, deg2d, bc2, W_out, b_out)

# --- scband reference (transcript-rebuilt; emitter-appended) ---
"""Pipeline reference for scband-graph-sage-regression-87282325390051 (READ-ONLY COPY).

The authoritative reference and input builder live on the scoring server;
editing this copy changes nothing except your own understanding.
"""

import jax, jax.numpy as jnp
import numpy as np

N = 10000
E = 160000
D = 256   # nfeat
OF = 256  # outfeat
H1 = 256  # outd_1
H2 = 128  # outd_2
ALPHA = 0.2


def setup_inputs(seed: int = 0) -> dict:
    key = jax.random.key(seed)
    ks = jax.random.split(key, 16)
    x = jax.random.normal(ks[0], (N, D), dtype=jnp.float32)
    adj = jax.random.uniform(ks[1], (E,), dtype=jnp.float32)
    edge_index = jax.random.randint(ks[2], (2, E), 0, N, dtype=jnp.int32)
    # learned parameters
    W_lin = jax.random.normal(ks[3], (D, OF), dtype=jnp.float32) * (1.0 / np.sqrt(D))
    b_lin = jnp.zeros((OF,), dtype=jnp.float32)
    # SAGEConv 1 (mean aggregator): fc_self + fc_neigh + bias
    Ws1 = jax.random.normal(ks[4], (OF, H1), dtype=jnp.float32) * (1.0 / np.sqrt(OF))
    Wn1 = jax.random.normal(ks[5], (OF, H1), dtype=jnp.float32) * (1.0 / np.sqrt(OF))
    bc1 = jnp.zeros((H1,), dtype=jnp.float32)
    # SAGEConv 2
    Ws2 = jax.random.normal(ks[6], (H1, H2), dtype=jnp.float32) * (1.0 / np.sqrt(H1))
    Wn2 = jax.random.normal(ks[7], (H1, H2), dtype=jnp.float32) * (1.0 / np.sqrt(H1))
    bc2 = jnp.zeros((H2,), dtype=jnp.float32)
    # final regression head
    W_out = jax.random.normal(ks[8], (H2, 1), dtype=jnp.float32) * (1.0 / np.sqrt(H2))
    b_out = jnp.zeros((1,), dtype=jnp.float32)
    return {"x": x, "adj": adj, "edge_index": edge_index,
            "W_lin": W_lin, "b_lin": b_lin,
            "Ws1": Ws1, "Wn1": Wn1, "bc1": bc1,
            "Ws2": Ws2, "Wn2": Wn2, "bc2": bc2,
            "W_out": W_out, "b_out": b_out}


def _mean_agg(h, src, dst, n_nodes):
    deg = jax.ops.segment_sum(jnp.ones((src.shape[0],), jnp.float32), dst, num_segments=n_nodes)
    deg = jnp.clip(deg, 1.0, None)
    agg = jax.ops.segment_sum(h[src], dst, num_segments=n_nodes)
    return agg / deg[:, None]


def reference(x, adj, edge_index, W_lin, b_lin, Ws1, Wn1, bc1, Ws2, Wn2, bc2, W_out, b_out):
    # adj is accepted (matches torch forward signature) but unused, as in the original
    # code which passes a dgl graph object to the conv layers.
    src = edge_index[0]
    dst = edge_index[1]
    n_nodes = x.shape[0]
    # linear + leaky_relu(alpha=0.2)
    h = x @ W_lin + b_lin
    h = jnp.where(h > 0, h, ALPHA * h)
    # dropout is identity in eval mode
    # SAGEConv 1 (mean aggregator) + relu
    agg1 = _mean_agg(h, src, dst, n_nodes)
    h = jax.nn.relu(h @ Ws1 + agg1 @ Wn1 + bc1)
    # SAGEConv 2 (mean aggregator) + relu
    agg2 = _mean_agg(h, src, dst, n_nodes)
    h = jax.nn.relu(h @ Ws2 + agg2 @ Wn2 + bc2)
    # regression head
    out = h @ W_out + b_out
    return out

if __name__ == "__main__":
    import jax
    _d = setup_inputs()
    print(jax.jit(kernel)(*tuple(_d.values())))

</pallas_src>

<mosaic_0001>
#map = affine_map<(d0, d1) -> (0, 0)>
module attributes {stable_mosaic.version = 14 : i64} {
  func.func @body(%arg0: i32, %arg1: i32, %arg2: memref<1280x128xi32, #tpu.memory_space<hbm>>, %arg3: memref<1280x128xi32, #tpu.memory_space<hbm>>, %arg4: memref<10000x128xf32, #tpu.memory_space<hbm>>, %arg5: memref<128x128xf32, #tpu.memory_space<hbm>>, %arg6: memref<20480x128xf32, #tpu.memory_space<hbm>>, %arg7: memref<40x128xi32, #tpu.memory_space<vmem>>, %arg8: memref<40x128xi32, #tpu.memory_space<vmem>>, %arg9: memref<128x128xf32, #tpu.memory_space<vmem>>, %arg10: memref<128x128xf32, #tpu.memory_space<vmem>>, %arg11: memref<10240x128xf32, #tpu.memory_space<vmem_shared>>, %arg12: memref<!tpu.dma_semaphore, #tpu.memory_space<semaphore_mem>>, %arg13: memref<!tpu.dma_semaphore, #tpu.memory_space<semaphore_mem>>, %arg14: memref<!tpu.dma_semaphore, #tpu.memory_space<semaphore_mem>>, %arg15: memref<!tpu.dma_semaphore, #tpu.memory_space<semaphore_mem>>) attributes {dimension_semantics = [#tpu.dimension_semantics<core_parallel>, #tpu.dimension_semantics<subcore_parallel>], iteration_bounds = array<i64: 2, 16>, scalar_prefetch = 0 : i64, scratch_operands = 9 : i64, tpu.core_type = #tpu.core_type<sc_vector_subcore>, window_params = [{transform_indices = #map}, {transform_indices = #map}, {transform_indices = #map}, {transform_indices = #map}, {transform_indices = #map}]} {
    %mul3A = arith.constant 640 : i32
    %mul3A_0 = arith.muli %arg1, %mul3A : i32
    "tpu.region"() ({
      %run_scoped3A = tpu.sem_alloc : memref<!tpu.dma_semaphore, #tpu.memory_space<semaphore_mem>>
      tpu.enqueue_dma source(%arg5 : memref<128x128xf32, #tpu.memory_space<hbm>>) target(%arg9 : memref<128x128xf32, #tpu.memory_space<vmem>>) target_semaphore(%run_scoped3A : memref<!tpu.dma_semaphore, #tpu.memory_space<semaphore_mem>>)
      tpu.wait_dma2 semaphore(%run_scoped3A : memref<!tpu.dma_semaphore, #tpu.memory_space<semaphore_mem>>) src(%arg5 : memref<128x128xf32, #tpu.memory_space<hbm>>) dst(%arg9 : memref<128x128xf32, #tpu.memory_space<vmem>>)
      tpu.yield
    }) : () -> ()
    %add3A = arith.constant 0 : i32
    %add3A_1 = arith.addi %mul3A_0, %add3A : i32
    "tpu.region"() ({
      %run_scoped3A = tpu.sem_alloc : memref<!tpu.dma_semaphore, #tpu.memory_space<semaphore_mem>>
      %dma_start3A = arith.constant 0 : i32
      %dma_start3A_38 = tpu.memref_slice %arg11[%add3A_1, %dma_start3A] : memref<10240x128xf32, #tpu.memory_space<vmem_shared>> -> memref<128x128xf32, #tpu.memory_space<vmem_shared>>
      %dma_start3A_39 = arith.constant 0 : i32
      %dma_start3A_40 = tpu.memref_slice %arg11[%add3A_1, %dma_start3A_39] : memref<10240x128xf32, #tpu.memory_space<vmem_shared>> -> memref<128x128xf32, #tpu.memory_space<vmem_shared>>
      tpu.enqueue_dma source(%arg9 : memref<128x128xf32, #tpu.memory_space<vmem>>) target(%dma_start3A_40 : memref<128x128xf32, #tpu.memory_space<vmem_shared>>) target_semaphore(%run_scoped3A : memref<!tpu.dma_semaphore, #tpu.memory_space<semaphore_mem>>)
      %dma_wait3A = arith.constant 0 : i32
      %dma_wait3A_41 = tpu.memref_slice %arg11[%add3A_1, %dma_wait3A] : memref<10240x128xf32, #tpu.memory_space<vmem_shared>> -> memref<128x128xf32, #tpu.memory_space<vmem_shared>>
      %dma_wait3A_42 = arith.constant 0 : i32
      %dma_wait3A_43 = tpu.memref_slice %arg11[%add3A_1, %dma_wait3A_42] : memref<10240x128xf32, #tpu.memory_space<vmem_shared>> -> memref<128x128xf32, #tpu.memory_space<vmem_shared>>
      tpu.wait_dma2 semaphore(%run_scoped3A : memref<!tpu.dma_semaphore, #tpu.memory_space<semaphore_mem>>) src(%arg9 : memref<128x128xf32, #tpu.memory_space<vmem>>) dst(%dma_wait3A_43 : memref<128x128xf32, #tpu.memory_space<vmem_shared>>)
      tpu.yield
    }) : () -> ()
    %add3A_2 = arith.constant 128 : i32
    %add3A_3 = arith.addi %mul3A_0, %add3A_2 : i32
    "tpu.region"() ({
      %run_scoped3A = tpu.sem_alloc : memref<!tpu.dma_semaphore, #tpu.memory_space<semaphore_mem>>
      %dma_start3A = arith.constant 0 : i32
      %dma_start3A_38 = tpu.memref_slice %arg11[%add3A_3, %dma_start3A] : memref<10240x128xf32, #tpu.memory_space<vmem_shared>> -> memref<128x128xf32, #tpu.memory_space<vmem_shared>>
      %dma_start3A_39 = arith.constant 0 : i32
      %dma_start3A_40 = tpu.memref_slice %arg11[%add3A_3, %dma_start3A_39] : memref<10240x128xf32, #tpu.memory_space<vmem_shared>> -> memref<128x128xf32, #tpu.memory_space<vmem_shared>>
      tpu.enqueue_dma source(%arg9 : memref<128x128xf32, #tpu.memory_space<vmem>>) target(%dma_start3A_40 : memref<128x128xf32, #tpu.memory_space<vmem_shared>>) target_semaphore(%run_scoped3A : memref<!tpu.dma_semaphore, #tpu.memory_space<semaphore_mem>>)
      %dma_wait3A = arith.constant 0 : i32
      %dma_wait3A_41 = tpu.memref_slice %arg11[%add3A_3, %dma_wait3A] : memref<10240x128xf32, #tpu.memory_space<vmem_shared>> -> memref<128x128xf32, #tpu.memory_space<vmem_shared>>
      %dma_wait3A_42 = arith.constant 0 : i32
      %dma_wait3A_43 = tpu.memref_slice %arg11[%add3A_3, %dma_wait3A_42] : memref<10240x128xf32, #tpu.memory_space<vmem_shared>> -> memref<128x128xf32, #tpu.memory_space<vmem_shared>>
      tpu.wait_dma2 semaphore(%run_scoped3A : memref<!tpu.dma_semaphore, #tpu.memory_space<semaphore_mem>>) src(%arg9 : memref<128x128xf32, #tpu.memory_space<vmem>>) dst(%dma_wait3A_43 : memref<128x128xf32, #tpu.memory_space<vmem_shared>>)
      tpu.yield
    }) : () -> ()
    %add3A_4 = arith.constant 256 : i32
    %add3A_5 = arith.addi %mul3A_0, %add3A_4 : i32
    "tpu.region"() ({
      %run_scoped3A = tpu.sem_alloc : memref<!tpu.dma_semaphore, #tpu.memory_space<semaphore_mem>>
      %dma_start3A = arith.constant 0 : i32
      %dma_start3A_38 = tpu.memref_slice %arg11[%add3A_5, %dma_start3A] : memref<10240x128xf32, #tpu.memory_space<vmem_shared>> -> memref<128x128xf32, #tpu.memory_space<vmem_shared>>
      %dma_start3A_39 = arith.constant 0 : i32
      %dma_start3A_40 = tpu.memref_slice %arg11[%add3A_5, %dma_start3A_39] : memref<10240x128xf32, #tpu.memory_space<vmem_shared>> -> memref<128x128xf32, #tpu.memory_space<vmem_shared>>
      tpu.enqueue_dma source(%arg9 : memref<128x128xf32, #tpu.memory_space<vmem>>) target(%dma_start3A_40 : memref<128x128xf32, #tpu.memory_space<vmem_shared>>) target_semaphore(%run_scoped3A : memref<!tpu.dma_semaphore, #tpu.memory_space<semaphore_mem>>)
      %dma_wait3A = arith.constant 0 : i32
      %dma_wait3A_41 = tpu.memref_slice %arg11[%add3A_5, %dma_wait3A] : memref<10240x128xf32, #tpu.memory_space<vmem_shared>> -> memref<128x128xf32, #tpu.memory_space<vmem_shared>>
      %dma_wait3A_42 = arith.constant 0 : i32
      %dma_wait3A_43 = tpu.memref_slice %arg11[%add3A_5, %dma_wait3A_42] : memref<10240x128xf32, #tpu.memory_space<vmem_shared>> -> memref<128x128xf32, #tpu.memory_space<vmem_shared>>
      tpu.wait_dma2 semaphore(%run_scoped3A : memref<!tpu.dma_semaphore, #tpu.memory_space<semaphore_mem>>) src(%arg9 : memref<128x128xf32, #tpu.memory_space<vmem>>) dst(%dma_wait3A_43 : memref<128x128xf32, #tpu.memory_space<vmem_shared>>)
      tpu.yield
    }) : () -> ()
    %add3A_6 = arith.constant 384 : i32
    %add3A_7 = arith.addi %mul3A_0, %add3A_6 : i32
    "tpu.region"() ({
      %run_scoped3A = tpu.sem_alloc : memref<!tpu.dma_semaphore, #tpu.memory_space<semaphore_mem>>
      %dma_start3A = arith.constant 0 : i32
      %dma_start3A_38 = tpu.memref_slice %arg11[%add3A_7, %dma_start3A] : memref<10240x128xf32, #tpu.memory_space<vmem_shared>> -> memref<128x128xf32, #tpu.memory_space<vmem_shared>>
      %dma_start3A_39 = arith.constant 0 : i32
      %dma_start3A_40 = tpu.memref_slice %arg11[%add3A_7, %dma_start3A_39] : memref<10240x128xf32, #tpu.memory_space<vmem_shared>> -> memref<128x128xf32, #tpu.memory_space<vmem_shared>>
      tpu.enqueue_dma source(%arg9 : memref<128x128xf32, #tpu.memory_space<vmem>>) target(%dma_start3A_40 : memref<128x128xf32, #tpu.memory_space<vmem_shared>>) target_semaphore(%run_scoped3A : memref<!tpu.dma_semaphore, #tpu.memory_space<semaphore_mem>>)
      %dma_wait3A = arith.constant 0 : i32
      %dma_wait3A_41 = tpu.memref_slice %arg11[%add3A_7, %dma_wait3A] : memref<10240x128xf32, #tpu.memory_space<vmem_shared>> -> memref<128x128xf32, #tpu.memory_space<vmem_shared>>
      %dma_wait3A_42 = arith.constant 0 : i32
      %dma_wait3A_43 = tpu.memref_slice %arg11[%add3A_7, %dma_wait3A_42] : memref<10240x128xf32, #tpu.memory_space<vmem_shared>> -> memref<128x128xf32, #tpu.memory_space<vmem_shared>>
      tpu.wait_dma2 semaphore(%run_scoped3A : memref<!tpu.dma_semaphore, #tpu.memory_space<semaphore_mem>>) src(%arg9 : memref<128x128xf32, #tpu.memory_space<vmem>>) dst(%dma_wait3A_43 : memref<128x128xf32, #tpu.memory_space<vmem_shared>>)
      tpu.yield
    }) : () -> ()
    %add3A_8 = arith.constant 512 : i32
    %add3A_9 = arith.addi %mul3A_0, %add3A_8 : i32
    "tpu.region"() ({
      %run_scoped3A = tpu.sem_alloc : memref<!tpu.dma_semaphore, #tpu.memory_space<semaphore_mem>>
      %dma_start3A = arith.constant 0 : i32
      %dma_start3A_38 = tpu.memref_slice %arg11[%add3A_9, %dma_start3A] : memref<10240x128xf32, #tpu.memory_space<vmem_shared>> -> memref<128x128xf32, #tpu.memory_space<vmem_shared>>
      %dma_start3A_39 = arith.constant 0 : i32
      %dma_start3A_40 = tpu.memref_slice %arg11[%add3A_9, %dma_start3A_39] : memref<10240x128xf32, #tpu.memory_space<vmem_shared>> -> memref<128x128xf32, #tpu.memory_space<vmem_shared>>
      tpu.enqueue_dma source(%arg9 : memref<128x128xf32, #tpu.memory_space<vmem>>) target(%dma_start3A_40 : memref<128x128xf32, #tpu.memory_space<vmem_shared>>) target_semaphore(%run_scoped3A : memref<!tpu.dma_semaphore, #tpu.memory_space<semaphore_mem>>)
      %dma_wait3A = arith.constant 0 : i32
      %dma_wait3A_41 = tpu.memref_slice %arg11[%add3A_9, %dma_wait3A] : memref<10240x128xf32, #tpu.memory_space<vmem_shared>> -> memref<128x128xf32, #tpu.memory_space<vmem_shared>>
      %dma_wait3A_42 = arith.constant 0 : i32
      %dma_wait3A_43 = tpu.memref_slice %arg11[%add3A_9, %dma_wait3A_42] : memref<10240x128xf32, #tpu.memory_space<vmem_shared>> -> memref<128x128xf32, #tpu.memory_space<vmem_shared>>
      tpu.wait_dma2 semaphore(%run_scoped3A : memref<!tpu.dma_semaphore, #tpu.memory_space<semaphore_mem>>) src(%arg9 : memref<128x128xf32, #tpu.memory_space<vmem>>) dst(%dma_wait3A_43 : memref<128x128xf32, #tpu.memory_space<vmem_shared>>)
      tpu.yield
    }) : () -> ()
    %barrier3A = arith.constant 0 : index
    tpu.barrier barrier_id(%barrier3A)
    %mul3A_10 = arith.constant 16 : i32
    %mul3A_11 = arith.muli %arg0, %mul3A_10 : i32
    %add3A_12 = arith.addi %mul3A_11, %arg1 : i32
    %mul3A_13 = arith.constant 40 : i32
    %mul3A_14 = arith.muli %add3A_12, %mul3A_13 : i32
    "tpu.region"() ({
      %run_scoped3A = tpu.sem_alloc : memref<!tpu.dma_semaphore, #tpu.memory_space<semaphore_mem>>
      %dma_start3A = arith.constant 0 : i32
      %dma_start3A_38 = tpu.memref_slice %arg2[%mul3A_14, %dma_start3A] : memref<1280x128xi32, #tpu.memory_space<hbm>> -> memref<40x128xi32, #tpu.memory_space<hbm>>
      %dma_start3A_39 = arith.constant 0 : i32
      %dma_start3A_40 = tpu.memref_slice %arg2[%mul3A_14, %dma_start3A_39] : memref<1280x128xi32, #tpu.memory_space<hbm>> -> memref<40x128xi32, #tpu.memory_space<hbm>>
      tpu.enqueue_dma source(%dma_start3A_40 : memref<40x128xi32, #tpu.memory_space<hbm>>) target(%arg7 : memref<40x128xi32, #tpu.memory_space<vmem>>) target_semaphore(%run_scoped3A : memref<!tpu.dma_semaphore, #tpu.memory_space<semaphore_mem>>)
      %dma_wait3A = arith.constant 0 : i32
      %dma_wait3A_41 = tpu.memref_slice %arg2[%mul3A_14, %dma_wait3A] : memref<1280x128xi32, #tpu.memory_space<hbm>> -> memref<40x128xi32, #tpu.memory_space<hbm>>
      %dma_wait3A_42 = arith.constant 0 : i32
      %dma_wait3A_43 = tpu.memref_slice %arg2[%mul3A_14, %dma_wait3A_42] : memref<1280x128xi32, #tpu.memory_space<hbm>> -> memref<40x128xi32, #tpu.memory_space<hbm>>
      tpu.wait_dma2 semaphore(%run_scoped3A : memref<!tpu.dma_semaphore, #tpu.memory_space<semaphore_mem>>) src(%dma_wait3A_43 : memref<40x128xi32, #tpu.memory_space<hbm>>) dst(%arg7 : memref<40x128xi32, #tpu.memory_space<vmem>>)
      tpu.yield
    }) : () -> ()
    "tpu.region"() ({
      %run_scoped3A = tpu.sem_alloc : memref<!tpu.dma_semaphore, #tpu.memory_space<semaphore_mem>>
      %dma_start3A = arith.constant 0 : i32
      %dma_start3A_38 = tpu.memref_slice %arg3[%mul3A_14, %dma_start3A] : memref<1280x128xi32, #tpu.memory_space<hbm>> -> memref<40x128xi32, #tpu.memory_space<hbm>>
      %dma_start3A_39 = arith.constant 0 : i32
      %dma_start3A_40 = tpu.memref_slice %arg3[%mul3A_14, %dma_start3A_39] : memref<1280x128xi32, #tpu.memory_space<hbm>> -> memref<40x128xi32, #tpu.memory_space<hbm>>
      tpu.enqueue_dma source(%dma_start3A_40 : memref<40x128xi32, #tpu.memory_space<hbm>>) target(%arg8 : memref<40x128xi32, #tpu.memory_space<vmem>>) target_semaphore(%run_scoped3A : memref<!tpu.dma_semaphore, #tpu.memory_space<semaphore_mem>>)
      %dma_wait3A = arith.constant 0 : i32
      %dma_wait3A_41 = tpu.memref_slice %arg3[%mul3A_14, %dma_wait3A] : memref<1280x128xi32, #tpu.memory_space<hbm>> -> memref<40x128xi32, #tpu.memory_space<hbm>>
      %dma_wait3A_42 = arith.constant 0 : i32
      %dma_wait3A_43 = tpu.memref_slice %arg3[%mul3A_14, %dma_wait3A_42] : memref<1280x128xi32, #tpu.memory_space<hbm>> -> memref<40x128xi32, #tpu.memory_space<hbm>>
      tpu.wait_dma2 semaphore(%run_scoped3A : memref<!tpu.dma_semaphore, #tpu.memory_space<semaphore_mem>>) src(%dma_wait3A_43 : memref<40x128xi32, #tpu.memory_space<hbm>>) dst(%arg8 : memref<40x128xi32, #tpu.memory_space<vmem>>)
      tpu.yield
    }) : () -> ()
    %scan3A = arith.constant 0 : i32
    %scan3A_15 = arith.constant 0 : i32
    %scan3A_16 = arith.constant 20 : i32
    %scan3A_17 = arith.addi %scan3A_15, %scan3A_16 : i32
    %scan3A_18 = arith.constant 1 : i32
    scf.for %scan3A_38 = %scan3A_15 to %scan3A_17 step %scan3A_18  : i32 {
      %mul3A_39 = arith.constant 2 : i32
      %mul3A_40 = arith.muli %mul3A_39, %scan3A_38 : i32
      %add3A_41 = arith.constant 0 : i32
      %add3A_42 = arith.addi %mul3A_40, %add3A_41 : i32
      %gt3A = arith.constant 1 : i32
      %gt3A_43 = arith.cmpi sgt, %add3A_42, %gt3A : i32
      %convert_element_type3A = arith.extui %gt3A_43 : i1 to i32
      %cond3A = arith.constant 0 : i32
      %cond3A_44 = arith.cmpi ne, %convert_element_type3A, %cond3A : i32
      scf.if %cond3A_44 {
        tpu.wait_dma2 semaphore(%arg14 : memref<!tpu.dma_semaphore, #tpu.memory_space<semaphore_mem>>) src(%arg5 : memref<128x128xf32, #tpu.memory_space<hbm>>) dst(%arg9 : memref<128x128xf32, #tpu.memory_space<vmem>>)
      } else {
      }
      %dma_start3A = arith.constant 0 : i32
      %dma_start3A_45 = tpu.memref_slice %arg7[%add3A_42, %dma_start3A] : memref<40x128xi32, #tpu.memory_space<vmem>> -> memref<1x128xi32, #tpu.memory_space<vmem>>
      %dma_start3A_46 = tpu.memref_squeeze %dma_start3A_45 : memref<1x128xi32, #tpu.memory_space<vmem>> -> memref<128xi32, #tpu.memory_space<vmem>>
      %dma_start3A_47 = arith.constant 0 : i32
      %dma_start3A_48 = arith.constant 0 : i32
      %dma_start3A_49 = tpu.memref_slice %arg4[%dma_start3A_47, %dma_start3A_48] : memref<10000x128xf32, #tpu.memory_space<hbm>> -> memref<10000x128xf32, #tpu.memory_space<hbm>>
      tpu.enqueue_indirect_dma source(%dma_start3A_49 : memref<10000x128xf32, #tpu.memory_space<hbm>>) target(%arg9 : memref<128x128xf32, #tpu.memory_space<vmem>>) offsets(%dma_start3A_46 : memref<128xi32, #tpu.memory_space<vmem>>) semaphore(%arg12 : memref<!tpu.dma_semaphore, #tpu.memory_space<semaphore_mem>>)
      %dma_wait3A = arith.constant 0 : i32
      %dma_wait3A_50 = tpu.memref_slice %arg7[%add3A_42, %dma_wait3A] : memref<40x128xi32, #tpu.memory_space<vmem>> -> memref<1x128xi32, #tpu.memory_space<vmem>>
      %dma_wait3A_51 = tpu.memref_squeeze %dma_wait3A_50 : memref<1x128xi32, #tpu.memory_space<vmem>> -> memref<128xi32, #tpu.memory_space<vmem>>
      %dma_wait3A_52 = arith.constant 0 : i32
      %dma_wait3A_53 = arith.constant 0 : i32
      %dma_wait3A_54 = tpu.memref_slice %arg4[%dma_wait3A_52, %dma_wait3A_53] : memref<10000x128xf32, #tpu.memory_space<hbm>> -> memref<10000x128xf32, #tpu.memory_space<hbm>>
      tpu.wait_indirect_dma semaphore(%arg12 : memref<!tpu.dma_semaphore, #tpu.memory_space<semaphore_mem>>) src(%dma_wait3A_54 : memref<10000x128xf32, #tpu.memory_space<hbm>>) dst(%arg9 : memref<128x128xf32, #tpu.memory_space<vmem>>)
      %dma_start3A_55 = arith.constant 0 : i32
      %dma_start3A_56 = tpu.memref_slice %arg8[%add3A_42, %dma_start3A_55] : memref<40x128xi32, #tpu.memory_space<vmem>> -> memref<1x128xi32, #tpu.memory_space<vmem>>
      %dma_start3A_57 = tpu.memref_squeeze %dma_start3A_56 : memref<1x128xi32, #tpu.memory_space<vmem>> -> memref<128xi32, #tpu.memory_space<vmem>>
      %dma_start3A_58 = arith.constant 0 : i32
      %dma_start3A_59 = arith.constant 0 : i32
      %dma_start3A_60 = tpu.memref_slice %arg11[%dma_start3A_58, %dma_start3A_59] : memref<10240x128xf32, #tpu.memory_space<vmem_shared>> -> memref<10240x128xf32, #tpu.memory_space<vmem_shared>>
      tpu.enqueue_indirect_dma source(%arg9 : memref<128x128xf32, #tpu.memory_space<vmem>>) target(%dma_start3A_60 : memref<10240x128xf32, #tpu.memory_space<vmem_shared>>) offsets(%dma_start3A_57 : memref<128xi32, #tpu.memory_space<vmem>>) semaphore(%arg14 : memref<!tpu.dma_semaphore, #tpu.memory_space<semaphore_mem>>) {add = true}
      %mul3A_61 = arith.constant 2 : i32
      %mul3A_62 = arith.muli %mul3A_61, %scan3A_38 : i32
      %add3A_63 = arith.constant 1 : i32
      %add3A_64 = arith.addi %mul3A_62, %add3A_63 : i32
      %gt3A_65 = arith.constant 1 : i32
      %gt3A_66 = arith.cmpi sgt, %add3A_64, %gt3A_65 : i32
      %convert_element_type3A_67 = arith.extui %gt3A_66 : i1 to i32
      %cond3A_68 = arith.constant 0 : i32
      %cond3A_69 = arith.cmpi ne, %convert_element_type3A_67, %cond3A_68 : i32
      scf.if %cond3A_69 {
        tpu.wait_dma2 semaphore(%arg15 : memref<!tpu.dma_semaphore, #tpu.memory_space<semaphore_mem>>) src(%arg5 : memref<128x128xf32, #tpu.memory_space<hbm>>) dst(%arg10 : memref<128x128xf32, #tpu.memory_space<vmem>>)
      } else {
      }
      %dma_start3A_70 = arith.constant 0 : i32
      %dma_start3A_71 = tpu.memref_slice %arg7[%add3A_64, %dma_start3A_70] : memref<40x128xi32, #tpu.memory_space<vmem>> -> memref<1x128xi32, #tpu.memory_space<vmem>>
      %dma_start3A_72 = tpu.memref_squeeze %dma_start3A_71 : memref<1x128xi32, #tpu.memory_space<vmem>> -> memref<128xi32, #tpu.memory_space<vmem>>
      %dma_start3A_73 = arith.constant 0 : i32
      %dma_start3A_74 = arith.constant 0 : i32
      %dma_start3A_75 = tpu.memref_slice %arg4[%dma_start3A_73, %dma_start3A_74] : memref<10000x128xf32, #tpu.memory_space<hbm>> -> memref<10000x128xf32, #tpu.memory_space<hbm>>
      tpu.enqueue_indirect_dma source(%dma_start3A_75 : memref<10000x128xf32, #tpu.memory_space<hbm>>) target(%arg10 : memref<128x128xf32, #tpu.memory_space<vmem>>) offsets(%dma_start3A_72 : memref<128xi32, #tpu.memory_space<vmem>>) semaphore(%arg13 : memref<!tpu.dma_semaphore, #tpu.memory_space<semaphore_mem>>)
      %dma_wait3A_76 = arith.constant 0 : i32
      %dma_wait3A_77 = tpu.memref_slice %arg7[%add3A_64, %dma_wait3A_76] : memref<40x128xi32, #tpu.memory_space<vmem>> -> memref<1x128xi32, #tpu.memory_space<vmem>>
      %dma_wait3A_78 = tpu.memref_squeeze %dma_wait3A_77 : memref<1x128xi32, #tpu.memory_space<vmem>> -> memref<128xi32, #tpu.memory_space<vmem>>
      %dma_wait3A_79 = arith.constant 0 : i32
      %dma_wait3A_80 = arith.constant 0 : i32
      %dma_wait3A_81 = tpu.memref_slice %arg4[%dma_wait3A_79, %dma_wait3A_80] : memref<10000x128xf32, #tpu.memory_space<hbm>> -> memref<10000x128xf32, #tpu.memory_space<hbm>>
      tpu.wait_indirect_dma semaphore(%arg13 : memref<!tpu.dma_semaphore, #tpu.memory_space<semaphore_mem>>) src(%dma_wait3A_81 : memref<10000x128xf32, #tpu.memory_space<hbm>>) dst(%arg10 : memref<128x128xf32, #tpu.memory_space<vmem>>)
      %dma_start3A_82 = arith.constant 0 : i32
      %dma_start3A_83 = tpu.memref_slice %arg8[%add3A_64, %dma_start3A_82] : memref<40x128xi32, #tpu.memory_space<vmem>> -> memref<1x128xi32, #tpu.memory_space<vmem>>
      %dma_start3A_84 = tpu.memref_squeeze %dma_start3A_83 : memref<1x128xi32, #tpu.memory_space<vmem>> -> memref<128xi32, #tpu.memory_space<vmem>>
      %dma_start3A_85 = arith.constant 0 : i32
      %dma_start3A_86 = arith.constant 0 : i32
      %dma_start3A_87 = tpu.memref_slice %arg11[%dma_start3A_85, %dma_start3A_86] : memref<10240x128xf32, #tpu.memory_space<vmem_shared>> -> memref<10240x128xf32, #tpu.memory_space<vmem_shared>>
      tpu.enqueue_indirect_dma source(%arg10 : memref<128x128xf32, #tpu.memory_space<vmem>>) target(%dma_start3A_87 : memref<10240x128xf32, #tpu.memory_space<vmem_shared>>) offsets(%dma_start3A_84 : memref<128xi32, #tpu.memory_space<vmem>>) semaphore(%arg15 : memref<!tpu.dma_semaphore, #tpu.memory_space<semaphore_mem>>) {add = true}
    }
    %scan3A_19 = arith.constant 20 : i32
    tpu.wait_dma2 semaphore(%arg14 : memref<!tpu.dma_semaphore, #tpu.memory_space<semaphore_mem>>) src(%arg5 : memref<128x128xf32, #tpu.memory_space<hbm>>) dst(%arg9 : memref<128x128xf32, #tpu.memory_space<vmem>>)
    tpu.wait_dma2 semaphore(%arg15 : memref<!tpu.dma_semaphore, #tpu.memory_space<semaphore_mem>>) src(%arg5 : memref<128x128xf32, #tpu.memory_space<hbm>>) dst(%arg10 : memref<128x128xf32, #tpu.memory_space<vmem>>)
    %barrier3A_20 = arith.constant 0 : index
    tpu.barrier barrier_id(%barrier3A_20)
    %mul3A_21 = arith.constant 10240 : i32
    %mul3A_22 = arith.muli %arg0, %mul3A_21 : i32
    %add3A_23 = arith.constant 0 : i32
    %add3A_24 = arith.addi %mul3A_0, %add3A_23 : i32
    "tpu.region"() ({
      %run_scoped3A = tpu.sem_alloc : memref<!tpu.dma_semaphore, #tpu.memory_space<semaphore_mem>>
      %dma_start3A = arith.constant 0 : i32
      %dma_start3A_38 = tpu.memref_slice %arg11[%add3A_24, %dma_start3A] : memref<10240x128xf32, #tpu.memory_space<vmem_shared>> -> memref<128x128xf32, #tpu.memory_space<vmem_shared>>
      %dma_start3A_39 = arith.constant 0 : i32
      %dma_start3A_40 = tpu.memref_slice %arg11[%add3A_24, %dma_start3A_39] : memref<10240x128xf32, #tpu.memory_space<vmem_shared>> -> memref<128x128xf32, #tpu.memory_space<vmem_shared>>
      tpu.enqueue_dma source(%dma_start3A_40 : memref<128x128xf32, #tpu.memory_space<vmem_shared>>) target(%arg9 : memref<128x128xf32, #tpu.memory_space<vmem>>) target_semaphore(%run_scoped3A : memref<!tpu.dma_semaphore, #tpu.memory_space<semaphore_mem>>)
      %dma_wait3A = arith.constant 0 : i32
      %dma_wait3A_41 = tpu.memref_slice %arg11[%add3A_24, %dma_wait3A] : memref<10240x128xf32, #tpu.memory_space<vmem_shared>> -> memref<128x128xf32, #tpu.memory_space<vmem_shared>>
      %dma_wait3A_42 = arith.constant 0 : i32
      %dma_wait3A_43 = tpu.memref_slice %arg11[%add3A_24, %dma_wait3A_42] : memref<10240x128xf32, #tpu.memory_space<vmem_shared>> -> memref<128x128xf32, #tpu.memory_space<vmem_shared>>
      tpu.wait_dma2 semaphore(%run_scoped3A : memref<!tpu.dma_semaphore, #tpu.memory_space<semaphore_mem>>) src(%dma_wait3A_43 : memref<128x128xf32, #tpu.memory_space<vmem_shared>>) dst(%arg9 : memref<128x128xf32, #tpu.memory_space<vmem>>)
      tpu.yield
    }) : () -> ()
    %add3A_25 = arith.addi %mul3A_22, %add3A_24 : i32
    "tpu.region"() ({
      %run_scoped3A = tpu.sem_alloc : memref<!tpu.dma_semaphore, #tpu.memory_space<semaphore_mem>>
      %dma_start3A = arith.constant 0 : i32
      %dma_start3A_38 = tpu.memref_slice %arg6[%add3A_25, %dma_start3A] : memref<20480x128xf32, #tpu.memory_space<hbm>> -> memref<128x128xf32, #tpu.memory_space<hbm>>
      %dma_start3A_39 = arith.constant 0 : i32
      %dma_start3A_40 = tpu.memref_slice %arg6[%add3A_25, %dma_start3A_39] : memref<20480x128xf32, #tpu.memory_space<hbm>> -> memref<128x128xf32, #tpu.memory_space<hbm>>
      tpu.enqueue_dma source(%arg9 : memref<128x128xf32, #tpu.memory_space<vmem>>) target(%dma_start3A_40 : memref<128x128xf32, #tpu.memory_space<hbm>>) target_semaphore(%run_scoped3A : memref<!tpu.dma_semaphore, #tpu.memory_space<semaphore_mem>>)
      %dma_wait3A = arith.constant 0 : i32
      %dma_wait3A_41 = tpu.memref_slice %arg6[%add3A_25, %dma_wait3A] : memref<20480x128xf32, #tpu.memory_space<hbm>> -> memref<128x128xf32, #tpu.memory_space<hbm>>
      %dma_wait3A_42 = arith.constant 0 : i32
      %dma_wait3A_43 = tpu.memref_slice %arg6[%add3A_25, %dma_wait3A_42] : memref<20480x128xf32, #tpu.memory_space<hbm>> -> memref<128x128xf32, #tpu.memory_space<hbm>>
      tpu.wait_dma2 semaphore(%run_scoped3A : memref<!tpu.dma_semaphore, #tpu.memory_space<semaphore_mem>>) src(%arg9 : memref<128x128xf32, #tpu.memory_space<vmem>>) dst(%dma_wait3A_43 : memref<128x128xf32, #tpu.memory_space<hbm>>)
      tpu.yield
    }) : () -> ()
    %add3A_26 = arith.constant 128 : i32
    %add3A_27 = arith.addi %mul3A_0, %add3A_26 : i32
    "tpu.region"() ({
      %run_scoped3A = tpu.sem_alloc : memref<!tpu.dma_semaphore, #tpu.memory_space<semaphore_mem>>
      %dma_start3A = arith.constant 0 : i32
      %dma_start3A_38 = tpu.memref_slice %arg11[%add3A_27, %dma_start3A] : memref<10240x128xf32, #tpu.memory_space<vmem_shared>> -> memref<128x128xf32, #tpu.memory_space<vmem_shared>>
      %dma_start3A_39 = arith.constant 0 : i32
      %dma_start3A_40 = tpu.memref_slice %arg11[%add3A_27, %dma_start3A_39] : memref<10240x128xf32, #tpu.memory_space<vmem_shared>> -> memref<128x128xf32, #tpu.memory_space<vmem_shared>>
      tpu.enqueue_dma source(%dma_start3A_40 : memref<128x128xf32, #tpu.memory_space<vmem_shared>>) target(%arg10 : memref<128x128xf32, #tpu.memory_space<vmem>>) target_semaphore(%run_scoped3A : memref<!tpu.dma_semaphore, #tpu.memory_space<semaphore_mem>>)
      %dma_wait3A = arith.constant 0 : i32
      %dma_wait3A_41 = tpu.memref_slice %arg11[%add3A_27, %dma_wait3A] : memref<10240x128xf32, #tpu.memory_space<vmem_shared>> -> memref<128x128xf32, #tpu.memory_space<vmem_shared>>
      %dma_wait3A_42 = arith.constant 0 : i32
      %dma_wait3A_43 = tpu.memref_slice %arg11[%add3A_27, %dma_wait3A_42] : memref<10240x128xf32, #tpu.memory_space<vmem_shared>> -> memref<128x128xf32, #tpu.memory_space<vmem_shared>>
      tpu.wait_dma2 semaphore(%run_scoped3A : memref<!tpu.dma_semaphore, #tpu.memory_space<semaphore_mem>>) src(%dma_wait3A_43 : memref<128x128xf32, #tpu.memory_space<vmem_shared>>) dst(%arg10 : memref<128x128xf32, #tpu.memory_space<vmem>>)
      tpu.yield
    }) : () -> ()
    %add3A_28 = arith.addi %mul3A_22, %add3A_27 : i32
    "tpu.region"() ({
      %run_scoped3A = tpu.sem_alloc : memref<!tpu.dma_semaphore, #tpu.memory_space<semaphore_mem>>
      %dma_start3A = arith.constant 0 : i32
      %dma_start3A_38 = tpu.memref_slice %arg6[%add3A_28, %dma_start3A] : memref<20480x128xf32, #tpu.memory_space<hbm>> -> memref<128x128xf32, #tpu.memory_space<hbm>>
      %dma_start3A_39 = arith.constant 0 : i32
      %dma_start3A_40 = tpu.memref_slice %arg6[%add3A_28, %dma_start3A_39] : memref<20480x128xf32, #tpu.memory_space<hbm>> -> memref<128x128xf32, #tpu.memory_space<hbm>>
      tpu.enqueue_dma source(%arg10 : memref<128x128xf32, #tpu.memory_space<vmem>>) target(%dma_start3A_40 : memref<128x128xf32, #tpu.memory_space<hbm>>) target_semaphore(%run_scoped3A : memref<!tpu.dma_semaphore, #tpu.memory_space<semaphore_mem>>)
      %dma_wait3A = arith.constant 0 : i32
      %dma_wait3A_41 = tpu.memref_slice %arg6[%add3A_28, %dma_wait3A] : memref<20480x128xf32, #tpu.memory_space<hbm>> -> memref<128x128xf32, #tpu.memory_space<hbm>>
      %dma_wait3A_42 = arith.constant 0 : i32
      %dma_wait3A_43 = tpu.memref_slice %arg6[%add3A_28, %dma_wait3A_42] : memref<20480x128xf32, #tpu.memory_space<hbm>> -> memref<128x128xf32, #tpu.memory_space<hbm>>
      tpu.wait_dma2 semaphore(%run_scoped3A : memref<!tpu.dma_semaphore, #tpu.memory_space<semaphore_mem>>) src(%arg10 : memref<128x128xf32, #tpu.memory_space<vmem>>) dst(%dma_wait3A_43 : memref<128x128xf32, #tpu.memory_space<hbm>>)
      tpu.yield
    }) : () -> ()
    %add3A_29 = arith.constant 256 : i32
    %add3A_30 = arith.addi %mul3A_0, %add3A_29 : i32
    "tpu.region"() ({
      %run_scoped3A = tpu.sem_alloc : memref<!tpu.dma_semaphore, #tpu.memory_space<semaphore_mem>>
      %dma_start3A = arith.constant 0 : i32
      %dma_start3A_38 = tpu.memref_slice %arg11[%add3A_30, %dma_start3A] : memref<10240x128xf32, #tpu.memory_space<vmem_shared>> -> memref<128x128xf32, #tpu.memory_space<vmem_shared>>
      %dma_start3A_39 = arith.constant 0 : i32
      %dma_start3A_40 = tpu.memref_slice %arg11[%add3A_30, %dma_start3A_39] : memref<10240x128xf32, #tpu.memory_space<vmem_shared>> -> memref<128x128xf32, #tpu.memory_space<vmem_shared>>
      tpu.enqueue_dma source(%dma_start3A_40 : memref<128x128xf32, #tpu.memory_space<vmem_shared>>) target(%arg9 : memref<128x128xf32, #tpu.memory_space<vmem>>) target_semaphore(%run_scoped3A : memref<!tpu.dma_semaphore, #tpu.memory_space<semaphore_mem>>)
      %dma_wait3A = arith.constant 0 : i32
      %dma_wait3A_41 = tpu.memref_slice %arg11[%add3A_30, %dma_wait3A] : memref<10240x128xf32, #tpu.memory_space<vmem_shared>> -> memref<128x128xf32, #tpu.memory_space<vmem_shared>>
      %dma_wait3A_42 = arith.constant 0 : i32
      %dma_wait3A_43 = tpu.memref_slice %arg11[%add3A_30, %dma_wait3A_42] : memref<10240x128xf32, #tpu.memory_space<vmem_shared>> -> memref<128x128xf32, #tpu.memory_space<vmem_shared>>
      tpu.wait_dma2 semaphore(%run_scoped3A : memref<!tpu.dma_semaphore, #tpu.memory_space<semaphore_mem>>) src(%dma_wait3A_43 : memref<128x128xf32, #tpu.memory_space<vmem_shared>>) dst(%arg9 : memref<128x128xf32, #tpu.memory_space<vmem>>)
      tpu.yield
    }) : () -> ()
    %add3A_31 = arith.addi %mul3A_22, %add3A_30 : i32
    "tpu.region"() ({
      %run_scoped3A = tpu.sem_alloc : memref<!tpu.dma_semaphore, #tpu.memory_space<semaphore_mem>>
      %dma_start3A = arith.constant 0 : i32
      %dma_start3A_38 = tpu.memref_slice %arg6[%add3A_31, %dma_start3A] : memref<20480x128xf32, #tpu.memory_space<hbm>> -> memref<128x128xf32, #tpu.memory_space<hbm>>
      %dma_start3A_39 = arith.constant 0 : i32
      %dma_start3A_40 = tpu.memref_slice %arg6[%add3A_31, %dma_start3A_39] : memref<20480x128xf32, #tpu.memory_space<hbm>> -> memref<128x128xf32, #tpu.memory_space<hbm>>
      tpu.enqueue_dma source(%arg9 : memref<128x128xf32, #tpu.memory_space<vmem>>) target(%dma_start3A_40 : memref<128x128xf32, #tpu.memory_space<hbm>>) target_semaphore(%run_scoped3A : memref<!tpu.dma_semaphore, #tpu.memory_space<semaphore_mem>>)
      %dma_wait3A = arith.constant 0 : i32
      %dma_wait3A_41 = tpu.memref_slice %arg6[%add3A_31, %dma_wait3A] : memref<20480x128xf32, #tpu.memory_space<hbm>> -> memref<128x128xf32, #tpu.memory_space<hbm>>
      %dma_wait3A_42 = arith.constant 0 : i32
      %dma_wait3A_43 = tpu.memref_slice %arg6[%add3A_31, %dma_wait3A_42] : memref<20480x128xf32, #tpu.memory_space<hbm>> -> memref<128x128xf32, #tpu.memory_space<hbm>>
      tpu.wait_dma2 semaphore(%run_scoped3A : memref<!tpu.dma_semaphore, #tpu.memory_space<semaphore_mem>>) src(%arg9 : memref<128x128xf32, #tpu.memory_space<vmem>>) dst(%dma_wait3A_43 : memref<128x128xf32, #tpu.memory_space<hbm>>)
      tpu.yield
    }) : () -> ()
    %add3A_32 = arith.constant 384 : i32
    %add3A_33 = arith.addi %mul3A_0, %add3A_32 : i32
    "tpu.region"() ({
      %run_scoped3A = tpu.sem_alloc : memref<!tpu.dma_semaphore, #tpu.memory_space<semaphore_mem>>
      %dma_start3A = arith.constant 0 : i32
      %dma_start3A_38 = tpu.memref_slice %arg11[%add3A_33, %dma_start3A] : memref<10240x128xf32, #tpu.memory_space<vmem_shared>> -> memref<128x128xf32, #tpu.memory_space<vmem_shared>>
      %dma_start3A_39 = arith.constant 0 : i32
      %dma_start3A_40 = tpu.memref_slice %arg11[%add3A_33, %dma_start3A_39] : memref<10240x128xf32, #tpu.memory_space<vmem_shared>> -> memref<128x128xf32, #tpu.memory_space<vmem_shared>>
      tpu.enqueue_dma source(%dma_start3A_40 : memref<128x128xf32, #tpu.memory_space<vmem_shared>>) target(%arg10 : memref<128x128xf32, #tpu.memory_space<vmem>>) target_semaphore(%run_scoped3A : memref<!tpu.dma_semaphore, #tpu.memory_space<semaphore_mem>>)
      %dma_wait3A = arith.constant 0 : i32
      %dma_wait3A_41 = tpu.memref_slice %arg11[%add3A_33, %dma_wait3A] : memref<10240x128xf32, #tpu.memory_space<vmem_shared>> -> memref<128x128xf32, #tpu.memory_space<vmem_shared>>
      %dma_wait3A_42 = arith.constant 0 : i32
      %dma_wait3A_43 = tpu.memref_slice %arg11[%add3A_33, %dma_wait3A_42] : memref<10240x128xf32, #tpu.memory_space<vmem_shared>> -> memref<128x128xf32, #tpu.memory_space<vmem_shared>>
      tpu.wait_dma2 semaphore(%run_scoped3A : memref<!tpu.dma_semaphore, #tpu.memory_space<semaphore_mem>>) src(%dma_wait3A_43 : memref<128x128xf32, #tpu.memory_space<vmem_shared>>) dst(%arg10 : memref<128x128xf32, #tpu.memory_space<vmem>>)
      tpu.yield
    }) : () -> ()
    %add3A_34 = arith.addi %mul3A_22, %add3A_33 : i32
    "tpu.region"() ({
      %run_scoped3A = tpu.sem_alloc : memref<!tpu.dma_semaphore, #tpu.memory_space<semaphore_mem>>
      %dma_start3A = arith.constant 0 : i32
      %dma_start3A_38 = tpu.memref_slice %arg6[%add3A_34, %dma_start3A] : memref<20480x128xf32, #tpu.memory_space<hbm>> -> memref<128x128xf32, #tpu.memory_space<hbm>>
      %dma_start3A_39 = arith.constant 0 : i32
      %dma_start3A_40 = tpu.memref_slice %arg6[%add3A_34, %dma_start3A_39] : memref<20480x128xf32, #tpu.memory_space<hbm>> -> memref<128x128xf32, #tpu.memory_space<hbm>>
      tpu.enqueue_dma source(%arg10 : memref<128x128xf32, #tpu.memory_space<vmem>>) target(%dma_start3A_40 : memref<128x128xf32, #tpu.memory_space<hbm>>) target_semaphore(%run_scoped3A : memref<!tpu.dma_semaphore, #tpu.memory_space<semaphore_mem>>)
      %dma_wait3A = arith.constant 0 : i32
      %dma_wait3A_41 = tpu.memref_slice %arg6[%add3A_34, %dma_wait3A] : memref<20480x128xf32, #tpu.memory_space<hbm>> -> memref<128x128xf32, #tpu.memory_space<hbm>>
      %dma_wait3A_42 = arith.constant 0 : i32
      %dma_wait3A_43 = tpu.memref_slice %arg6[%add3A_34, %dma_wait3A_42] : memref<20480x128xf32, #tpu.memory_space<hbm>> -> memref<128x128xf32, #tpu.memory_space<hbm>>
      tpu.wait_dma2 semaphore(%run_scoped3A : memref<!tpu.dma_semaphore, #tpu.memory_space<semaphore_mem>>) src(%arg10 : memref<128x128xf32, #tpu.memory_space<vmem>>) dst(%dma_wait3A_43 : memref<128x128xf32, #tpu.memory_space<hbm>>)
      tpu.yield
    }) : () -> ()
    %add3A_35 = arith.constant 512 : i32
    %add3A_36 = arith.addi %mul3A_0, %add3A_35 : i32
    "tpu.region"() ({
      %run_scoped3A = tpu.sem_alloc : memref<!tpu.dma_semaphore, #tpu.memory_space<semaphore_mem>>
      %dma_start3A = arith.constant 0 : i32
      %dma_start3A_38 = tpu.memref_slice %arg11[%add3A_36, %dma_start3A] : memref<10240x128xf32, #tpu.memory_space<vmem_shared>> -> memref<128x128xf32, #tpu.memory_space<vmem_shared>>
      %dma_start3A_39 = arith.constant 0 : i32
      %dma_start3A_40 = tpu.memref_slice %arg11[%add3A_36, %dma_start3A_39] : memref<10240x128xf32, #tpu.memory_space<vmem_shared>> -> memref<128x128xf32, #tpu.memory_space<vmem_shared>>
      tpu.enqueue_dma source(%dma_start3A_40 : memref<128x128xf32, #tpu.memory_space<vmem_shared>>) target(%arg9 : memref<128x128xf32, #tpu.memory_space<vmem>>) target_semaphore(%run_scoped3A : memref<!tpu.dma_semaphore, #tpu.memory_space<semaphore_mem>>)
      %dma_wait3A = arith.constant 0 : i32
      %dma_wait3A_41 = tpu.memref_slice %arg11[%add3A_36, %dma_wait3A] : memref<10240x128xf32, #tpu.memory_space<vmem_shared>> -> memref<128x128xf32, #tpu.memory_space<vmem_shared>>
      %dma_wait3A_42 = arith.constant 0 : i32
      %dma_wait3A_43 = tpu.memref_slice %arg11[%add3A_36, %dma_wait3A_42] : memref<10240x128xf32, #tpu.memory_space<vmem_shared>> -> memref<128x128xf32, #tpu.memory_space<vmem_shared>>
      tpu.wait_dma2 semaphore(%run_scoped3A : memref<!tpu.dma_semaphore, #tpu.memory_space<semaphore_mem>>) src(%dma_wait3A_43 : memref<128x128xf32, #tpu.memory_space<vmem_shared>>) dst(%arg9 : memref<128x128xf32, #tpu.memory_space<vmem>>)
      tpu.yield
    }) : () -> ()
    %add3A_37 = arith.addi %mul3A_22, %add3A_36 : i32
    "tpu.region"() ({
      %run_scoped3A = tpu.sem_alloc : memref<!tpu.dma_semaphore, #tpu.memory_space<semaphore_mem>>
      %dma_start3A = arith.constant 0 : i32
      %dma_start3A_38 = tpu.memref_slice %arg6[%add3A_37, %dma_start3A] : memref<20480x128xf32, #tpu.memory_space<hbm>> -> memref<128x128xf32, #tpu.memory_space<hbm>>
      %dma_start3A_39 = arith.constant 0 : i32
      %dma_start3A_40 = tpu.memref_slice %arg6[%add3A_37, %dma_start3A_39] : memref<20480x128xf32, #tpu.memory_space<hbm>> -> memref<128x128xf32, #tpu.memory_space<hbm>>
      tpu.enqueue_dma source(%arg9 : memref<128x128xf32, #tpu.memory_space<vmem>>) target(%dma_start3A_40 : memref<128x128xf32, #tpu.memory_space<hbm>>) target_semaphore(%run_scoped3A : memref<!tpu.dma_semaphore, #tpu.memory_space<semaphore_mem>>)
      %dma_wait3A = arith.constant 0 : i32
      %dma_wait3A_41 = tpu.memref_slice %arg6[%add3A_37, %dma_wait3A] : memref<20480x128xf32, #tpu.memory_space<hbm>> -> memref<128x128xf32, #tpu.memory_space<hbm>>
      %dma_wait3A_42 = arith.constant 0 : i32
      %dma_wait3A_43 = tpu.memref_slice %arg6[%add3A_37, %dma_wait3A_42] : memref<20480x128xf32, #tpu.memory_space<hbm>> -> memref<128x128xf32, #tpu.memory_space<hbm>>
      tpu.wait_dma2 semaphore(%run_scoped3A : memref<!tpu.dma_semaphore, #tpu.memory_space<semaphore_mem>>) src(%arg9 : memref<128x128xf32, #tpu.memory_space<vmem>>) dst(%dma_wait3A_43 : memref<128x128xf32, #tpu.memory_space<hbm>>)
      tpu.yield
    }) : () -> ()
    return
  }
}

#map = affine_map<(d0, d1) -> (0, 0)>
module attributes {stable_mosaic.version = 14 : i64} {
  func.func @body(%arg0: i32, %arg1: i32, %arg2: memref<2560x128xi32, #tpu.memory_space<hbm>>, %arg3: memref<1280x128xi32, #tpu.memory_space<hbm>>, %arg4: memref<20000x128xf32, #tpu.memory_space<hbm>>, %arg5: memref<128x128xf32, #tpu.memory_space<hbm>>, %arg6: memref<20480x128xf32, #tpu.memory_space<hbm>>, %arg7: memref<40x128xi32, #tpu.memory_space<vmem>>, %arg8: memref<40x128xi32, #tpu.memory_space<vmem>>, %arg9: memref<128x128xf32, #tpu.memory_space<vmem>>, %arg10: memref<128x128xf32, #tpu.memory_space<vmem>>, %arg11: memref<10240x128xf32, #tpu.memory_space<vmem_shared>>, %arg12: memref<!tpu.dma_semaphore, #tpu.memory_space<semaphore_mem>>, %arg13: memref<!tpu.dma_semaphore, #tpu.memory_space<semaphore_mem>>, %arg14: memref<!tpu.dma_semaphore, #tpu.memory_space<semaphore_mem>>, %arg15: memref<!tpu.dma_semaphore, #tpu.memory_space<semaphore_mem>>) attributes {dimension_semantics = [#tpu.dimension_semantics<core_parallel>, #tpu.dimension_semantics<subcore_parallel>], iteration_bounds = array<i64: 2, 16>, scalar_prefetch = 0 : i64, scratch_operands = 9 : i64, tpu.core_type = #tpu.core_type<sc_vector_subcore>, window_params = [{transform_indices = #map}, {transform_indices = #map}, {transform_indices = #map}, {transform_indices = #map}, {transform_indices = #map}]} {
    %mul3A = arith.constant 640 : i32
    %mul3A_0 = arith.muli %arg1, %mul3A : i32
    "tpu.region"() ({
      %run_scoped3A = tpu.sem_alloc : memref<!tpu.dma_semaphore, #tpu.memory_space<semaphore_mem>>
      tpu.enqueue_dma source(%arg5 : memref<128x128xf32, #tpu.memory_space<hbm>>) target(%arg9 : memref<128x128xf32, #tpu.memory_space<vmem>>) target_semaphore(%run_scoped3A : memref<!tpu.dma_semaphore, #tpu.memory_space<semaphore_mem>>)
      tpu.wait_dma2 semaphore(%run_scoped3A : memref<!tpu.dma_semaphore, #tpu.memory_space<semaphore_mem>>) src(%arg5 : memref<128x128xf32, #tpu.memory_space<hbm>>) dst(%arg9 : memref<128x128xf32, #tpu.memory_space<vmem>>)
      tpu.yield
    }) : () -> ()
    %add3A = arith.constant 0 : i32
    %add3A_1 = arith.addi %mul3A_0, %add3A : i32
    "tpu.region"() ({
      %run_scoped3A = tpu.sem_alloc : memref<!tpu.dma_semaphore, #tpu.memory_space<semaphore_mem>>
      %dma_start3A = arith.constant 0 : i32
      %dma_start3A_61 = tpu.memref_slice %arg11[%add3A_1, %dma_start3A] : memref<10240x128xf32, #tpu.memory_space<vmem_shared>> -> memref<128x128xf32, #tpu.memory_space<vmem_shared>>
      %dma_start3A_62 = arith.constant 0 : i32
      %dma_start3A_63 = tpu.memref_slice %arg11[%add3A_1, %dma_start3A_62] : memref<10240x128xf32, #tpu.memory_space<vmem_shared>> -> memref<128x128xf32, #tpu.memory_space<vmem_shared>>
      tpu.enqueue_dma source(%arg9 : memref<128x128xf32, #tpu.memory_space<vmem>>) target(%dma_start3A_63 : memref<128x128xf32, #tpu.memory_space<vmem_shared>>) target_semaphore(%run_scoped3A : memref<!tpu.dma_semaphore, #tpu.memory_space<semaphore_mem>>)
      %dma_wait3A = arith.constant 0 : i32
      %dma_wait3A_64 = tpu.memref_slice %arg11[%add3A_1, %dma_wait3A] : memref<10240x128xf32, #tpu.memory_space<vmem_shared>> -> memref<128x128xf32, #tpu.memory_space<vmem_shared>>
      %dma_wait3A_65 = arith.constant 0 : i32
      %dma_wait3A_66 = tpu.memref_slice %arg11[%add3A_1, %dma_wait3A_65] : memref<10240x128xf32, #tpu.memory_space<vmem_shared>> -> memref<128x128xf32, #tpu.memory_space<vmem_shared>>
      tpu.wait_dma2 semaphore(%run_scoped3A : memref<!tpu.dma_semaphore, #tpu.memory_space<semaphore_mem>>) src(%arg9 : memref<128x128xf32, #tpu.memory_space<vmem>>) dst(%dma_wait3A_66 : memref<128x128xf32, #tpu.memory_space<vmem_shared>>)
      tpu.yield
    }) : () -> ()
    %add3A_2 = arith.constant 128 : i32
    %add3A_3 = arith.addi %mul3A_0, %add3A_2 : i32
    "tpu.region"() ({
      %run_scoped3A = tpu.sem_alloc : memref<!tpu.dma_semaphore, #tpu.memory_space<semaphore_mem>>
      %dma_start3A = arith.constant 0 : i32
      %dma_start3A_61 = tpu.memref_slice %arg11[%add3A_3, %dma_start3A] : memref<10240x128xf32, #tpu.memory_space<vmem_shared>> -> memref<128x128xf32, #tpu.memory_space<vmem_shared>>
      %dma_start3A_62 = arith.constant 0 : i32
      %dma_start3A_63 = tpu.memref_slice %arg11[%add3A_3, %dma_start3A_62] : memref<10240x128xf32, #tpu.memory_space<vmem_shared>> -> memref<128x128xf32, #tpu.memory_space<vmem_shared>>
      tpu.enqueue_dma source(%arg9 : memref<128x128xf32, #tpu.memory_space<vmem>>) target(%dma_start3A_63 : memref<128x128xf32, #tpu.memory_space<vmem_shared>>) target_semaphore(%run_scoped3A : memref<!tpu.dma_semaphore, #tpu.memory_space<semaphore_mem>>)
      %dma_wait3A = arith.constant 0 : i32
      %dma_wait3A_64 = tpu.memref_slice %arg11[%add3A_3, %dma_wait3A] : memref<10240x128xf32, #tpu.memory_space<vmem_shared>> -> memref<128x128xf32, #tpu.memory_space<vmem_shared>>
      %dma_wait3A_65 = arith.constant 0 : i32
      %dma_wait3A_66 = tpu.memref_slice %arg11[%add3A_3, %dma_wait3A_65] : memref<10240x128xf32, #tpu.memory_space<vmem_shared>> -> memref<128x128xf32, #tpu.memory_space<vmem_shared>>
      tpu.wait_dma2 semaphore(%run_scoped3A : memref<!tpu.dma_semaphore, #tpu.memory_space<semaphore_mem>>) src(%arg9 : memref<128x128xf32, #tpu.memory_space<vmem>>) dst(%dma_wait3A_66 : memref<128x128xf32, #tpu.memory_space<vmem_shared>>)
      tpu.yield
    }) : () -> ()
    %add3A_4 = arith.constant 256 : i32
    %add3A_5 = arith.addi %mul3A_0, %add3A_4 : i32
    "tpu.region"() ({
      %run_scoped3A = tpu.sem_alloc : memref<!tpu.dma_semaphore, #tpu.memory_space<semaphore_mem>>
      %dma_start3A = arith.constant 0 : i32
      %dma_start3A_61 = tpu.memref_slice %arg11[%add3A_5, %dma_start3A] : memref<10240x128xf32, #tpu.memory_space<vmem_shared>> -> memref<128x128xf32, #tpu.memory_space<vmem_shared>>
      %dma_start3A_62 = arith.constant 0 : i32
      %dma_start3A_63 = tpu.memref_slice %arg11[%add3A_5, %dma_start3A_62] : memref<10240x128xf32, #tpu.memory_space<vmem_shared>> -> memref<128x128xf32, #tpu.memory_space<vmem_shared>>
      tpu.enqueue_dma source(%arg9 : memref<128x128xf32, #tpu.memory_space<vmem>>) target(%dma_start3A_63 : memref<128x128xf32, #tpu.memory_space<vmem_shared>>) target_semaphore(%run_scoped3A : memref<!tpu.dma_semaphore, #tpu.memory_space<semaphore_mem>>)
      %dma_wait3A = arith.constant 0 : i32
      %dma_wait3A_64 = tpu.memref_slice %arg11[%add3A_5, %dma_wait3A] : memref<10240x128xf32, #tpu.memory_space<vmem_shared>> -> memref<128x128xf32, #tpu.memory_space<vmem_shared>>
      %dma_wait3A_65 = arith.constant 0 : i32
      %dma_wait3A_66 = tpu.memref_slice %arg11[%add3A_5, %dma_wait3A_65] : memref<10240x128xf32, #tpu.memory_space<vmem_shared>> -> memref<128x128xf32, #tpu.memory_space<vmem_shared>>
      tpu.wait_dma2 semaphore(%run_scoped3A : memref<!tpu.dma_semaphore, #tpu.memory_space<semaphore_mem>>) src(%arg9 : memref<128x128xf32, #tpu.memory_space<vmem>>) dst(%dma_wait3A_66 : memref<128x128xf32, #tpu.memory_space<vmem_shared>>)
      tpu.yield
    }) : () -> ()
    %add3A_6 = arith.constant 384 : i32
    %add3A_7 = arith.addi %mul3A_0, %add3A_6 : i32
    "tpu.region"() ({
      %run_scoped3A = tpu.sem_alloc : memref<!tpu.dma_semaphore, #tpu.memory_space<semaphore_mem>>
      %dma_start3A = arith.constant 0 : i32
      %dma_start3A_61 = tpu.memref_slice %arg11[%add3A_7, %dma_start3A] : memref<10240x128xf32, #tpu.memory_space<vmem_shared>> -> memref<128x128xf32, #tpu.memory_space<vmem_shared>>
      %dma_start3A_62 = arith.constant 0 : i32
      %dma_start3A_63 = tpu.memref_slice %arg11[%add3A_7, %dma_start3A_62] : memref<10240x128xf32, #tpu.memory_space<vmem_shared>> -> memref<128x128xf32, #tpu.memory_space<vmem_shared>>
      tpu.enqueue_dma source(%arg9 : memref<128x128xf32, #tpu.memory_space<vmem>>) target(%dma_start3A_63 : memref<128x128xf32, #tpu.memory_space<vmem_shared>>) target_semaphore(%run_scoped3A : memref<!tpu.dma_semaphore, #tpu.memory_space<semaphore_mem>>)
      %dma_wait3A = arith.constant 0 : i32
      %dma_wait3A_64 = tpu.memref_slice %arg11[%add3A_7, %dma_wait3A] : memref<10240x128xf32, #tpu.memory_space<vmem_shared>> -> memref<128x128xf32, #tpu.memory_space<vmem_shared>>
      %dma_wait3A_65 = arith.constant 0 : i32
      %dma_wait3A_66 = tpu.memref_slice %arg11[%add3A_7, %dma_wait3A_65] : memref<10240x128xf32, #tpu.memory_space<vmem_shared>> -> memref<128x128xf32, #tpu.memory_space<vmem_shared>>
      tpu.wait_dma2 semaphore(%run_scoped3A : memref<!tpu.dma_semaphore, #tpu.memory_space<semaphore_mem>>) src(%arg9 : memref<128x128xf32, #tpu.memory_space<vmem>>) dst(%dma_wait3A_66 : memref<128x128xf32, #tpu.memory_space<vmem_shared>>)
      tpu.yield
    }) : () -> ()
    %add3A_8 = arith.constant 512 : i32
    %add3A_9 = arith.addi %mul3A_0, %add3A_8 : i32
    "tpu.region"() ({
      %run_scoped3A = tpu.sem_alloc : memref<!tpu.dma_semaphore, #tpu.memory_space<semaphore_mem>>
      %dma_start3A = arith.constant 0 : i32
      %dma_start3A_61 = tpu.memref_slice %arg11[%add3A_9, %dma_start3A] : memref<10240x128xf32, #tpu.memory_space<vmem_shared>> -> memref<128x128xf32, #tpu.memory_space<vmem_shared>>
      %dma_start3A_62 = arith.constant 0 : i32
      %dma_start3A_63 = tpu.memref_slice %arg11[%add3A_9, %dma_start3A_62] : memref<10240x128xf32, #tpu.memory_space<vmem_shared>> -> memref<128x128xf32, #tpu.memory_space<vmem_shared>>
      tpu.enqueue_dma source(%arg9 : memref<128x128xf32, #tpu.memory_space<vmem>>) target(%dma_start3A_63 : memref<128x128xf32, #tpu.memory_space<vmem_shared>>) target_semaphore(%run_scoped3A : memref<!tpu.dma_semaphore, #tpu.memory_space<semaphore_mem>>)
      %dma_wait3A = arith.constant 0 : i32
      %dma_wait3A_64 = tpu.memref_slice %arg11[%add3A_9, %dma_wait3A] : memref<10240x128xf32, #tpu.memory_space<vmem_shared>> -> memref<128x128xf32, #tpu.memory_space<vmem_shared>>
      %dma_wait3A_65 = arith.constant 0 : i32
      %dma_wait3A_66 = tpu.memref_slice %arg11[%add3A_9, %dma_wait3A_65] : memref<10240x128xf32, #tpu.memory_space<vmem_shared>> -> memref<128x128xf32, #tpu.memory_space<vmem_shared>>
      tpu.wait_dma2 semaphore(%run_scoped3A : memref<!tpu.dma_semaphore, #tpu.memory_space<semaphore_mem>>) src(%arg9 : memref<128x128xf32, #tpu.memory_space<vmem>>) dst(%dma_wait3A_66 : memref<128x128xf32, #tpu.memory_space<vmem_shared>>)
      tpu.yield
    }) : () -> ()
    %barrier3A = arith.constant 0 : index
    tpu.barrier barrier_id(%barrier3A)
    %mul3A_10 = arith.constant 1280 : i32
    %mul3A_11 = arith.muli %arg0, %mul3A_10 : i32
    %mul3A_12 = arith.constant 80 : i32
    %mul3A_13 = arith.muli %arg1, %mul3A_12 : i32
    %add3A_14 = arith.addi %mul3A_11, %mul3A_13 : i32
    %add3A_15 = arith.constant 0 : i32
    %add3A_16 = arith.addi %add3A_14, %add3A_15 : i32
    %mul3A_17 = arith.constant 80 : i32
    %mul3A_18 = arith.muli %arg1, %mul3A_17 : i32
    %add3A_19 = arith.constant 0 : i32
    %add3A_20 = arith.addi %mul3A_18, %add3A_19 : i32
    "tpu.region"() ({
      %run_scoped3A = tpu.sem_alloc : memref<!tpu.dma_semaphore, #tpu.memory_space<semaphore_mem>>
      %dma_start3A = arith.constant 0 : i32
      %dma_start3A_61 = tpu.memref_slice %arg2[%add3A_16, %dma_start3A] : memref<2560x128xi32, #tpu.memory_space<hbm>> -> memref<40x128xi32, #tpu.memory_space<hbm>>
      %dma_start3A_62 = arith.constant 0 : i32
      %dma_start3A_63 = tpu.memref_slice %arg2[%add3A_16, %dma_start3A_62] : memref<2560x128xi32, #tpu.memory_space<hbm>> -> memref<40x128xi32, #tpu.memory_space<hbm>>
      tpu.enqueue_dma source(%dma_start3A_63 : memref<40x128xi32, #tpu.memory_space<hbm>>) target(%arg7 : memref<40x128xi32, #tpu.memory_space<vmem>>) target_semaphore(%run_scoped3A : memref<!tpu.dma_semaphore, #tpu.memory_space<semaphore_mem>>)
      %dma_wait3A = arith.constant 0 : i32
      %dma_wait3A_64 = tpu.memref_slice %arg2[%add3A_16, %dma_wait3A] : memref<2560x128xi32, #tpu.memory_space<hbm>> -> memref<40x128xi32, #tpu.memory_space<hbm>>
      %dma_wait3A_65 = arith.constant 0 : i32
      %dma_wait3A_66 = tpu.memref_slice %arg2[%add3A_16, %dma_wait3A_65] : memref<2560x128xi32, #tpu.memory_space<hbm>> -> memref<40x128xi32, #tpu.memory_space<hbm>>
      tpu.wait_dma2 semaphore(%run_scoped3A : memref<!tpu.dma_semaphore, #tpu.memory_space<semaphore_mem>>) src(%dma_wait3A_66 : memref<40x128xi32, #tpu.memory_space<hbm>>) dst(%arg7 : memref<40x128xi32, #tpu.memory_space<vmem>>)
      tpu.yield
    }) : () -> ()
    "tpu.region"() ({
      %run_scoped3A = tpu.sem_alloc : memref<!tpu.dma_semaphore, #tpu.memory_space<semaphore_mem>>
      %dma_start3A = arith.constant 0 : i32
      %dma_start3A_61 = tpu.memref_slice %arg3[%add3A_20, %dma_start3A] : memref<1280x128xi32, #tpu.memory_space<hbm>> -> memref<40x128xi32, #tpu.memory_space<hbm>>
      %dma_start3A_62 = arith.constant 0 : i32
      %dma_start3A_63 = tpu.memref_slice %arg3[%add3A_20, %dma_start3A_62] : memref<1280x128xi32, #tpu.memory_space<hbm>> -> memref<40x128xi32, #tpu.memory_space<hbm>>
      tpu.enqueue_dma source(%dma_start3A_63 : memref<40x128xi32, #tpu.memory_space<hbm>>) target(%arg8 : memref<40x128xi32, #tpu.memory_space<vmem>>) target_semaphore(%run_scoped3A : memref<!tpu.dma_semaphore, #tpu.memory_space<semaphore_mem>>)
      %dma_wait3A = arith.constant 0 : i32
      %dma_wait3A_64 = tpu.memref_slice %arg3[%add3A_20, %dma_wait3A] : memref<1280x128xi32, #tpu.memory_space<hbm>> -> memref<40x128xi32, #tpu.memory_space<hbm>>
      %dma_wait3A_65 = arith.constant 0 : i32
      %dma_wait3A_66 = tpu.memref_slice %arg3[%add3A_20, %dma_wait3A_65] : memref<1280x128xi32, #tpu.memory_space<hbm>> -> memref<40x128xi32, #tpu.memory_space<hbm>>
      tpu.wait_dma2 semaphore(%run_scoped3A : memref<!tpu.dma_semaphore, #tpu.memory_space<semaphore_mem>>) src(%dma_wait3A_66 : memref<40x128xi32, #tpu.memory_space<hbm>>) dst(%arg8 : memref<40x128xi32, #tpu.memory_space<vmem>>)
      tpu.yield
    }) : () -> ()
    %scan3A = arith.constant 0 : i32
    %scan3A_21 = arith.constant 0 : i32
    %scan3A_22 = arith.constant 20 : i32
    %scan3A_23 = arith.addi %scan3A_21, %scan3A_22 : i32
    %scan3A_24 = arith.constant 1 : i32
    scf.for %scan3A_61 = %scan3A_21 to %scan3A_23 step %scan3A_24  : i32 {
      %mul3A_62 = arith.constant 2 : i32
      %mul3A_63 = arith.muli %mul3A_62, %scan3A_61 : i32
      %add3A_64 = arith.constant 0 : i32
      %add3A_65 = arith.addi %mul3A_63, %add3A_64 : i32
      %gt3A = arith.constant 1 : i32
      %gt3A_66 = arith.cmpi sgt, %add3A_65, %gt3A : i32
      %convert_element_type3A = arith.extui %gt3A_66 : i1 to i32
      %cond3A = arith.constant 0 : i32
      %cond3A_67 = arith.cmpi ne, %convert_element_type3A, %cond3A : i32
      scf.if %cond3A_67 {
        tpu.wait_dma2 semaphore(%arg14 : memref<!tpu.dma_semaphore, #tpu.memory_space<semaphore_mem>>) src(%arg5 : memref<128x128xf32, #tpu.memory_space<hbm>>) dst(%arg9 : memref<128x128xf32, #tpu.memory_space<vmem>>)
      } else {
      }
      %dma_start3A = arith.constant 0 : i32
      %dma_start3A_68 = tpu.memref_slice %arg7[%add3A_65, %dma_start3A] : memref<40x128xi32, #tpu.memory_space<vmem>> -> memref<1x128xi32, #tpu.memory_space<vmem>>
      %dma_start3A_69 = tpu.memref_squeeze %dma_start3A_68 : memref<1x128xi32, #tpu.memory_space<vmem>> -> memref<128xi32, #tpu.memory_space<vmem>>
      %dma_start3A_70 = arith.constant 0 : i32
      %dma_start3A_71 = arith.constant 0 : i32
      %dma_start3A_72 = tpu.memref_slice %arg4[%dma_start3A_70, %dma_start3A_71] : memref<20000x128xf32, #tpu.memory_space<hbm>> -> memref<20000x128xf32, #tpu.memory_space<hbm>>
      tpu.enqueue_indirect_dma source(%dma_start3A_72 : memref<20000x128xf32, #tpu.memory_space<hbm>>) target(%arg9 : memref<128x128xf32, #tpu.memory_space<vmem>>) offsets(%dma_start3A_69 : memref<128xi32, #tpu.memory_space<vmem>>) semaphore(%arg12 : memref<!tpu.dma_semaphore, #tpu.memory_space<semaphore_mem>>)
      %dma_wait3A = arith.constant 0 : i32
      %dma_wait3A_73 = tpu.memref_slice %arg7[%add3A_65, %dma_wait3A] : memref<40x128xi32, #tpu.memory_space<vmem>> -> memref<1x128xi32, #tpu.memory_space<vmem>>
      %dma_wait3A_74 = tpu.memref_squeeze %dma_wait3A_73 : memref<1x128xi32, #tpu.memory_space<vmem>> -> memref<128xi32, #tpu.memory_space<vmem>>
      %dma_wait3A_75 = arith.constant 0 : i32
      %dma_wait3A_76 = arith.constant 0 : i32
      %dma_wait3A_77 = tpu.memref_slice %arg4[%dma_wait3A_75, %dma_wait3A_76] : memref<20000x128xf32, #tpu.memory_space<hbm>> -> memref<20000x128xf32, #tpu.memory_space<hbm>>
      tpu.wait_indirect_dma semaphore(%arg12 : memref<!tpu.dma_semaphore, #tpu.memory_space<semaphore_mem>>) src(%dma_wait3A_77 : memref<20000x128xf32, #tpu.memory_space<hbm>>) dst(%arg9 : memref<128x128xf32, #tpu.memory_space<vmem>>)
      %dma_start3A_78 = arith.constant 0 : i32
      %dma_start3A_79 = tpu.memref_slice %arg8[%add3A_65, %dma_start3A_78] : memref<40x128xi32, #tpu.memory_space<vmem>> -> memref<1x128xi32, #tpu.memory_space<vmem>>
      %dma_start3A_80 = tpu.memref_squeeze %dma_start3A_79 : memref<1x128xi32, #tpu.memory_space<vmem>> -> memref<128xi32, #tpu.memory_space<vmem>>
      %dma_start3A_81 = arith.constant 0 : i32
      %dma_start3A_82 = arith.constant 0 : i32
      %dma_start3A_83 = tpu.memref_slice %arg11[%dma_start3A_81, %dma_start3A_82] : memref<10240x128xf32, #tpu.memory_space<vmem_shared>> -> memref<10240x128xf32, #tpu.memory_space<vmem_shared>>
      tpu.enqueue_indirect_dma source(%arg9 : memref<128x128xf32, #tpu.memory_space<vmem>>) target(%dma_start3A_83 : memref<10240x128xf32, #tpu.memory_space<vmem_shared>>) offsets(%dma_start3A_80 : memref<128xi32, #tpu.memory_space<vmem>>) semaphore(%arg14 : memref<!tpu.dma_semaphore, #tpu.memory_space<semaphore_mem>>) {add = true}
      %mul3A_84 = arith.constant 2 : i32
      %mul3A_85 = arith.muli %mul3A_84, %scan3A_61 : i32
      %add3A_86 = arith.constant 1 : i32
      %add3A_87 = arith.addi %mul3A_85, %add3A_86 : i32
      %gt3A_88 = arith.constant 1 : i32
      %gt3A_89 = arith.cmpi sgt, %add3A_87, %gt3A_88 : i32
      %convert_element_type3A_90 = arith.extui %gt3A_89 : i1 to i32
      %cond3A_91 = arith.constant 0 : i32
      %cond3A_92 = arith.cmpi ne, %convert_element_type3A_90, %cond3A_91 : i32
      scf.if %cond3A_92 {
        tpu.wait_dma2 semaphore(%arg15 : memref<!tpu.dma_semaphore, #tpu.memory_space<semaphore_mem>>) src(%arg5 : memref<128x128xf32, #tpu.memory_space<hbm>>) dst(%arg10 : memref<128x128xf32, #tpu.memory_space<vmem>>)
      } else {
      }
      %dma_start3A_93 = arith.constant 0 : i32
      %dma_start3A_94 = tpu.memref_slice %arg7[%add3A_87, %dma_start3A_93] : memref<40x128xi32, #tpu.memory_space<vmem>> -> memref<1x128xi32, #tpu.memory_space<vmem>>
      %dma_start3A_95 = tpu.memref_squeeze %dma_start3A_94 : memref<1x128xi32, #tpu.memory_space<vmem>> -> memref<128xi32, #tpu.memory_space<vmem>>
      %dma_start3A_96 = arith.constant 0 : i32
      %dma_start3A_97 = arith.constant 0 : i32
      %dma_start3A_98 = tpu.memref_slice %arg4[%dma_start3A_96, %dma_start3A_97] : memref<20000x128xf32, #tpu.memory_space<hbm>> -> memref<20000x128xf32, #tpu.memory_space<hbm>>
      tpu.enqueue_indirect_dma source(%dma_start3A_98 : memref<20000x128xf32, #tpu.memory_space<hbm>>) target(%arg10 : memref<128x128xf32, #tpu.memory_space<vmem>>) offsets(%dma_start3A_95 : memref<128xi32, #tpu.memory_space<vmem>>) semaphore(%arg13 : memref<!tpu.dma_semaphore, #tpu.memory_space<semaphore_mem>>)
      %dma_wait3A_99 = arith.constant 0 : i32
      %dma_wait3A_100 = tpu.memref_slice %arg7[%add3A_87, %dma_wait3A_99] : memref<40x128xi32, #tpu.memory_space<vmem>> -> memref<1x128xi32, #tpu.memory_space<vmem>>
      %dma_wait3A_101 = tpu.memref_squeeze %dma_wait3A_100 : memref<1x128xi32, #tpu.memory_space<vmem>> -> memref<128xi32, #tpu.memory_space<vmem>>
      %dma_wait3A_102 = arith.constant 0 : i32
      %dma_wait3A_103 = arith.constant 0 : i32
      %dma_wait3A_104 = tpu.memref_slice %arg4[%dma_wait3A_102, %dma_wait3A_103] : memref<20000x128xf32, #tpu.memory_space<hbm>> -> memref<20000x128xf32, #tpu.memory_space<hbm>>
      tpu.wait_indirect_dma semaphore(%arg13 : memref<!tpu.dma_semaphore, #tpu.memory_space<semaphore_mem>>) src(%dma_wait3A_104 : memref<20000x128xf32, #tpu.memory_space<hbm>>) dst(%arg10 : memref<128x128xf32, #tpu.memory_space<vmem>>)
      %dma_start3A_105 = arith.constant 0 : i32
      %dma_start3A_106 = tpu.memref_slice %arg8[%add3A_87, %dma_start3A_105] : memref<40x128xi32, #tpu.memory_space<vmem>> -> memref<1x128xi32, #tpu.memory_space<vmem>>
      %dma_start3A_107 = tpu.memref_squeeze %dma_start3A_106 : memref<1x128xi32, #tpu.memory_space<vmem>> -> memref<128xi32, #tpu.memory_space<vmem>>
      %dma_start3A_108 = arith.constant 0 : i32
      %dma_start3A_109 = arith.constant 0 : i32
      %dma_start3A_110 = tpu.memref_slice %arg11[%dma_start3A_108, %dma_start3A_109] : memref<10240x128xf32, #tpu.memory_space<vmem_shared>> -> memref<10240x128xf32, #tpu.memory_space<vmem_shared>>
      tpu.enqueue_indirect_dma source(%arg10 : memref<128x128xf32, #tpu.memory_space<vmem>>) target(%dma_start3A_110 : memref<10240x128xf32, #tpu.memory_space<vmem_shared>>) offsets(%dma_start3A_107 : memref<128xi32, #tpu.memory_space<vmem>>) semaphore(%arg15 : memref<!tpu.dma_semaphore, #tpu.memory_space<semaphore_mem>>) {add = true}
    }
    %scan3A_25 = arith.constant 20 : i32
    %mul3A_26 = arith.constant 1280 : i32
    %mul3A_27 = arith.muli %arg0, %mul3A_26 : i32
    %mul3A_28 = arith.constant 80 : i32
    %mul3A_29 = arith.muli %arg1, %mul3A_28 : i32
    %add3A_30 = arith.addi %mul3A_27, %mul3A_29 : i32
    %add3A_31 = arith.constant 40 : i32
    %add3A_32 = arith.addi %add3A_30, %add3A_31 : i32
    %mul3A_33 = arith.constant 80 : i32
    %mul3A_34 = arith.muli %arg1, %mul3A_33 : i32
    %add3A_35 = arith.constant 40 : i32
    %add3A_36 = arith.addi %mul3A_34, %add3A_35 : i32
    "tpu.region"() ({
      %run_scoped3A = tpu.sem_alloc : memref<!tpu.dma_semaphore, #tpu.memory_space<semaphore_mem>>
      %dma_start3A = arith.constant 0 : i32
      %dma_start3A_61 = tpu.memref_slice %arg2[%add3A_32, %dma_start3A] : memref<2560x128xi32, #tpu.memory_space<hbm>> -> memref<40x128xi32, #tpu.memory_space<hbm>>
      %dma_start3A_62 = arith.constant 0 : i32
      %dma_start3A_63 = tpu.memref_slice %arg2[%add3A_32, %dma_start3A_62] : memref<2560x128xi32, #tpu.memory_space<hbm>> -> memref<40x128xi32, #tpu.memory_space<hbm>>
      tpu.enqueue_dma source(%dma_start3A_63 : memref<40x128xi32, #tpu.memory_space<hbm>>) target(%arg7 : memref<40x128xi32, #tpu.memory_space<vmem>>) target_semaphore(%run_scoped3A : memref<!tpu.dma_semaphore, #tpu.memory_space<semaphore_mem>>)
      %dma_wait3A = arith.constant 0 : i32
      %dma_wait3A_64 = tpu.memref_slice %arg2[%add3A_32, %dma_wait3A] : memref<2560x128xi32, #tpu.memory_space<hbm>> -> memref<40x128xi32, #tpu.memory_space<hbm>>
      %dma_wait3A_65 = arith.constant 0 : i32
      %dma_wait3A_66 = tpu.memref_slice %arg2[%add3A_32, %dma_wait3A_65] : memref<2560x128xi32, #tpu.memory_space<hbm>> -> memref<40x128xi32, #tpu.memory_space<hbm>>
      tpu.wait_dma2 semaphore(%run_scoped3A : memref<!tpu.dma_semaphore, #tpu.memory_space<semaphore_mem>>) src(%dma_wait3A_66 : memref<40x128xi32, #tpu.memory_space<hbm>>) dst(%arg7 : memref<40x128xi32, #tpu.memory_space<vmem>>)
      tpu.yield
    }) : () -> ()
    "tpu.region"() ({
      %run_scoped3A = tpu.sem_alloc : memref<!tpu.dma_semaphore, #tpu.memory_space<semaphore_mem>>
      %dma_start3A = arith.constant 0 : i32
      %dma_start3A_61 = tpu.memref_slice %arg3[%add3A_36, %dma_start3A] : memref<1280x128xi32, #tpu.memory_space<hbm>> -> memref<40x128xi32, #tpu.memory_space<hbm>>
      %dma_start3A_62 = arith.constant 0 : i32
      %dma_start3A_63 = tpu.memref_slice %arg3[%add3A_36, %dma_start3A_62] : memref<1280x128xi32, #tpu.memory_space<hbm>> -> memref<40x128xi32, #tpu.memory_space<hbm>>
      tpu.enqueue_dma source(%dma_start3A_63 : memref<40x128xi32, #tpu.memory_space<hbm>>) target(%arg8 : memref<40x128xi32, #tpu.memory_space<vmem>>) target_semaphore(%run_scoped3A : memref<!tpu.dma_semaphore, #tpu.memory_space<semaphore_mem>>)
      %dma_wait3A = arith.constant 0 : i32
      %dma_wait3A_64 = tpu.memref_slice %arg3[%add3A_36, %dma_wait3A] : memref<1280x128xi32, #tpu.memory_space<hbm>> -> memref<40x128xi32, #tpu.memory_space<hbm>>
      %dma_wait3A_65 = arith.constant 0 : i32
      %dma_wait3A_66 = tpu.memref_slice %arg3[%add3A_36, %dma_wait3A_65] : memref<1280x128xi32, #tpu.memory_space<hbm>> -> memref<40x128xi32, #tpu.memory_space<hbm>>
      tpu.wait_dma2 semaphore(%run_scoped3A : memref<!tpu.dma_semaphore, #tpu.memory_space<semaphore_mem>>) src(%dma_wait3A_66 : memref<40x128xi32, #tpu.memory_space<hbm>>) dst(%arg8 : memref<40x128xi32, #tpu.memory_space<vmem>>)
      tpu.yield
    }) : () -> ()
    %scan3A_37 = arith.constant 0 : i32
    %scan3A_38 = arith.constant 0 : i32
    %scan3A_39 = arith.constant 20 : i32
    %scan3A_40 = arith.addi %scan3A_38, %scan3A_39 : i32
    %scan3A_41 = arith.constant 1 : i32
    scf.for %scan3A_61 = %scan3A_38 to %scan3A_40 step %scan3A_41  : i32 {
      %mul3A_62 = arith.constant 2 : i32
      %mul3A_63 = arith.muli %mul3A_62, %scan3A_61 : i32
      %add3A_64 = arith.constant 0 : i32
      %add3A_65 = arith.addi %mul3A_63, %add3A_64 : i32
      tpu.wait_dma2 semaphore(%arg14 : memref<!tpu.dma_semaphore, #tpu.memory_space<semaphore_mem>>) src(%arg5 : memref<128x128xf32, #tpu.memory_space<hbm>>) dst(%arg9 : memref<128x128xf32, #tpu.memory_space<vmem>>)
      %dma_start3A = arith.constant 0 : i32
      %dma_start3A_66 = tpu.memref_slice %arg7[%add3A_65, %dma_start3A] : memref<40x128xi32, #tpu.memory_space<vmem>> -> memref<1x128xi32, #tpu.memory_space<vmem>>
      %dma_start3A_67 = tpu.memref_squeeze %dma_start3A_66 : memref<1x128xi32, #tpu.memory_space<vmem>> -> memref<128xi32, #tpu.memory_space<vmem>>
      %dma_start3A_68 = arith.constant 0 : i32
      %dma_start3A_69 = arith.constant 0 : i32
      %dma_start3A_70 = tpu.memref_slice %arg4[%dma_start3A_68, %dma_start3A_69] : memref<20000x128xf32, #tpu.memory_space<hbm>> -> memref<20000x128xf32, #tpu.memory_space<hbm>>
      tpu.enqueue_indirect_dma source(%dma_start3A_70 : memref<20000x128xf32, #tpu.memory_space<hbm>>) target(%arg9 : memref<128x128xf32, #tpu.memory_space<vmem>>) offsets(%dma_start3A_67 : memref<128xi32, #tpu.memory_space<vmem>>) semaphore(%arg12 : memref<!tpu.dma_semaphore, #tpu.memory_space<semaphore_mem>>)
      %dma_wait3A = arith.constant 0 : i32
      %dma_wait3A_71 = tpu.memref_slice %arg7[%add3A_65, %dma_wait3A] : memref<40x128xi32, #tpu.memory_space<vmem>> -> memref<1x128xi32, #tpu.memory_space<vmem>>
      %dma_wait3A_72 = tpu.memref_squeeze %dma_wait3A_71 : memref<1x128xi32, #tpu.memory_space<vmem>> -> memref<128xi32, #tpu.memory_space<vmem>>
      %dma_wait3A_73 = arith.constant 0 : i32
      %dma_wait3A_74 = arith.constant 0 : i32
      %dma_wait3A_75 = tpu.memref_slice %arg4[%dma_wait3A_73, %dma_wait3A_74] : memref<20000x128xf32, #tpu.memory_space<hbm>> -> memref<20000x128xf32, #tpu.memory_space<hbm>>
      tpu.wait_indirect_dma semaphore(%arg12 : memref<!tpu.dma_semaphore, #tpu.memory_space<semaphore_mem>>) src(%dma_wait3A_75 : memref<20000x128xf32, #tpu.memory_space<hbm>>) dst(%arg9 : memref<128x128xf32, #tpu.memory_space<vmem>>)
      %dma_start3A_76 = arith.constant 0 : i32
      %dma_start3A_77 = tpu.memref_slice %arg8[%add3A_65, %dma_start3A_76] : memref<40x128xi32, #tpu.memory_space<vmem>> -> memref<1x128xi32, #tpu.memory_space<vmem>>
      %dma_start3A_78 = tpu.memref_squeeze %dma_start3A_77 : memref<1x128xi32, #tpu.memory_space<vmem>> -> memref<128xi32, #tpu.memory_space<vmem>>
      %dma_start3A_79 = arith.constant 0 : i32
      %dma_start3A_80 = arith.constant 0 : i32
      %dma_start3A_81 = tpu.memref_slice %arg11[%dma_start3A_79, %dma_start3A_80] : memref<10240x128xf32, #tpu.memory_space<vmem_shared>> -> memref<10240x128xf32, #tpu.memory_space<vmem_shared>>
      tpu.enqueue_indirect_dma source(%arg9 : memref<128x128xf32, #tpu.memory_space<vmem>>) target(%dma_start3A_81 : memref<10240x128xf32, #tpu.memory_space<vmem_shared>>) offsets(%dma_start3A_78 : memref<128xi32, #tpu.memory_space<vmem>>) semaphore(%arg14 : memref<!tpu.dma_semaphore, #tpu.memory_space<semaphore_mem>>) {add = true}
      %mul3A_82 = arith.constant 2 : i32
      %mul3A_83 = arith.muli %mul3A_82, %scan3A_61 : i32
      %add3A_84 = arith.constant 1 : i32
      %add3A_85 = arith.addi %mul3A_83, %add3A_84 : i32
      tpu.wait_dma2 semaphore(%arg15 : memref<!tpu.dma_semaphore, #tpu.memory_space<semaphore_mem>>) src(%arg5 : memref<128x128xf32, #tpu.memory_space<hbm>>) dst(%arg10 : memref<128x128xf32, #tpu.memory_space<vmem>>)
      %dma_start3A_86 = arith.constant 0 : i32
      %dma_start3A_87 = tpu.memref_slice %arg7[%add3A_85, %dma_start3A_86] : memref<40x128xi32, #tpu.memory_space<vmem>> -> memref<1x128xi32, #tpu.memory_space<vmem>>
      %dma_start3A_88 = tpu.memref_squeeze %dma_start3A_87 : memref<1x128xi32, #tpu.memory_space<vmem>> -> memref<128xi32, #tpu.memory_space<vmem>>
      %dma_start3A_89 = arith.constant 0 : i32
      %dma_start3A_90 = arith.constant 0 : i32
      %dma_start3A_91 = tpu.memref_slice %arg4[%dma_start3A_89, %dma_start3A_90] : memref<20000x128xf32, #tpu.memory_space<hbm>> -> memref<20000x128xf32, #tpu.memory_space<hbm>>
      tpu.enqueue_indirect_dma source(%dma_start3A_91 : memref<20000x128xf32, #tpu.memory_space<hbm>>) target(%arg10 : memref<128x128xf32, #tpu.memory_space<vmem>>) offsets(%dma_start3A_88 : memref<128xi32, #tpu.memory_space<vmem>>) semaphore(%arg13 : memref<!tpu.dma_semaphore, #tpu.memory_space<semaphore_mem>>)
      %dma_wait3A_92 = arith.constant 0 : i32
      %dma_wait3A_93 = tpu.memref_slice %arg7[%add3A_85, %dma_wait3A_92] : memref<40x128xi32, #tpu.memory_space<vmem>> -> memref<1x128xi32, #tpu.memory_space<vmem>>
      %dma_wait3A_94 = tpu.memref_squeeze %dma_wait3A_93 : memref<1x128xi32, #tpu.memory_space<vmem>> -> memref<128xi32, #tpu.memory_space<vmem>>
      %dma_wait3A_95 = arith.constant 0 : i32
      %dma_wait3A_96 = arith.constant 0 : i32
      %dma_wait3A_97 = tpu.memref_slice %arg4[%dma_wait3A_95, %dma_wait3A_96] : memref<20000x128xf32, #tpu.memory_space<hbm>> -> memref<20000x128xf32, #tpu.memory_space<hbm>>
      tpu.wait_indirect_dma semaphore(%arg13 : memref<!tpu.dma_semaphore, #tpu.memory_space<semaphore_mem>>) src(%dma_wait3A_97 : memref<20000x128xf32, #tpu.memory_space<hbm>>) dst(%arg10 : memref<128x128xf32, #tpu.memory_space<vmem>>)
      %dma_start3A_98 = arith.constant 0 : i32
      %dma_start3A_99 = tpu.memref_slice %arg8[%add3A_85, %dma_start3A_98] : memref<40x128xi32, #tpu.memory_space<vmem>> -> memref<1x128xi32, #tpu.memory_space<vmem>>
      %dma_start3A_100 = tpu.memref_squeeze %dma_start3A_99 : memref<1x128xi32, #tpu.memory_space<vmem>> -> memref<128xi32, #tpu.memory_space<vmem>>
      %dma_start3A_101 = arith.constant 0 : i32
      %dma_start3A_102 = arith.constant 0 : i32
      %dma_start3A_103 = tpu.memref_slice %arg11[%dma_start3A_101, %dma_start3A_102] : memref<10240x128xf32, #tpu.memory_space<vmem_shared>> -> memref<10240x128xf32, #tpu.memory_space<vmem_shared>>
      tpu.enqueue_indirect_dma source(%arg10 : memref<128x128xf32, #tpu.memory_space<vmem>>) target(%dma_start3A_103 : memref<10240x128xf32, #tpu.memory_space<vmem_shared>>) offsets(%dma_start3A_100 : memref<128xi32, #tpu.memory_space<vmem>>) semaphore(%arg15 : memref<!tpu.dma_semaphore, #tpu.memory_space<semaphore_mem>>) {add = true}
    }
    %scan3A_42 = arith.constant 20 : i32
    tpu.wait_dma2 semaphore(%arg14 : memref<!tpu.dma_semaphore, #tpu.memory_space<semaphore_mem>>) src(%arg5 : memref<128x128xf32, #tpu.memory_space<hbm>>) dst(%arg9 : memref<128x128xf32, #tpu.memory_space<vmem>>)
    tpu.wait_dma2 semaphore(%arg15 : memref<!tpu.dma_semaphore, #tpu.memory_space<semaphore_mem>>) src(%arg5 : memref<128x128xf32, #tpu.memory_space<hbm>>) dst(%arg10 : memref<128x128xf32, #tpu.memory_space<vmem>>)
    %barrier3A_43 = arith.constant 0 : index
    tpu.barrier barrier_id(%barrier3A_43)
    %mul3A_44 = arith.constant 10240 : i32
    %mul3A_45 = arith.muli %arg0, %mul3A_44 : i32
    %add3A_46 = arith.constant 0 : i32
    %add3A_47 = arith.addi %mul3A_0, %add3A_46 : i32
    "tpu.region"() ({
      %run_scoped3A = tpu.sem_alloc : memref<!tpu.dma_semaphore, #tpu.memory_space<semaphore_mem>>
      %dma_start3A = arith.constant 0 : i32
      %dma_start3A_61 = tpu.memref_slice %arg11[%add3A_47, %dma_start3A] : memref<10240x128xf32, #tpu.memory_space<vmem_shared>> -> memref<128x128xf32, #tpu.memory_space<vmem_shared>>
      %dma_start3A_62 = arith.constant 0 : i32
      %dma_start3A_63 = tpu.memref_slice %arg11[%add3A_47, %dma_start3A_62] : memref<10240x128xf32, #tpu.memory_space<vmem_shared>> -> memref<128x128xf32, #tpu.memory_space<vmem_shared>>
      tpu.enqueue_dma source(%dma_start3A_63 : memref<128x128xf32, #tpu.memory_space<vmem_shared>>) target(%arg9 : memref<128x128xf32, #tpu.memory_space<vmem>>) target_semaphore(%run_scoped3A : memref<!tpu.dma_semaphore, #tpu.memory_space<semaphore_mem>>)
      %dma_wait3A = arith.constant 0 : i32
      %dma_wait3A_64 = tpu.memref_slice %arg11[%add3A_47, %dma_wait3A] : memref<10240x128xf32, #tpu.memory_space<vmem_shared>> -> memref<128x128xf32, #tpu.memory_space<vmem_shared>>
      %dma_wait3A_65 = arith.constant 0 : i32
      %dma_wait3A_66 = tpu.memref_slice %arg11[%add3A_47, %dma_wait3A_65] : memref<10240x128xf32, #tpu.memory_space<vmem_shared>> -> memref<128x128xf32, #tpu.memory_space<vmem_shared>>
      tpu.wait_dma2 semaphore(%run_scoped3A : memref<!tpu.dma_semaphore, #tpu.memory_space<semaphore_mem>>) src(%dma_wait3A_66 : memref<128x128xf32, #tpu.memory_space<vmem_shared>>) dst(%arg9 : memref<128x128xf32, #tpu.memory_space<vmem>>)
      tpu.yield
    }) : () -> ()
    %add3A_48 = arith.addi %mul3A_45, %add3A_47 : i32
    "tpu.region"() ({
      %run_scoped3A = tpu.sem_alloc : memref<!tpu.dma_semaphore, #tpu.memory_space<semaphore_mem>>
      %dma_start3A = arith.constant 0 : i32
      %dma_start3A_61 = tpu.memref_slice %arg6[%add3A_48, %dma_start3A] : memref<20480x128xf32, #tpu.memory_space<hbm>> -> memref<128x128xf32, #tpu.memory_space<hbm>>
      %dma_start3A_62 = arith.constant 0 : i32
      %dma_start3A_63 = tpu.memref_slice %arg6[%add3A_48, %dma_start3A_62] : memref<20480x128xf32, #tpu.memory_space<hbm>> -> memref<128x128xf32, #tpu.memory_space<hbm>>
      tpu.enqueue_dma source(%arg9 : memref<128x128xf32, #tpu.memory_space<vmem>>) target(%dma_start3A_63 : memref<128x128xf32, #tpu.memory_space<hbm>>) target_semaphore(%run_scoped3A : memref<!tpu.dma_semaphore, #tpu.memory_space<semaphore_mem>>)
      %dma_wait3A = arith.constant 0 : i32
      %dma_wait3A_64 = tpu.memref_slice %arg6[%add3A_48, %dma_wait3A] : memref<20480x128xf32, #tpu.memory_space<hbm>> -> memref<128x128xf32, #tpu.memory_space<hbm>>
      %dma_wait3A_65 = arith.constant 0 : i32
      %dma_wait3A_66 = tpu.memref_slice %arg6[%add3A_48, %dma_wait3A_65] : memref<20480x128xf32, #tpu.memory_space<hbm>> -> memref<128x128xf32, #tpu.memory_space<hbm>>
      tpu.wait_dma2 semaphore(%run_scoped3A : memref<!tpu.dma_semaphore, #tpu.memory_space<semaphore_mem>>) src(%arg9 : memref<128x128xf32, #tpu.memory_space<vmem>>) dst(%dma_wait3A_66 : memref<128x128xf32, #tpu.memory_space<hbm>>)
      tpu.yield
    }) : () -> ()
    %add3A_49 = arith.constant 128 : i32
    %add3A_50 = arith.addi %mul3A_0, %add3A_49 : i32
    "tpu.region"() ({
      %run_scoped3A = tpu.sem_alloc : memref<!tpu.dma_semaphore, #tpu.memory_space<semaphore_mem>>
      %dma_start3A = arith.constant 0 : i32
      %dma_start3A_61 = tpu.memref_slice %arg11[%add3A_50, %dma_start3A] : memref<10240x128xf32, #tpu.memory_space<vmem_shared>> -> memref<128x128xf32, #tpu.memory_space<vmem_shared>>
      %dma_start3A_62 = arith.constant 0 : i32
      %dma_start3A_63 = tpu.memref_slice %arg11[%add3A_50, %dma_start3A_62] : memref<10240x128xf32, #tpu.memory_space<vmem_shared>> -> memref<128x128xf32, #tpu.memory_space<vmem_shared>>
      tpu.enqueue_dma source(%dma_start3A_63 : memref<128x128xf32, #tpu.memory_space<vmem_shared>>) target(%arg10 : memref<128x128xf32, #tpu.memory_space<vmem>>) target_semaphore(%run_scoped3A : memref<!tpu.dma_semaphore, #tpu.memory_space<semaphore_mem>>)
      %dma_wait3A = arith.constant 0 : i32
      %dma_wait3A_64 = tpu.memref_slice %arg11[%add3A_50, %dma_wait3A] : memref<10240x128xf32, #tpu.memory_space<vmem_shared>> -> memref<128x128xf32, #tpu.memory_space<vmem_shared>>
      %dma_wait3A_65 = arith.constant 0 : i32
      %dma_wait3A_66 = tpu.memref_slice %arg11[%add3A_50, %dma_wait3A_65] : memref<10240x128xf32, #tpu.memory_space<vmem_shared>> -> memref<128x128xf32, #tpu.memory_space<vmem_shared>>
      tpu.wait_dma2 semaphore(%run_scoped3A : memref<!tpu.dma_semaphore, #tpu.memory_space<semaphore_mem>>) src(%dma_wait3A_66 : memref<128x128xf32, #tpu.memory_space<vmem_shared>>) dst(%arg10 : memref<128x128xf32, #tpu.memory_space<vmem>>)
      tpu.yield
    }) : () -> ()
    %add3A_51 = arith.addi %mul3A_45, %add3A_50 : i32
    "tpu.region"() ({
      %run_scoped3A = tpu.sem_alloc : memref<!tpu.dma_semaphore, #tpu.memory_space<semaphore_mem>>
      %dma_start3A = arith.constant 0 : i32
      %dma_start3A_61 = tpu.memref_slice %arg6[%add3A_51, %dma_start3A] : memref<20480x128xf32, #tpu.memory_space<hbm>> -> memref<128x128xf32, #tpu.memory_space<hbm>>
      %dma_start3A_62 = arith.constant 0 : i32
      %dma_start3A_63 = tpu.memref_slice %arg6[%add3A_51, %dma_start3A_62] : memref<20480x128xf32, #tpu.memory_space<hbm>> -> memref<128x128xf32, #tpu.memory_space<hbm>>
      tpu.enqueue_dma source(%arg10 : memref<128x128xf32, #tpu.memory_space<vmem>>) target(%dma_start3A_63 : memref<128x128xf32, #tpu.memory_space<hbm>>) target_semaphore(%run_scoped3A : memref<!tpu.dma_semaphore, #tpu.memory_space<semaphore_mem>>)
      %dma_wait3A = arith.constant 0 : i32
      %dma_wait3A_64 = tpu.memref_slice %arg6[%add3A_51, %dma_wait3A] : memref<20480x128xf32, #tpu.memory_space<hbm>> -> memref<128x128xf32, #tpu.memory_space<hbm>>
      %dma_wait3A_65 = arith.constant 0 : i32
      %dma_wait3A_66 = tpu.memref_slice %arg6[%add3A_51, %dma_wait3A_65] : memref<20480x128xf32, #tpu.memory_space<hbm>> -> memref<128x128xf32, #tpu.memory_space<hbm>>
      tpu.wait_dma2 semaphore(%run_scoped3A : memref<!tpu.dma_semaphore, #tpu.memory_space<semaphore_mem>>) src(%arg10 : memref<128x128xf32, #tpu.memory_space<vmem>>) dst(%dma_wait3A_66 : memref<128x128xf32, #tpu.memory_space<hbm>>)
      tpu.yield
    }) : () -> ()
    %add3A_52 = arith.constant 256 : i32
    %add3A_53 = arith.addi %mul3A_0, %add3A_52 : i32
    "tpu.region"() ({
      %run_scoped3A = tpu.sem_alloc : memref<!tpu.dma_semaphore, #tpu.memory_space<semaphore_mem>>
      %dma_start3A = arith.constant 0 : i32
      %dma_start3A_61 = tpu.memref_slice %arg11[%add3A_53, %dma_start3A] : memref<10240x128xf32, #tpu.memory_space<vmem_shared>> -> memref<128x128xf32, #tpu.memory_space<vmem_shared>>
      %dma_start3A_62 = arith.constant 0 : i32
      %dma_start3A_63 = tpu.memref_slice %arg11[%add3A_53, %dma_start3A_62] : memref<10240x128xf32, #tpu.memory_space<vmem_shared>> -> memref<128x128xf32, #tpu.memory_space<vmem_shared>>
      tpu.enqueue_dma source(%dma_start3A_63 : memref<128x128xf32, #tpu.memory_space<vmem_shared>>) target(%arg9 : memref<128x128xf32, #tpu.memory_space<vmem>>) target_semaphore(%run_scoped3A : memref<!tpu.dma_semaphore, #tpu.memory_space<semaphore_mem>>)
      %dma_wait3A = arith.constant 0 : i32
      %dma_wait3A_64 = tpu.memref_slice %arg11[%add3A_53, %dma_wait3A] : memref<10240x128xf32, #tpu.memory_space<vmem_shared>> -> memref<128x128xf32, #tpu.memory_space<vmem_shared>>
      %dma_wait3A_65 = arith.constant 0 : i32
      %dma_wait3A_66 = tpu.memref_slice %arg11[%add3A_53, %dma_wait3A_65] : memref<10240x128xf32, #tpu.memory_space<vmem_shared>> -> memref<128x128xf32, #tpu.memory_space<vmem_shared>>
      tpu.wait_dma2 semaphore(%run_scoped3A : memref<!tpu.dma_semaphore, #tpu.memory_space<semaphore_mem>>) src(%dma_wait3A_66 : memref<128x128xf32, #tpu.memory_space<vmem_shared>>) dst(%arg9 : memref<128x128xf32, #tpu.memory_space<vmem>>)
      tpu.yield
    }) : () -> ()
    %add3A_54 = arith.addi %mul3A_45, %add3A_53 : i32
    "tpu.region"() ({
      %run_scoped3A = tpu.sem_alloc : memref<!tpu.dma_semaphore, #tpu.memory_space<semaphore_mem>>
      %dma_start3A = arith.constant 0 : i32
      %dma_start3A_61 = tpu.memref_slice %arg6[%add3A_54, %dma_start3A] : memref<20480x128xf32, #tpu.memory_space<hbm>> -> memref<128x128xf32, #tpu.memory_space<hbm>>
      %dma_start3A_62 = arith.constant 0 : i32
      %dma_start3A_63 = tpu.memref_slice %arg6[%add3A_54, %dma_start3A_62] : memref<20480x128xf32, #tpu.memory_space<hbm>> -> memref<128x128xf32, #tpu.memory_space<hbm>>
      tpu.enqueue_dma source(%arg9 : memref<128x128xf32, #tpu.memory_space<vmem>>) target(%dma_start3A_63 : memref<128x128xf32, #tpu.memory_space<hbm>>) target_semaphore(%run_scoped3A : memref<!tpu.dma_semaphore, #tpu.memory_space<semaphore_mem>>)
      %dma_wait3A = arith.constant 0 : i32
      %dma_wait3A_64 = tpu.memref_slice %arg6[%add3A_54, %dma_wait3A] : memref<20480x128xf32, #tpu.memory_space<hbm>> -> memref<128x128xf32, #tpu.memory_space<hbm>>
      %dma_wait3A_65 = arith.constant 0 : i32
      %dma_wait3A_66 = tpu.memref_slice %arg6[%add3A_54, %dma_wait3A_65] : memref<20480x128xf32, #tpu.memory_space<hbm>> -> memref<128x128xf32, #tpu.memory_space<hbm>>
      tpu.wait_dma2 semaphore(%run_scoped3A : memref<!tpu.dma_semaphore, #tpu.memory_space<semaphore_mem>>) src(%arg9 : memref<128x128xf32, #tpu.memory_space<vmem>>) dst(%dma_wait3A_66 : memref<128x128xf32, #tpu.memory_space<hbm>>)
      tpu.yield
    }) : () -> ()
    %add3A_55 = arith.constant 384 : i32
    %add3A_56 = arith.addi %mul3A_0, %add3A_55 : i32
    "tpu.region"() ({
      %run_scoped3A = tpu.sem_alloc : memref<!tpu.dma_semaphore, #tpu.memory_space<semaphore_mem>>
      %dma_start3A = arith.constant 0 : i32
      %dma_start3A_61 = tpu.memref_slice %arg11[%add3A_56, %dma_start3A] : memref<10240x128xf32, #tpu.memory_space<vmem_shared>> -> memref<128x128xf32, #tpu.memory_space<vmem_shared>>
      %dma_start3A_62 = arith.constant 0 : i32
      %dma_start3A_63 = tpu.memref_slice %arg11[%add3A_56, %dma_start3A_62] : memref<10240x128xf32, #tpu.memory_space<vmem_shared>> -> memref<128x128xf32, #tpu.memory_space<vmem_shared>>
      tpu.enqueue_dma source(%dma_start3A_63 : memref<128x128xf32, #tpu.memory_space<vmem_shared>>) target(%arg10 : memref<128x128xf32, #tpu.memory_space<vmem>>) target_semaphore(%run_scoped3A : memref<!tpu.dma_semaphore, #tpu.memory_space<semaphore_mem>>)
      %dma_wait3A = arith.constant 0 : i32
      %dma_wait3A_64 = tpu.memref_slice %arg11[%add3A_56, %dma_wait3A] : memref<10240x128xf32, #tpu.memory_space<vmem_shared>> -> memref<128x128xf32, #tpu.memory_space<vmem_shared>>
      %dma_wait3A_65 = arith.constant 0 : i32
      %dma_wait3A_66 = tpu.memref_slice %arg11[%add3A_56, %dma_wait3A_65] : memref<10240x128xf32, #tpu.memory_space<vmem_shared>> -> memref<128x128xf32, #tpu.memory_space<vmem_shared>>
      tpu.wait_dma2 semaphore(%run_scoped3A : memref<!tpu.dma_semaphore, #tpu.memory_space<semaphore_mem>>) src(%dma_wait3A_66 : memref<128x128xf32, #tpu.memory_space<vmem_shared>>) dst(%arg10 : memref<128x128xf32, #tpu.memory_space<vmem>>)
      tpu.yield
    }) : () -> ()
    %add3A_57 = arith.addi %mul3A_45, %add3A_56 : i32
    "tpu.region"() ({
      %run_scoped3A = tpu.sem_alloc : memref<!tpu.dma_semaphore, #tpu.memory_space<semaphore_mem>>
      %dma_start3A = arith.constant 0 : i32
      %dma_start3A_61 = tpu.memref_slice %arg6[%add3A_57, %dma_start3A] : memref<20480x128xf32, #tpu.memory_space<hbm>> -> memref<128x128xf32, #tpu.memory_space<hbm>>
      %dma_start3A_62 = arith.constant 0 : i32
      %dma_start3A_63 = tpu.memref_slice %arg6[%add3A_57, %dma_start3A_62] : memref<20480x128xf32, #tpu.memory_space<hbm>> -> memref<128x128xf32, #tpu.memory_space<hbm>>
      tpu.enqueue_dma source(%arg10 : memref<128x128xf32, #tpu.memory_space<vmem>>) target(%dma_start3A_63 : memref<128x128xf32, #tpu.memory_space<hbm>>) target_semaphore(%run_scoped3A : memref<!tpu.dma_semaphore, #tpu.memory_space<semaphore_mem>>)
      %dma_wait3A = arith.constant 0 : i32
      %dma_wait3A_64 = tpu.memref_slice %arg6[%add3A_57, %dma_wait3A] : memref<20480x128xf32, #tpu.memory_space<hbm>> -> memref<128x128xf32, #tpu.memory_space<hbm>>
      %dma_wait3A_65 = arith.constant 0 : i32
      %dma_wait3A_66 = tpu.memref_slice %arg6[%add3A_57, %dma_wait3A_65] : memref<20480x128xf32, #tpu.memory_space<hbm>> -> memref<128x128xf32, #tpu.memory_space<hbm>>
      tpu.wait_dma2 semaphore(%run_scoped3A : memref<!tpu.dma_semaphore, #tpu.memory_space<semaphore_mem>>) src(%arg10 : memref<128x128xf32, #tpu.memory_space<vmem>>) dst(%dma_wait3A_66 : memref<128x128xf32, #tpu.memory_space<hbm>>)
      tpu.yield
    }) : () -> ()
    %add3A_58 = arith.constant 512 : i32
    %add3A_59 = arith.addi %mul3A_0, %add3A_58 : i32
    "tpu.region"() ({
      %run_scoped3A = tpu.sem_alloc : memref<!tpu.dma_semaphore, #tpu.memory_space<semaphore_mem>>
      %dma_start3A = arith.constant 0 : i32
      %dma_start3A_61 = tpu.memref_slice %arg11[%add3A_59, %dma_start3A] : memref<10240x128xf32, #tpu.memory_space<vmem_shared>> -> memref<128x128xf32, #tpu.memory_space<vmem_shared>>
      %dma_start3A_62 = arith.constant 0 : i32
      %dma_start3A_63 = tpu.memref_slice %arg11[%add3A_59, %dma_start3A_62] : memref<10240x128xf32, #tpu.memory_space<vmem_shared>> -> memref<128x128xf32, #tpu.memory_space<vmem_shared>>
      tpu.enqueue_dma source(%dma_start3A_63 : memref<128x128xf32, #tpu.memory_space<vmem_shared>>) target(%arg9 : memref<128x128xf32, #tpu.memory_space<vmem>>) target_semaphore(%run_scoped3A : memref<!tpu.dma_semaphore, #tpu.memory_space<semaphore_mem>>)
      %dma_wait3A = arith.constant 0 : i32
      %dma_wait3A_64 = tpu.memref_slice %arg11[%add3A_59, %dma_wait3A] : memref<10240x128xf32, #tpu.memory_space<vmem_shared>> -> memref<128x128xf32, #tpu.memory_space<vmem_shared>>
      %dma_wait3A_65 = arith.constant 0 : i32
      %dma_wait3A_66 = tpu.memref_slice %arg11[%add3A_59, %dma_wait3A_65] : memref<10240x128xf32, #tpu.memory_space<vmem_shared>> -> memref<128x128xf32, #tpu.memory_space<vmem_shared>>
      tpu.wait_dma2 semaphore(%run_scoped3A : memref<!tpu.dma_semaphore, #tpu.memory_space<semaphore_mem>>) src(%dma_wait3A_66 : memref<128x128xf32, #tpu.memory_space<vmem_shared>>) dst(%arg9 : memref<128x128xf32, #tpu.memory_space<vmem>>)
      tpu.yield
    }) : () -> ()
    %add3A_60 = arith.addi %mul3A_45, %add3A_59 : i32
    "tpu.region"() ({
      %run_scoped3A = tpu.sem_alloc : memref<!tpu.dma_semaphore, #tpu.memory_space<semaphore_mem>>
      %dma_start3A = arith.constant 0 : i32
      %dma_start3A_61 = tpu.memref_slice %arg6[%add3A_60, %dma_start3A] : memref<20480x128xf32, #tpu.memory_space<hbm>> -> memref<128x128xf32, #tpu.memory_space<hbm>>
      %dma_start3A_62 = arith.constant 0 : i32
      %dma_start3A_63 = tpu.memref_slice %arg6[%add3A_60, %dma_start3A_62] : memref<20480x128xf32, #tpu.memory_space<hbm>> -> memref<128x128xf32, #tpu.memory_space<hbm>>
      tpu.enqueue_dma source(%arg9 : memref<128x128xf32, #tpu.memory_space<vmem>>) target(%dma_start3A_63 : memref<128x128xf32, #tpu.memory_space<hbm>>) target_semaphore(%run_scoped3A : memref<!tpu.dma_semaphore, #tpu.memory_space<semaphore_mem>>)
      %dma_wait3A = arith.constant 0 : i32
      %dma_wait3A_64 = tpu.memref_slice %arg6[%add3A_60, %dma_wait3A] : memref<20480x128xf32, #tpu.memory_space<hbm>> -> memref<128x128xf32, #tpu.memory_space<hbm>>
      %dma_wait3A_65 = arith.constant 0 : i32
      %dma_wait3A_66 = tpu.memref_slice %arg6[%add3A_60, %dma_wait3A_65] : memref<20480x128xf32, #tpu.memory_space<hbm>> -> memref<128x128xf32, #tpu.memory_space<hbm>>
      tpu.wait_dma2 semaphore(%run_scoped3A : memref<!tpu.dma_semaphore, #tpu.memory_space<semaphore_mem>>) src(%arg9 : memref<128x128xf32, #tpu.memory_space<vmem>>) dst(%dma_wait3A_66 : memref<128x128xf32, #tpu.memory_space<hbm>>)
      tpu.yield
    }) : () -> ()
    return
  }
}

#map = affine_map<(d0, d1) -> (0, 0)>
module attributes {stable_mosaic.version = 14 : i64} {
  func.func @body(%arg0: i32, %arg1: i32, %arg2: memref<1280x128xi32, #tpu.memory_space<hbm>>, %arg3: memref<128x128xf32, #tpu.memory_space<hbm>>, %arg4: memref<128x128xf32, #tpu.memory_space<hbm>>, %arg5: memref<20480x128xf32, #tpu.memory_space<hbm>>, %arg6: memref<40x128xi32, #tpu.memory_space<vmem>>, %arg7: memref<128x128xf32, #tpu.memory_space<vmem>>, %arg8: memref<128x128xf32, #tpu.memory_space<vmem>>, %arg9: memref<10240x128xf32, #tpu.memory_space<vmem_shared>>, %arg10: memref<!tpu.dma_semaphore, #tpu.memory_space<semaphore_mem>>) attributes {dimension_semantics = [#tpu.dimension_semantics<core_parallel>, #tpu.dimension_semantics<subcore_parallel>], iteration_bounds = array<i64: 2, 16>, scalar_prefetch = 0 : i64, scratch_operands = 5 : i64, tpu.core_type = #tpu.core_type<sc_vector_subcore>, window_params = [{transform_indices = #map}, {transform_indices = #map}, {transform_indices = #map}, {transform_indices = #map}]} {
    %mul3A = arith.constant 640 : i32
    %mul3A_0 = arith.muli %arg1, %mul3A : i32
    %mul3A_1 = arith.constant 16 : i32
    %mul3A_2 = arith.muli %arg0, %mul3A_1 : i32
    %add3A = arith.addi %mul3A_2, %arg1 : i32
    %mul3A_3 = arith.constant 40 : i32
    %mul3A_4 = arith.muli %add3A, %mul3A_3 : i32
    "tpu.region"() ({
      %run_scoped3A = tpu.sem_alloc : memref<!tpu.dma_semaphore, #tpu.memory_space<semaphore_mem>>
      %dma_start3A = arith.constant 0 : i32
      %dma_start3A_38 = tpu.memref_slice %arg2[%mul3A_4, %dma_start3A] : memref<1280x128xi32, #tpu.memory_space<hbm>> -> memref<40x128xi32, #tpu.memory_space<hbm>>
      %dma_start3A_39 = arith.constant 0 : i32
      %dma_start3A_40 = tpu.memref_slice %arg2[%mul3A_4, %dma_start3A_39] : memref<1280x128xi32, #tpu.memory_space<hbm>> -> memref<40x128xi32, #tpu.memory_space<hbm>>
      tpu.enqueue_dma source(%dma_start3A_40 : memref<40x128xi32, #tpu.memory_space<hbm>>) target(%arg6 : memref<40x128xi32, #tpu.memory_space<vmem>>) target_semaphore(%run_scoped3A : memref<!tpu.dma_semaphore, #tpu.memory_space<semaphore_mem>>)
      %dma_wait3A = arith.constant 0 : i32
      %dma_wait3A_41 = tpu.memref_slice %arg2[%mul3A_4, %dma_wait3A] : memref<1280x128xi32, #tpu.memory_space<hbm>> -> memref<40x128xi32, #tpu.memory_space<hbm>>
      %dma_wait3A_42 = arith.constant 0 : i32
      %dma_wait3A_43 = tpu.memref_slice %arg2[%mul3A_4, %dma_wait3A_42] : memref<1280x128xi32, #tpu.memory_space<hbm>> -> memref<40x128xi32, #tpu.memory_space<hbm>>
      tpu.wait_dma2 semaphore(%run_scoped3A : memref<!tpu.dma_semaphore, #tpu.memory_space<semaphore_mem>>) src(%dma_wait3A_43 : memref<40x128xi32, #tpu.memory_space<hbm>>) dst(%arg6 : memref<40x128xi32, #tpu.memory_space<vmem>>)
      tpu.yield
    }) : () -> ()
    "tpu.region"() ({
      %run_scoped3A = tpu.sem_alloc : memref<!tpu.dma_semaphore, #tpu.memory_space<semaphore_mem>>
      tpu.enqueue_dma source(%arg3 : memref<128x128xf32, #tpu.memory_space<hbm>>) target(%arg7 : memref<128x128xf32, #tpu.memory_space<vmem>>) target_semaphore(%run_scoped3A : memref<!tpu.dma_semaphore, #tpu.memory_space<semaphore_mem>>)
      tpu.wait_dma2 semaphore(%run_scoped3A : memref<!tpu.dma_semaphore, #tpu.memory_space<semaphore_mem>>) src(%arg3 : memref<128x128xf32, #tpu.memory_space<hbm>>) dst(%arg7 : memref<128x128xf32, #tpu.memory_space<vmem>>)
      tpu.yield
    }) : () -> ()
    "tpu.region"() ({
      %run_scoped3A = tpu.sem_alloc : memref<!tpu.dma_semaphore, #tpu.memory_space<semaphore_mem>>
      tpu.enqueue_dma source(%arg4 : memref<128x128xf32, #tpu.memory_space<hbm>>) target(%arg8 : memref<128x128xf32, #tpu.memory_space<vmem>>) target_semaphore(%run_scoped3A : memref<!tpu.dma_semaphore, #tpu.memory_space<semaphore_mem>>)
      tpu.wait_dma2 semaphore(%run_scoped3A : memref<!tpu.dma_semaphore, #tpu.memory_space<semaphore_mem>>) src(%arg4 : memref<128x128xf32, #tpu.memory_space<hbm>>) dst(%arg8 : memref<128x128xf32, #tpu.memory_space<vmem>>)
      tpu.yield
    }) : () -> ()
    %add3A_5 = arith.constant 0 : i32
    %add3A_6 = arith.addi %mul3A_0, %add3A_5 : i32
    "tpu.region"() ({
      %run_scoped3A = tpu.sem_alloc : memref<!tpu.dma_semaphore, #tpu.memory_space<semaphore_mem>>
      %dma_start3A = arith.constant 0 : i32
      %dma_start3A_38 = tpu.memref_slice %arg9[%add3A_6, %dma_start3A] : memref<10240x128xf32, #tpu.memory_space<vmem_shared>> -> memref<128x128xf32, #tpu.memory_space<vmem_shared>>
      %dma_start3A_39 = arith.constant 0 : i32
      %dma_start3A_40 = tpu.memref_slice %arg9[%add3A_6, %dma_start3A_39] : memref<10240x128xf32, #tpu.memory_space<vmem_shared>> -> memref<128x128xf32, #tpu.memory_space<vmem_shared>>
      tpu.enqueue_dma source(%arg8 : memref<128x128xf32, #tpu.memory_space<vmem>>) target(%dma_start3A_40 : memref<128x128xf32, #tpu.memory_space<vmem_shared>>) target_semaphore(%run_scoped3A : memref<!tpu.dma_semaphore, #tpu.memory_space<semaphore_mem>>)
      %dma_wait3A = arith.constant 0 : i32
      %dma_wait3A_41 = tpu.memref_slice %arg9[%add3A_6, %dma_wait3A] : memref<10240x128xf32, #tpu.memory_space<vmem_shared>> -> memref<128x128xf32, #tpu.memory_space<vmem_shared>>
      %dma_wait3A_42 = arith.constant 0 : i32
      %dma_wait3A_43 = tpu.memref_slice %arg9[%add3A_6, %dma_wait3A_42] : memref<10240x128xf32, #tpu.memory_space<vmem_shared>> -> memref<128x128xf32, #tpu.memory_space<vmem_shared>>
      tpu.wait_dma2 semaphore(%run_scoped3A : memref<!tpu.dma_semaphore, #tpu.memory_space<semaphore_mem>>) src(%arg8 : memref<128x128xf32, #tpu.memory_space<vmem>>) dst(%dma_wait3A_43 : memref<128x128xf32, #tpu.memory_space<vmem_shared>>)
      tpu.yield
    }) : () -> ()
    %add3A_7 = arith.constant 128 : i32
    %add3A_8 = arith.addi %mul3A_0, %add3A_7 : i32
    "tpu.region"() ({
      %run_scoped3A = tpu.sem_alloc : memref<!tpu.dma_semaphore, #tpu.memory_space<semaphore_mem>>
      %dma_start3A = arith.constant 0 : i32
      %dma_start3A_38 = tpu.memref_slice %arg9[%add3A_8, %dma_start3A] : memref<10240x128xf32, #tpu.memory_space<vmem_shared>> -> memref<128x128xf32, #tpu.memory_space<vmem_shared>>
      %dma_start3A_39 = arith.constant 0 : i32
      %dma_start3A_40 = tpu.memref_slice %arg9[%add3A_8, %dma_start3A_39] : memref<10240x128xf32, #tpu.memory_space<vmem_shared>> -> memref<128x128xf32, #tpu.memory_space<vmem_shared>>
      tpu.enqueue_dma source(%arg8 : memref<128x128xf32, #tpu.memory_space<vmem>>) target(%dma_start3A_40 : memref<128x128xf32, #tpu.memory_space<vmem_shared>>) target_semaphore(%run_scoped3A : memref<!tpu.dma_semaphore, #tpu.memory_space<semaphore_mem>>)
      %dma_wait3A = arith.constant 0 : i32
      %dma_wait3A_41 = tpu.memref_slice %arg9[%add3A_8, %dma_wait3A] : memref<10240x128xf32, #tpu.memory_space<vmem_shared>> -> memref<128x128xf32, #tpu.memory_space<vmem_shared>>
      %dma_wait3A_42 = arith.constant 0 : i32
      %dma_wait3A_43 = tpu.memref_slice %arg9[%add3A_8, %dma_wait3A_42] : memref<10240x128xf32, #tpu.memory_space<vmem_shared>> -> memref<128x128xf32, #tpu.memory_space<vmem_shared>>
      tpu.wait_dma2 semaphore(%run_scoped3A : memref<!tpu.dma_semaphore, #tpu.memory_space<semaphore_mem>>) src(%arg8 : memref<128x128xf32, #tpu.memory_space<vmem>>) dst(%dma_wait3A_43 : memref<128x128xf32, #tpu.memory_space<vmem_shared>>)
      tpu.yield
    }) : () -> ()
    %add3A_9 = arith.constant 256 : i32
    %add3A_10 = arith.addi %mul3A_0, %add3A_9 : i32
    "tpu.region"() ({
      %run_scoped3A = tpu.sem_alloc : memref<!tpu.dma_semaphore, #tpu.memory_space<semaphore_mem>>
      %dma_start3A = arith.constant 0 : i32
      %dma_start3A_38 = tpu.memref_slice %arg9[%add3A_10, %dma_start3A] : memref<10240x128xf32, #tpu.memory_space<vmem_shared>> -> memref<128x128xf32, #tpu.memory_space<vmem_shared>>
      %dma_start3A_39 = arith.constant 0 : i32
      %dma_start3A_40 = tpu.memref_slice %arg9[%add3A_10, %dma_start3A_39] : memref<10240x128xf32, #tpu.memory_space<vmem_shared>> -> memref<128x128xf32, #tpu.memory_space<vmem_shared>>
      tpu.enqueue_dma source(%arg8 : memref<128x128xf32, #tpu.memory_space<vmem>>) target(%dma_start3A_40 : memref<128x128xf32, #tpu.memory_space<vmem_shared>>) target_semaphore(%run_scoped3A : memref<!tpu.dma_semaphore, #tpu.memory_space<semaphore_mem>>)
      %dma_wait3A = arith.constant 0 : i32
      %dma_wait3A_41 = tpu.memref_slice %arg9[%add3A_10, %dma_wait3A] : memref<10240x128xf32, #tpu.memory_space<vmem_shared>> -> memref<128x128xf32, #tpu.memory_space<vmem_shared>>
      %dma_wait3A_42 = arith.constant 0 : i32
      %dma_wait3A_43 = tpu.memref_slice %arg9[%add3A_10, %dma_wait3A_42] : memref<10240x128xf32, #tpu.memory_space<vmem_shared>> -> memref<128x128xf32, #tpu.memory_space<vmem_shared>>
      tpu.wait_dma2 semaphore(%run_scoped3A : memref<!tpu.dma_semaphore, #tpu.memory_space<semaphore_mem>>) src(%arg8 : memref<128x128xf32, #tpu.memory_space<vmem>>) dst(%dma_wait3A_43 : memref<128x128xf32, #tpu.memory_space<vmem_shared>>)
      tpu.yield
    }) : () -> ()
    %add3A_11 = arith.constant 384 : i32
    %add3A_12 = arith.addi %mul3A_0, %add3A_11 : i32
    "tpu.region"() ({
      %run_scoped3A = tpu.sem_alloc : memref<!tpu.dma_semaphore, #tpu.memory_space<semaphore_mem>>
      %dma_start3A = arith.constant 0 : i32
      %dma_start3A_38 = tpu.memref_slice %arg9[%add3A_12, %dma_start3A] : memref<10240x128xf32, #tpu.memory_space<vmem_shared>> -> memref<128x128xf32, #tpu.memory_space<vmem_shared>>
      %dma_start3A_39 = arith.constant 0 : i32
      %dma_start3A_40 = tpu.memref_slice %arg9[%add3A_12, %dma_start3A_39] : memref<10240x128xf32, #tpu.memory_space<vmem_shared>> -> memref<128x128xf32, #tpu.memory_space<vmem_shared>>
      tpu.enqueue_dma source(%arg8 : memref<128x128xf32, #tpu.memory_space<vmem>>) target(%dma_start3A_40 : memref<128x128xf32, #tpu.memory_space<vmem_shared>>) target_semaphore(%run_scoped3A : memref<!tpu.dma_semaphore, #tpu.memory_space<semaphore_mem>>)
      %dma_wait3A = arith.constant 0 : i32
      %dma_wait3A_41 = tpu.memref_slice %arg9[%add3A_12, %dma_wait3A] : memref<10240x128xf32, #tpu.memory_space<vmem_shared>> -> memref<128x128xf32, #tpu.memory_space<vmem_shared>>
      %dma_wait3A_42 = arith.constant 0 : i32
      %dma_wait3A_43 = tpu.memref_slice %arg9[%add3A_12, %dma_wait3A_42] : memref<10240x128xf32, #tpu.memory_space<vmem_shared>> -> memref<128x128xf32, #tpu.memory_space<vmem_shared>>
      tpu.wait_dma2 semaphore(%run_scoped3A : memref<!tpu.dma_semaphore, #tpu.memory_space<semaphore_mem>>) src(%arg8 : memref<128x128xf32, #tpu.memory_space<vmem>>) dst(%dma_wait3A_43 : memref<128x128xf32, #tpu.memory_space<vmem_shared>>)
      tpu.yield
    }) : () -> ()
    %add3A_13 = arith.constant 512 : i32
    %add3A_14 = arith.addi %mul3A_0, %add3A_13 : i32
    "tpu.region"() ({
      %run_scoped3A = tpu.sem_alloc : memref<!tpu.dma_semaphore, #tpu.memory_space<semaphore_mem>>
      %dma_start3A = arith.constant 0 : i32
      %dma_start3A_38 = tpu.memref_slice %arg9[%add3A_14, %dma_start3A] : memref<10240x128xf32, #tpu.memory_space<vmem_shared>> -> memref<128x128xf32, #tpu.memory_space<vmem_shared>>
      %dma_start3A_39 = arith.constant 0 : i32
      %dma_start3A_40 = tpu.memref_slice %arg9[%add3A_14, %dma_start3A_39] : memref<10240x128xf32, #tpu.memory_space<vmem_shared>> -> memref<128x128xf32, #tpu.memory_space<vmem_shared>>
      tpu.enqueue_dma source(%arg8 : memref<128x128xf32, #tpu.memory_space<vmem>>) target(%dma_start3A_40 : memref<128x128xf32, #tpu.memory_space<vmem_shared>>) target_semaphore(%run_scoped3A : memref<!tpu.dma_semaphore, #tpu.memory_space<semaphore_mem>>)
      %dma_wait3A = arith.constant 0 : i32
      %dma_wait3A_41 = tpu.memref_slice %arg9[%add3A_14, %dma_wait3A] : memref<10240x128xf32, #tpu.memory_space<vmem_shared>> -> memref<128x128xf32, #tpu.memory_space<vmem_shared>>
      %dma_wait3A_42 = arith.constant 0 : i32
      %dma_wait3A_43 = tpu.memref_slice %arg9[%add3A_14, %dma_wait3A_42] : memref<10240x128xf32, #tpu.memory_space<vmem_shared>> -> memref<128x128xf32, #tpu.memory_space<vmem_shared>>
      tpu.wait_dma2 semaphore(%run_scoped3A : memref<!tpu.dma_semaphore, #tpu.memory_space<semaphore_mem>>) src(%arg8 : memref<128x128xf32, #tpu.memory_space<vmem>>) dst(%dma_wait3A_43 : memref<128x128xf32, #tpu.memory_space<vmem_shared>>)
      tpu.yield
    }) : () -> ()
    %barrier3A = arith.constant 0 : index
    tpu.barrier barrier_id(%barrier3A)
    %scan3A = arith.constant 0 : i32
    %scan3A_15 = arith.constant 0 : i32
    %scan3A_16 = arith.constant 40 : i32
    %scan3A_17 = arith.addi %scan3A_15, %scan3A_16 : i32
    %scan3A_18 = arith.constant 1 : i32
    scf.for %scan3A_38 = %scan3A_15 to %scan3A_17 step %scan3A_18  : i32 {
      %dma_start3A = arith.constant 0 : i32
      %dma_start3A_39 = tpu.memref_slice %arg6[%scan3A_38, %dma_start3A] : memref<40x128xi32, #tpu.memory_space<vmem>> -> memref<1x128xi32, #tpu.memory_space<vmem>>
      %dma_start3A_40 = tpu.memref_squeeze %dma_start3A_39 : memref<1x128xi32, #tpu.memory_space<vmem>> -> memref<128xi32, #tpu.memory_space<vmem>>
      %dma_start3A_41 = arith.constant 0 : i32
      %dma_start3A_42 = arith.constant 0 : i32
      %dma_start3A_43 = tpu.memref_slice %arg9[%dma_start3A_41, %dma_start3A_42] : memref<10240x128xf32, #tpu.memory_space<vmem_shared>> -> memref<10240x128xf32, #tpu.memory_space<vmem_shared>>
      tpu.enqueue_indirect_dma source(%arg7 : memref<128x128xf32, #tpu.memory_space<vmem>>) target(%dma_start3A_43 : memref<10240x128xf32, #tpu.memory_space<vmem_shared>>) offsets(%dma_start3A_40 : memref<128xi32, #tpu.memory_space<vmem>>) semaphore(%arg10 : memref<!tpu.dma_semaphore, #tpu.memory_space<semaphore_mem>>) {add = true}
      %ge3A = arith.constant 8 : i32
      %ge3A_44 = arith.cmpi sge, %scan3A_38, %ge3A : i32
      %convert_element_type3A = arith.extui %ge3A_44 : i1 to i32
      %cond3A = arith.constant 0 : i32
      %cond3A_45 = arith.cmpi ne, %convert_element_type3A, %cond3A : i32
      scf.if %cond3A_45 {
        tpu.wait_dma2 semaphore(%arg10 : memref<!tpu.dma_semaphore, #tpu.memory_space<semaphore_mem>>) src(%arg4 : memref<128x128xf32, #tpu.memory_space<hbm>>) dst(%arg8 : memref<128x128xf32, #tpu.memory_space<vmem>>)
      } else {
      }
    }
    %scan3A_19 = arith.constant 40 : i32
    tpu.wait_dma2 semaphore(%arg10 : memref<!tpu.dma_semaphore, #tpu.memory_space<semaphore_mem>>) src(%arg4 : memref<128x128xf32, #tpu.memory_space<hbm>>) dst(%arg8 : memref<128x128xf32, #tpu.memory_space<vmem>>)
    tpu.wait_dma2 semaphore(%arg10 : memref<!tpu.dma_semaphore, #tpu.memory_space<semaphore_mem>>) src(%arg4 : memref<128x128xf32, #tpu.memory_space<hbm>>) dst(%arg8 : memref<128x128xf32, #tpu.memory_space<vmem>>)
    tpu.wait_dma2 semaphore(%arg10 : memref<!tpu.dma_semaphore, #tpu.memory_space<semaphore_mem>>) src(%arg4 : memref<128x128xf32, #tpu.memory_space<hbm>>) dst(%arg8 : memref<128x128xf32, #tpu.memory_space<vmem>>)
    tpu.wait_dma2 semaphore(%arg10 : memref<!tpu.dma_semaphore, #tpu.memory_space<semaphore_mem>>) src(%arg4 : memref<128x128xf32, #tpu.memory_space<hbm>>) dst(%arg8 : memref<128x128xf32, #tpu.memory_space<vmem>>)
    tpu.wait_dma2 semaphore(%arg10 : memref<!tpu.dma_semaphore, #tpu.memory_space<semaphore_mem>>) src(%arg4 : memref<128x128xf32, #tpu.memory_space<hbm>>) dst(%arg8 : memref<128x128xf32, #tpu.memory_space<vmem>>)
    tpu.wait_dma2 semaphore(%arg10 : memref<!tpu.dma_semaphore, #tpu.memory_space<semaphore_mem>>) src(%arg4 : memref<128x128xf32, #tpu.memory_space<hbm>>) dst(%arg8 : memref<128x128xf32, #tpu.memory_space<vmem>>)
    tpu.wait_dma2 semaphore(%arg10 : memref<!tpu.dma_semaphore, #tpu.memory_space<semaphore_mem>>) src(%arg4 : memref<128x128xf32, #tpu.memory_space<hbm>>) dst(%arg8 : memref<128x128xf32, #tpu.memory_space<vmem>>)
    tpu.wait_dma2 semaphore(%arg10 : memref<!tpu.dma_semaphore, #tpu.memory_space<semaphore_mem>>) src(%arg4 : memref<128x128xf32, #tpu.memory_space<hbm>>) dst(%arg8 : memref<128x128xf32, #tpu.memory_space<vmem>>)
    %barrier3A_20 = arith.constant 0 : index
    tpu.barrier barrier_id(%barrier3A_20)
    %mul3A_21 = arith.constant 10240 : i32
    %mul3A_22 = arith.muli %arg0, %mul3A_21 : i32
    %add3A_23 = arith.constant 0 : i32
    %add3A_24 = arith.addi %mul3A_0, %add3A_23 : i32
    "tpu.region"() ({
      %run_scoped3A = tpu.sem_alloc : memref<!tpu.dma_semaphore, #tpu.memory_space<semaphore_mem>>
      %dma_start3A = arith.constant 0 : i32
      %dma_start3A_38 = tpu.memref_slice %arg9[%add3A_24, %dma_start3A] : memref<10240x128xf32, #tpu.memory_space<vmem_shared>> -> memref<128x128xf32, #tpu.memory_space<vmem_shared>>
      %dma_start3A_39 = arith.constant 0 : i32
      %dma_start3A_40 = tpu.memref_slice %arg9[%add3A_24, %dma_start3A_39] : memref<10240x128xf32, #tpu.memory_space<vmem_shared>> -> memref<128x128xf32, #tpu.memory_space<vmem_shared>>
      tpu.enqueue_dma source(%dma_start3A_40 : memref<128x128xf32, #tpu.memory_space<vmem_shared>>) target(%arg8 : memref<128x128xf32, #tpu.memory_space<vmem>>) target_semaphore(%run_scoped3A : memref<!tpu.dma_semaphore, #tpu.memory_space<semaphore_mem>>)
      %dma_wait3A = arith.constant 0 : i32
      %dma_wait3A_41 = tpu.memref_slice %arg9[%add3A_24, %dma_wait3A] : memref<10240x128xf32, #tpu.memory_space<vmem_shared>> -> memref<128x128xf32, #tpu.memory_space<vmem_shared>>
      %dma_wait3A_42 = arith.constant 0 : i32
      %dma_wait3A_43 = tpu.memref_slice %arg9[%add3A_24, %dma_wait3A_42] : memref<10240x128xf32, #tpu.memory_space<vmem_shared>> -> memref<128x128xf32, #tpu.memory_space<vmem_shared>>
      tpu.wait_dma2 semaphore(%run_scoped3A : memref<!tpu.dma_semaphore, #tpu.memory_space<semaphore_mem>>) src(%dma_wait3A_43 : memref<128x128xf32, #tpu.memory_space<vmem_shared>>) dst(%arg8 : memref<128x128xf32, #tpu.memory_space<vmem>>)
      tpu.yield
    }) : () -> ()
    %add3A_25 = arith.addi %mul3A_22, %add3A_24 : i32
    "tpu.region"() ({
      %run_scoped3A = tpu.sem_alloc : memref<!tpu.dma_semaphore, #tpu.memory_space<semaphore_mem>>
      %dma_start3A = arith.constant 0 : i32
      %dma_start3A_38 = tpu.memref_slice %arg5[%add3A_25, %dma_start3A] : memref<20480x128xf32, #tpu.memory_space<hbm>> -> memref<128x128xf32, #tpu.memory_space<hbm>>
      %dma_start3A_39 = arith.constant 0 : i32
      %dma_start3A_40 = tpu.memref_slice %arg5[%add3A_25, %dma_start3A_39] : memref<20480x128xf32, #tpu.memory_space<hbm>> -> memref<128x128xf32, #tpu.memory_space<hbm>>
      tpu.enqueue_dma source(%arg8 : memref<128x128xf32, #tpu.memory_space<vmem>>) target(%dma_start3A_40 : memref<128x128xf32, #tpu.memory_space<hbm>>) target_semaphore(%run_scoped3A : memref<!tpu.dma_semaphore, #tpu.memory_space<semaphore_mem>>)
      %dma_wait3A = arith.constant 0 : i32
      %dma_wait3A_41 = tpu.memref_slice %arg5[%add3A_25, %dma_wait3A] : memref<20480x128xf32, #tpu.memory_space<hbm>> -> memref<128x128xf32, #tpu.memory_space<hbm>>
      %dma_wait3A_42 = arith.constant 0 : i32
      %dma_wait3A_43 = tpu.memref_slice %arg5[%add3A_25, %dma_wait3A_42] : memref<20480x128xf32, #tpu.memory_space<hbm>> -> memref<128x128xf32, #tpu.memory_space<hbm>>
      tpu.wait_dma2 semaphore(%run_scoped3A : memref<!tpu.dma_semaphore, #tpu.memory_space<semaphore_mem>>) src(%arg8 : memref<128x128xf32, #tpu.memory_space<vmem>>) dst(%dma_wait3A_43 : memref<128x128xf32, #tpu.memory_space<hbm>>)
      tpu.yield
    }) : () -> ()
    %add3A_26 = arith.constant 128 : i32
    %add3A_27 = arith.addi %mul3A_0, %add3A_26 : i32
    "tpu.region"() ({
      %run_scoped3A = tpu.sem_alloc : memref<!tpu.dma_semaphore, #tpu.memory_space<semaphore_mem>>
      %dma_start3A = arith.constant 0 : i32
      %dma_start3A_38 = tpu.memref_slice %arg9[%add3A_27, %dma_start3A] : memref<10240x128xf32, #tpu.memory_space<vmem_shared>> -> memref<128x128xf32, #tpu.memory_space<vmem_shared>>
      %dma_start3A_39 = arith.constant 0 : i32
      %dma_start3A_40 = tpu.memref_slice %arg9[%add3A_27, %dma_start3A_39] : memref<10240x128xf32, #tpu.memory_space<vmem_shared>> -> memref<128x128xf32, #tpu.memory_space<vmem_shared>>
      tpu.enqueue_dma source(%dma_start3A_40 : memref<128x128xf32, #tpu.memory_space<vmem_shared>>) target(%arg8 : memref<128x128xf32, #tpu.memory_space<vmem>>) target_semaphore(%run_scoped3A : memref<!tpu.dma_semaphore, #tpu.memory_space<semaphore_mem>>)
      %dma_wait3A = arith.constant 0 : i32
      %dma_wait3A_41 = tpu.memref_slice %arg9[%add3A_27, %dma_wait3A] : memref<10240x128xf32, #tpu.memory_space<vmem_shared>> -> memref<128x128xf32, #tpu.memory_space<vmem_shared>>
      %dma_wait3A_42 = arith.constant 0 : i32
      %dma_wait3A_43 = tpu.memref_slice %arg9[%add3A_27, %dma_wait3A_42] : memref<10240x128xf32, #tpu.memory_space<vmem_shared>> -> memref<128x128xf32, #tpu.memory_space<vmem_shared>>
      tpu.wait_dma2 semaphore(%run_scoped3A : memref<!tpu.dma_semaphore, #tpu.memory_space<semaphore_mem>>) src(%dma_wait3A_43 : memref<128x128xf32, #tpu.memory_space<vmem_shared>>) dst(%arg8 : memref<128x128xf32, #tpu.memory_space<vmem>>)
      tpu.yield
    }) : () -> ()
    %add3A_28 = arith.addi %mul3A_22, %add3A_27 : i32
    "tpu.region"() ({
      %run_scoped3A = tpu.sem_alloc : memref<!tpu.dma_semaphore, #tpu.memory_space<semaphore_mem>>
      %dma_start3A = arith.constant 0 : i32
      %dma_start3A_38 = tpu.memref_slice %arg5[%add3A_28, %dma_start3A] : memref<20480x128xf32, #tpu.memory_space<hbm>> -> memref<128x128xf32, #tpu.memory_space<hbm>>
      %dma_start3A_39 = arith.constant 0 : i32
      %dma_start3A_40 = tpu.memref_slice %arg5[%add3A_28, %dma_start3A_39] : memref<20480x128xf32, #tpu.memory_space<hbm>> -> memref<128x128xf32, #tpu.memory_space<hbm>>
      tpu.enqueue_dma source(%arg8 : memref<128x128xf32, #tpu.memory_space<vmem>>) target(%dma_start3A_40 : memref<128x128xf32, #tpu.memory_space<hbm>>) target_semaphore(%run_scoped3A : memref<!tpu.dma_semaphore, #tpu.memory_space<semaphore_mem>>)
      %dma_wait3A = arith.constant 0 : i32
      %dma_wait3A_41 = tpu.memref_slice %arg5[%add3A_28, %dma_wait3A] : memref<20480x128xf32, #tpu.memory_space<hbm>> -> memref<128x128xf32, #tpu.memory_space<hbm>>
      %dma_wait3A_42 = arith.constant 0 : i32
      %dma_wait3A_43 = tpu.memref_slice %arg5[%add3A_28, %dma_wait3A_42] : memref<20480x128xf32, #tpu.memory_space<hbm>> -> memref<128x128xf32, #tpu.memory_space<hbm>>
      tpu.wait_dma2 semaphore(%run_scoped3A : memref<!tpu.dma_semaphore, #tpu.memory_space<semaphore_mem>>) src(%arg8 : memref<128x128xf32, #tpu.memory_space<vmem>>) dst(%dma_wait3A_43 : memref<128x128xf32, #tpu.memory_space<hbm>>)
      tpu.yield
    }) : () -> ()
    %add3A_29 = arith.constant 256 : i32
    %add3A_30 = arith.addi %mul3A_0, %add3A_29 : i32
    "tpu.region"() ({
      %run_scoped3A = tpu.sem_alloc : memref<!tpu.dma_semaphore, #tpu.memory_space<semaphore_mem>>
      %dma_start3A = arith.constant 0 : i32
      %dma_start3A_38 = tpu.memref_slice %arg9[%add3A_30, %dma_start3A] : memref<10240x128xf32, #tpu.memory_space<vmem_shared>> -> memref<128x128xf32, #tpu.memory_space<vmem_shared>>
      %dma_start3A_39 = arith.constant 0 : i32
      %dma_start3A_40 = tpu.memref_slice %arg9[%add3A_30, %dma_start3A_39] : memref<10240x128xf32, #tpu.memory_space<vmem_shared>> -> memref<128x128xf32, #tpu.memory_space<vmem_shared>>
      tpu.enqueue_dma source(%dma_start3A_40 : memref<128x128xf32, #tpu.memory_space<vmem_shared>>) target(%arg8 : memref<128x128xf32, #tpu.memory_space<vmem>>) target_semaphore(%run_scoped3A : memref<!tpu.dma_semaphore, #tpu.memory_space<semaphore_mem>>)
      %dma_wait3A = arith.constant 0 : i32
      %dma_wait3A_41 = tpu.memref_slice %arg9[%add3A_30, %dma_wait3A] : memref<10240x128xf32, #tpu.memory_space<vmem_shared>> -> memref<128x128xf32, #tpu.memory_space<vmem_shared>>
      %dma_wait3A_42 = arith.constant 0 : i32
      %dma_wait3A_43 = tpu.memref_slice %arg9[%add3A_30, %dma_wait3A_42] : memref<10240x128xf32, #tpu.memory_space<vmem_shared>> -> memref<128x128xf32, #tpu.memory_space<vmem_shared>>
      tpu.wait_dma2 semaphore(%run_scoped3A : memref<!tpu.dma_semaphore, #tpu.memory_space<semaphore_mem>>) src(%dma_wait3A_43 : memref<128x128xf32, #tpu.memory_space<vmem_shared>>) dst(%arg8 : memref<128x128xf32, #tpu.memory_space<vmem>>)
      tpu.yield
    }) : () -> ()
    %add3A_31 = arith.addi %mul3A_22, %add3A_30 : i32
    "tpu.region"() ({
      %run_scoped3A = tpu.sem_alloc : memref<!tpu.dma_semaphore, #tpu.memory_space<semaphore_mem>>
      %dma_start3A = arith.constant 0 : i32
      %dma_start3A_38 = tpu.memref_slice %arg5[%add3A_31, %dma_start3A] : memref<20480x128xf32, #tpu.memory_space<hbm>> -> memref<128x128xf32, #tpu.memory_space<hbm>>
      %dma_start3A_39 = arith.constant 0 : i32
      %dma_start3A_40 = tpu.memref_slice %arg5[%add3A_31, %dma_start3A_39] : memref<20480x128xf32, #tpu.memory_space<hbm>> -> memref<128x128xf32, #tpu.memory_space<hbm>>
      tpu.enqueue_dma source(%arg8 : memref<128x128xf32, #tpu.memory_space<vmem>>) target(%dma_start3A_40 : memref<128x128xf32, #tpu.memory_space<hbm>>) target_semaphore(%run_scoped3A : memref<!tpu.dma_semaphore, #tpu.memory_space<semaphore_mem>>)
      %dma_wait3A = arith.constant 0 : i32
      %dma_wait3A_41 = tpu.memref_slice %arg5[%add3A_31, %dma_wait3A] : memref<20480x128xf32, #tpu.memory_space<hbm>> -> memref<128x128xf32, #tpu.memory_space<hbm>>
      %dma_wait3A_42 = arith.constant 0 : i32
      %dma_wait3A_43 = tpu.memref_slice %arg5[%add3A_31, %dma_wait3A_42] : memref<20480x128xf32, #tpu.memory_space<hbm>> -> memref<128x128xf32, #tpu.memory_space<hbm>>
      tpu.wait_dma2 semaphore(%run_scoped3A : memref<!tpu.dma_semaphore, #tpu.memory_space<semaphore_mem>>) src(%arg8 : memref<128x128xf32, #tpu.memory_space<vmem>>) dst(%dma_wait3A_43 : memref<128x128xf32, #tpu.memory_space<hbm>>)
      tpu.yield
    }) : () -> ()
    %add3A_32 = arith.constant 384 : i32
    %add3A_33 = arith.addi %mul3A_0, %add3A_32 : i32
    "tpu.region"() ({
      %run_scoped3A = tpu.sem_alloc : memref<!tpu.dma_semaphore, #tpu.memory_space<semaphore_mem>>
      %dma_start3A = arith.constant 0 : i32
      %dma_start3A_38 = tpu.memref_slice %arg9[%add3A_33, %dma_start3A] : memref<10240x128xf32, #tpu.memory_space<vmem_shared>> -> memref<128x128xf32, #tpu.memory_space<vmem_shared>>
      %dma_start3A_39 = arith.constant 0 : i32
      %dma_start3A_40 = tpu.memref_slice %arg9[%add3A_33, %dma_start3A_39] : memref<10240x128xf32, #tpu.memory_space<vmem_shared>> -> memref<128x128xf32, #tpu.memory_space<vmem_shared>>
      tpu.enqueue_dma source(%dma_start3A_40 : memref<128x128xf32, #tpu.memory_space<vmem_shared>>) target(%arg8 : memref<128x128xf32, #tpu.memory_space<vmem>>) target_semaphore(%run_scoped3A : memref<!tpu.dma_semaphore, #tpu.memory_space<semaphore_mem>>)
      %dma_wait3A = arith.constant 0 : i32
      %dma_wait3A_41 = tpu.memref_slice %arg9[%add3A_33, %dma_wait3A] : memref<10240x128xf32, #tpu.memory_space<vmem_shared>> -> memref<128x128xf32, #tpu.memory_space<vmem_shared>>
      %dma_wait3A_42 = arith.constant 0 : i32
      %dma_wait3A_43 = tpu.memref_slice %arg9[%add3A_33, %dma_wait3A_42] : memref<10240x128xf32, #tpu.memory_space<vmem_shared>> -> memref<128x128xf32, #tpu.memory_space<vmem_shared>>
      tpu.wait_dma2 semaphore(%run_scoped3A : memref<!tpu.dma_semaphore, #tpu.memory_space<semaphore_mem>>) src(%dma_wait3A_43 : memref<128x128xf32, #tpu.memory_space<vmem_shared>>) dst(%arg8 : memref<128x128xf32, #tpu.memory_space<vmem>>)
      tpu.yield
    }) : () -> ()
    %add3A_34 = arith.addi %mul3A_22, %add3A_33 : i32
    "tpu.region"() ({
      %run_scoped3A = tpu.sem_alloc : memref<!tpu.dma_semaphore, #tpu.memory_space<semaphore_mem>>
      %dma_start3A = arith.constant 0 : i32
      %dma_start3A_38 = tpu.memref_slice %arg5[%add3A_34, %dma_start3A] : memref<20480x128xf32, #tpu.memory_space<hbm>> -> memref<128x128xf32, #tpu.memory_space<hbm>>
      %dma_start3A_39 = arith.constant 0 : i32
      %dma_start3A_40 = tpu.memref_slice %arg5[%add3A_34, %dma_start3A_39] : memref<20480x128xf32, #tpu.memory_space<hbm>> -> memref<128x128xf32, #tpu.memory_space<hbm>>
      tpu.enqueue_dma source(%arg8 : memref<128x128xf32, #tpu.memory_space<vmem>>) target(%dma_start3A_40 : memref<128x128xf32, #tpu.memory_space<hbm>>) target_semaphore(%run_scoped3A : memref<!tpu.dma_semaphore, #tpu.memory_space<semaphore_mem>>)
      %dma_wait3A = arith.constant 0 : i32
      %dma_wait3A_41 = tpu.memref_slice %arg5[%add3A_34, %dma_wait3A] : memref<20480x128xf32, #tpu.memory_space<hbm>> -> memref<128x128xf32, #tpu.memory_space<hbm>>
      %dma_wait3A_42 = arith.constant 0 : i32
      %dma_wait3A_43 = tpu.memref_slice %arg5[%add3A_34, %dma_wait3A_42] : memref<20480x128xf32, #tpu.memory_space<hbm>> -> memref<128x128xf32, #tpu.memory_space<hbm>>
      tpu.wait_dma2 semaphore(%run_scoped3A : memref<!tpu.dma_semaphore, #tpu.memory_space<semaphore_mem>>) src(%arg8 : memref<128x128xf32, #tpu.memory_space<vmem>>) dst(%dma_wait3A_43 : memref<128x128xf32, #tpu.memory_space<hbm>>)
      tpu.yield
    }) : () -> ()
    %add3A_35 = arith.constant 512 : i32
    %add3A_36 = arith.addi %mul3A_0, %add3A_35 : i32
    "tpu.region"() ({
      %run_scoped3A = tpu.sem_alloc : memref<!tpu.dma_semaphore, #tpu.memory_space<semaphore_mem>>
      %dma_start3A = arith.constant 0 : i32
      %dma_start3A_38 = tpu.memref_slice %arg9[%add3A_36, %dma_start3A] : memref<10240x128xf32, #tpu.memory_space<vmem_shared>> -> memref<128x128xf32, #tpu.memory_space<vmem_shared>>
      %dma_start3A_39 = arith.constant 0 : i32
      %dma_start3A_40 = tpu.memref_slice %arg9[%add3A_36, %dma_start3A_39] : memref<10240x128xf32, #tpu.memory_space<vmem_shared>> -> memref<128x128xf32, #tpu.memory_space<vmem_shared>>
      tpu.enqueue_dma source(%dma_start3A_40 : memref<128x128xf32, #tpu.memory_space<vmem_shared>>) target(%arg8 : memref<128x128xf32, #tpu.memory_space<vmem>>) target_semaphore(%run_scoped3A : memref<!tpu.dma_semaphore, #tpu.memory_space<semaphore_mem>>)
      %dma_wait3A = arith.constant 0 : i32
      %dma_wait3A_41 = tpu.memref_slice %arg9[%add3A_36, %dma_wait3A] : memref<10240x128xf32, #tpu.memory_space<vmem_shared>> -> memref<128x128xf32, #tpu.memory_space<vmem_shared>>
      %dma_wait3A_42 = arith.constant 0 : i32
      %dma_wait3A_43 = tpu.memref_slice %arg9[%add3A_36, %dma_wait3A_42] : memref<10240x128xf32, #tpu.memory_space<vmem_shared>> -> memref<128x128xf32, #tpu.memory_space<vmem_shared>>
      tpu.wait_dma2 semaphore(%run_scoped3A : memref<!tpu.dma_semaphore, #tpu.memory_space<semaphore_mem>>) src(%dma_wait3A_43 : memref<128x128xf32, #tpu.memory_space<vmem_shared>>) dst(%arg8 : memref<128x128xf32, #tpu.memory_space<vmem>>)
      tpu.yield
    }) : () -> ()
    %add3A_37 = arith.addi %mul3A_22, %add3A_36 : i32
    "tpu.region"() ({
      %run_scoped3A = tpu.sem_alloc : memref<!tpu.dma_semaphore, #tpu.memory_space<semaphore_mem>>
      %dma_start3A = arith.constant 0 : i32
      %dma_start3A_38 = tpu.memref_slice %arg5[%add3A_37, %dma_start3A] : memref<20480x128xf32, #tpu.memory_space<hbm>> -> memref<128x128xf32, #tpu.memory_space<hbm>>
      %dma_start3A_39 = arith.constant 0 : i32
      %dma_start3A_40 = tpu.memref_slice %arg5[%add3A_37, %dma_start3A_39] : memref<20480x128xf32, #tpu.memory_space<hbm>> -> memref<128x128xf32, #tpu.memory_space<hbm>>
      tpu.enqueue_dma source(%arg8 : memref<128x128xf32, #tpu.memory_space<vmem>>) target(%dma_start3A_40 : memref<128x128xf32, #tpu.memory_space<hbm>>) target_semaphore(%run_scoped3A : memref<!tpu.dma_semaphore, #tpu.memory_space<semaphore_mem>>)
      %dma_wait3A = arith.constant 0 : i32
      %dma_wait3A_41 = tpu.memref_slice %arg5[%add3A_37, %dma_wait3A] : memref<20480x128xf32, #tpu.memory_space<hbm>> -> memref<128x128xf32, #tpu.memory_space<hbm>>
      %dma_wait3A_42 = arith.constant 0 : i32
      %dma_wait3A_43 = tpu.memref_slice %arg5[%add3A_37, %dma_wait3A_42] : memref<20480x128xf32, #tpu.memory_space<hbm>> -> memref<128x128xf32, #tpu.memory_space<hbm>>
      tpu.wait_dma2 semaphore(%run_scoped3A : memref<!tpu.dma_semaphore, #tpu.memory_space<semaphore_mem>>) src(%arg8 : memref<128x128xf32, #tpu.memory_space<vmem>>) dst(%dma_wait3A_43 : memref<128x128xf32, #tpu.memory_space<hbm>>)
      tpu.yield
    }) : () -> ()
    return
  }
}

module attributes {stable_mosaic.version = 14 : i64} {
  func.func @_tc1_body(%arg0: i32, %arg1: memref<2000x256xf32, #tpu.memory_space<vmem>>, %arg2: memref<256x256xf32, #tpu.memory_space<vmem>>, %arg3: memref<1x256xf32, #tpu.memory_space<vmem>>, %arg4: memref<256x256xf32, #tpu.memory_space<vmem>>, %arg5: memref<256x256xf32, #tpu.memory_space<vmem>>, %arg6: memref<2000x256xf32, #tpu.memory_space<vmem>>, %arg7: memref<2000x256xf32, #tpu.memory_space<vmem>>) attributes {dimension_semantics = [#tpu.dimension_semantics<arbitrary>], iteration_bounds = array<i64: 5>, scalar_prefetch = 0 : i64, scratch_operands = 0 : i64, tpu.core_type = #tpu.core_type<tc>, window_params = [{transform_indices = @transform_0, window_bounds = array<i64: 2000, 256>}, {pipeline_mode = #tpu.pipeline_mode<synchronous>, transform_indices = @transform_1, window_bounds = array<i64: 256, 256>}, {pipeline_mode = #tpu.pipeline_mode<synchronous>, transform_indices = @transform_2, window_bounds = array<i64: 1, 256>}, {pipeline_mode = #tpu.pipeline_mode<synchronous>, transform_indices = @transform_3, window_bounds = array<i64: 256, 256>}, {pipeline_mode = #tpu.pipeline_mode<synchronous>, transform_indices = @transform_4, window_bounds = array<i64: 256, 256>}, {transform_indices = @transform_5, window_bounds = array<i64: 2000, 256>}, {transform_indices = @transform_6, window_bounds = array<i64: 2000, 256>}]} {
    %get3A = arith.constant 0 : index
    %get3A_0 = arith.constant 0 : index
    %get3A_1 = vector.load %arg1[%get3A, %get3A_0] : memref<2000x256xf32, #tpu.memory_space<vmem>>, vector<2000x256xf32>
    %get3A_2 = arith.constant 0 : index
    %get3A_3 = arith.constant 0 : index
    %get3A_4 = vector.load %arg2[%get3A_2, %get3A_3] : memref<256x256xf32, #tpu.memory_space<vmem>>, vector<256x256xf32>
    %dot_general3A = arith.constant dense<0.000000e+00> : vector<2000x256xf32>
    %dot_general3A_5 = tpu.matmul %get3A_1, %get3A_4, %dot_general3A {dimension_numbers = #tpu.dot_dimension_numbers<[1], [0], [0], [1], [0, 0, 1, 1], [], []>, transpose_lhs_hint = false} : vector<2000x256xf32>, vector<256x256xf32>, vector<2000x256xf32> -> vector<2000x256xf32>
    %get3A_6 = arith.constant 0 : index
    %get3A_7 = arith.constant 0 : index
    %get3A_8 = vector.load %arg3[%get3A_6, %get3A_7] : memref<1x256xf32, #tpu.memory_space<vmem>>, vector<1x256xf32>
    %add3A = vector.broadcast %get3A_8 : vector<1x256xf32> to vector<2000x256xf32>
    %add3A_9 = arith.addf %dot_general3A_5, %add3A : vector<2000x256xf32>
    %gt3A = arith.constant 0.000000e+00 : f32
    %gt3A_10 = vector.broadcast %gt3A : f32 to vector<2000x256xf32>
    %gt3A_11 = arith.cmpf ogt, %add3A_9, %gt3A_10 : vector<2000x256xf32>
    %mul3A = arith.constant 2.000000e-01 : f32
    %mul3A_12 = vector.broadcast %mul3A : f32 to vector<2000x256xf32>
    %mul3A_13 = arith.mulf %mul3A_12, %add3A_9 : vector<2000x256xf32>
    %select_n3A = arith.select %gt3A_11, %add3A_9, %mul3A_13 : vector<2000x256xi1>, vector<2000x256xf32>
    %get3A_14 = arith.constant 0 : index
    %get3A_15 = arith.constant 0 : index
    %get3A_16 = vector.load %arg4[%get3A_14, %get3A_15] : memref<256x256xf32, #tpu.memory_space<vmem>>, vector<256x256xf32>
    %dot_general3A_17 = arith.constant dense<0.000000e+00> : vector<2000x256xf32>
    %dot_general3A_18 = tpu.matmul %select_n3A, %get3A_16, %dot_general3A_17 {dimension_numbers = #tpu.dot_dimension_numbers<[1], [0], [0], [1], [0, 0, 1, 1], [], []>, transpose_lhs_hint = false} : vector<2000x256xf32>, vector<256x256xf32>, vector<2000x256xf32> -> vector<2000x256xf32>
    %swap3A = arith.constant 0 : index
    %swap3A_19 = arith.constant 0 : index
    %swap3A_20 = vector.load %arg6[%swap3A, %swap3A_19] : memref<2000x256xf32, #tpu.memory_space<vmem>>, vector<2000x256xf32>
    tpu.vector_store %arg6[%swap3A, %swap3A_19], %dot_general3A_18 {strides = array<i32>} : memref<2000x256xf32, #tpu.memory_space<vmem>>, vector<2000x256xf32>,
    %get3A_21 = arith.constant 0 : index
    %get3A_22 = arith.constant 0 : index
    %get3A_23 = vector.load %arg5[%get3A_21, %get3A_22] : memref<256x256xf32, #tpu.memory_space<vmem>>, vector<256x256xf32>
    %dot_general3A_24 = arith.constant dense<0.000000e+00> : vector<2000x256xf32>
    %dot_general3A_25 = tpu.matmul %select_n3A, %get3A_23, %dot_general3A_24 {dimension_numbers = #tpu.dot_dimension_numbers<[1], [0], [0], [1], [0, 0, 1, 1], [], []>, transpose_lhs_hint = false} : vector<2000x256xf32>, vector<256x256xf32>, vector<2000x256xf32> -> vector<2000x256xf32>
    %swap3A_26 = arith.constant 0 : index
    %swap3A_27 = arith.constant 0 : index
    %swap3A_28 = vector.load %arg7[%swap3A_26, %swap3A_27] : memref<2000x256xf32, #tpu.memory_space<vmem>>, vector<2000x256xf32>
    tpu.vector_store %arg7[%swap3A_26, %swap3A_27], %dot_general3A_25 {strides = array<i32>} : memref<2000x256xf32, #tpu.memory_space<vmem>>, vector<2000x256xf32>,
    return
  }
  func.func @transform_0(%arg0: i32) -> (i32, i32) {
    %c0_i32 = arith.constant 0 : i32
    %c0_i32_0 = arith.constant 0 : i32
    return %arg0, %c0_i32 : i32, i32
  }
  func.func @transform_1(%arg0: i32) -> (i32, i32) {
    %c0_i32 = arith.constant 0 : i32
    %c0_i32_0 = arith.constant 0 : i32
    %c0_i32_1 = arith.constant 0 : i32
    return %c0_i32, %c0_i32_0 : i32, i32
  }
  func.func @transform_2(%arg0: i32) -> (i32, i32) {
    %c0_i32 = arith.constant 0 : i32
    %c0_i32_0 = arith.constant 0 : i32
    %c0_i32_1 = arith.constant 0 : i32
    return %c0_i32, %c0_i32_0 : i32, i32
  }
  func.func @transform_3(%arg0: i32) -> (i32, i32) {
    %c0_i32 = arith.constant 0 : i32
    %c0_i32_0 = arith.constant 0 : i32
    %c0_i32_1 = arith.constant 0 : i32
    return %c0_i32, %c0_i32_0 : i32, i32
  }
  func.func @transform_4(%arg0: i32) -> (i32, i32) {
    %c0_i32 = arith.constant 0 : i32
    %c0_i32_0 = arith.constant 0 : i32
    %c0_i32_1 = arith.constant 0 : i32
    return %c0_i32, %c0_i32_0 : i32, i32
  }
  func.func @transform_5(%arg0: i32) -> (i32, i32) {
    %c0_i32 = arith.constant 0 : i32
    %c0_i32_0 = arith.constant 0 : i32
    return %arg0, %c0_i32 : i32, i32
  }
  func.func @transform_6(%arg0: i32) -> (i32, i32) {
    %c0_i32 = arith.constant 0 : i32
    %c0_i32_0 = arith.constant 0 : i32
    return %arg0, %c0_i32 : i32, i32
  }
}

module attributes {stable_mosaic.version = 14 : i64} {
  func.func @_tc2_body(%arg0: i32, %arg1: memref<2000x256xf32, #tpu.memory_space<vmem>>, %arg2: memref<2000x128xf32, #tpu.memory_space<vmem>>, %arg3: memref<2000x128xf32, #tpu.memory_space<vmem>>, %arg4: memref<2000x1xf32, #tpu.memory_space<vmem>>, %arg5: memref<1x256xf32, #tpu.memory_space<vmem>>, %arg6: memref<256x128xf32, #tpu.memory_space<vmem>>, %arg7: memref<256x128xf32, #tpu.memory_space<vmem>>, %arg8: memref<2000x128xf32, #tpu.memory_space<vmem>>, %arg9: memref<2000x128xf32, #tpu.memory_space<vmem>>) attributes {dimension_semantics = [#tpu.dimension_semantics<arbitrary>], iteration_bounds = array<i64: 5>, scalar_prefetch = 0 : i64, scratch_operands = 0 : i64, tpu.core_type = #tpu.core_type<tc>, window_params = [{transform_indices = @transform_0, window_bounds = array<i64: 2000, 256>}, {transform_indices = @transform_1, window_bounds = array<i64: 2000, 128>}, {transform_indices = @transform_2, window_bounds = array<i64: 2000, 128>}, {transform_indices = @transform_3, window_bounds = array<i64: 2000, 1>}, {pipeline_mode = #tpu.pipeline_mode<synchronous>, transform_indices = @transform_4, window_bounds = array<i64: 1, 256>}, {pipeline_mode = #tpu.pipeline_mode<synchronous>, transform_indices = @transform_5, window_bounds = array<i64: 256, 128>}, {pipeline_mode = #tpu.pipeline_mode<synchronous>, transform_indices = @transform_6, window_bounds = array<i64: 256, 128>}, {transform_indices = @transform_7, window_bounds = array<i64: 2000, 128>}, {transform_indices = @transform_8, window_bounds = array<i64: 2000, 128>}]} {
    %get3A = arith.constant 0 : index
    %get3A_0 = arith.constant 0 : index
    %get3A_1 = vector.load %arg4[%get3A, %get3A_0] : memref<2000x1xf32, #tpu.memory_space<vmem>>, vector<2000x1xf32>
    %max3A = arith.constant 1.000000e+00 : f32
    %max3A_2 = vector.broadcast %max3A : f32 to vector<2000x1xf32>
    %max3A_3 = arith.maximumf %get3A_1, %max3A_2 : vector<2000x1xf32>
    %div3A = arith.constant 1.000000e+00 : f32
    %div3A_4 = vector.broadcast %div3A : f32 to vector<2000x1xf32>
    %div3A_5 = arith.divf %div3A_4, %max3A_3 : vector<2000x1xf32>
    %get3A_6 = arith.constant 0 : index
    %get3A_7 = arith.constant 0 : index
    %get3A_8 = vector.load %arg2[%get3A_6, %get3A_7] : memref<2000x128xf32, #tpu.memory_space<vmem>>, vector<2000x128xf32>
    %get3A_9 = arith.constant 0 : index
    %get3A_10 = arith.constant 0 : index
    %get3A_11 = vector.load %arg3[%get3A_9, %get3A_10] : memref<2000x128xf32, #tpu.memory_space<vmem>>, vector<2000x128xf32>
    %concatenate3A = tpu.concatenate %get3A_8, %get3A_11 in 1 : vector<2000x128xf32>, vector<2000x128xf32> -> vector<2000x256xf32>
    %mul3A = vector.broadcast %div3A_5 : vector<2000x1xf32> to vector<2000x256xf32>
    %mul3A_12 = arith.mulf %concatenate3A, %mul3A : vector<2000x256xf32>
    %get3A_13 = arith.constant 0 : index
    %get3A_14 = arith.constant 0 : index
    %get3A_15 = vector.load %arg1[%get3A_13, %get3A_14] : memref<2000x256xf32, #tpu.memory_space<vmem>>, vector<2000x256xf32>
    %add3A = arith.addf %get3A_15, %mul3A_12 : vector<2000x256xf32>
    %get3A_16 = arith.constant 0 : index
    %get3A_17 = arith.constant 0 : index
    %get3A_18 = vector.load %arg5[%get3A_16, %get3A_17] : memref<1x256xf32, #tpu.memory_space<vmem>>, vector<1x256xf32>
    %add3A_19 = vector.broadcast %get3A_18 : vector<1x256xf32> to vector<2000x256xf32>
    %add3A_20 = arith.addf %add3A, %add3A_19 : vector<2000x256xf32>
    %max3A_21 = arith.constant 0.000000e+00 : f32
    %max3A_22 = vector.broadcast %max3A_21 : f32 to vector<2000x256xf32>
    %max3A_23 = arith.maximumf %add3A_20, %max3A_22 : vector<2000x256xf32>
    %get3A_24 = arith.constant 0 : index
    %get3A_25 = arith.constant 0 : index
    %get3A_26 = vector.load %arg6[%get3A_24, %get3A_25] : memref<256x128xf32, #tpu.memory_space<vmem>>, vector<256x128xf32>
    %dot_general3A = arith.constant dense<0.000000e+00> : vector<2000x128xf32>
    %dot_general3A_27 = tpu.matmul %max3A_23, %get3A_26, %dot_general3A {dimension_numbers = #tpu.dot_dimension_numbers<[1], [0], [0], [1], [0, 0, 1, 1], [], []>, transpose_lhs_hint = false} : vector<2000x256xf32>, vector<256x128xf32>, vector<2000x128xf32> -> vector<2000x128xf32>
    %swap3A = arith.constant 0 : index
    %swap3A_28 = arith.constant 0 : index
    %swap3A_29 = vector.load %arg8[%swap3A, %swap3A_28] : memref<2000x128xf32, #tpu.memory_space<vmem>>, vector<2000x128xf32>
    tpu.vector_store %arg8[%swap3A, %swap3A_28], %dot_general3A_27 {strides = array<i32>} : memref<2000x128xf32, #tpu.memory_space<vmem>>, vector<2000x128xf32>,
    %get3A_30 = arith.constant 0 : index
    %get3A_31 = arith.constant 0 : index
    %get3A_32 = vector.load %arg7[%get3A_30, %get3A_31] : memref<256x128xf32, #tpu.memory_space<vmem>>, vector<256x128xf32>
    %dot_general3A_33 = arith.constant dense<0.000000e+00> : vector<2000x128xf32>
    %dot_general3A_34 = tpu.matmul %max3A_23, %get3A_32, %dot_general3A_33 {dimension_numbers = #tpu.dot_dimension_numbers<[1], [0], [0], [1], [0, 0, 1, 1], [], []>, transpose_lhs_hint = false} : vector<2000x256xf32>, vector<256x128xf32>, vector<2000x128xf32> -> vector<2000x128xf32>
    %swap3A_35 = arith.constant 0 : index
    %swap3A_36 = arith.constant 0 : index
    %swap3A_37 = vector.load %arg9[%swap3A_35, %swap3A_36] : memref<2000x128xf32, #tpu.memory_space<vmem>>, vector<2000x128xf32>
    tpu.vector_store %arg9[%swap3A_35, %swap3A_36], %dot_general3A_34 {strides = array<i32>} : memref<2000x128xf32, #tpu.memory_space<vmem>>, vector<2000x128xf32>,
    return
  }
  func.func @transform_0(%arg0: i32) -> (i32, i32) {
    %c0_i32 = arith.constant 0 : i32
    %c0_i32_0 = arith.constant 0 : i32
    return %arg0, %c0_i32 : i32, i32
  }
  func.func @transform_1(%arg0: i32) -> (i32, i32) {
    %c0_i32 = arith.constant 0 : i32
    %c0_i32_0 = arith.constant 0 : i32
    return %arg0, %c0_i32 : i32, i32
  }
  func.func @transform_2(%arg0: i32) -> (i32, i32) {
    %c0_i32 = arith.constant 0 : i32
    %c0_i32_0 = arith.constant 0 : i32
    return %arg0, %c0_i32 : i32, i32
  }
  func.func @transform_3(%arg0: i32) -> (i32, i32) {
    %c0_i32 = arith.constant 0 : i32
    %c0_i32_0 = arith.constant 0 : i32
    return %arg0, %c0_i32 : i32, i32
  }
  func.func @transform_4(%arg0: i32) -> (i32, i32) {
    %c0_i32 = arith.constant 0 : i32
    %c0_i32_0 = arith.constant 0 : i32
    %c0_i32_1 = arith.constant 0 : i32
    return %c0_i32, %c0_i32_0 : i32, i32
  }
  func.func @transform_5(%arg0: i32) -> (i32, i32) {
    %c0_i32 = arith.constant 0 : i32
    %c0_i32_0 = arith.constant 0 : i32
    %c0_i32_1 = arith.constant 0 : i32
    return %c0_i32, %c0_i32_0 : i32, i32
  }
  func.func @transform_6(%arg0: i32) -> (i32, i32) {
    %c0_i32 = arith.constant 0 : i32
    %c0_i32_0 = arith.constant 0 : i32
    %c0_i32_1 = arith.constant 0 : i32
    return %c0_i32, %c0_i32_0 : i32, i32
  }
  func.func @transform_7(%arg0: i32) -> (i32, i32) {
    %c0_i32 = arith.constant 0 : i32
    %c0_i32_0 = arith.constant 0 : i32
    return %arg0, %c0_i32 : i32, i32
  }
  func.func @transform_8(%arg0: i32) -> (i32, i32) {
    %c0_i32 = arith.constant 0 : i32
    %c0_i32_0 = arith.constant 0 : i32
    return %arg0, %c0_i32 : i32, i32
  }
}

module attributes {stable_mosaic.version = 14 : i64} {
  func.func @_tc3_body(%arg0: i32, %arg1: memref<2000x128xf32, #tpu.memory_space<vmem>>, %arg2: memref<2000x128xf32, #tpu.memory_space<vmem>>, %arg3: memref<2000x128xf32, #tpu.memory_space<vmem>>, %arg4: memref<2000x1xf32, #tpu.memory_space<vmem>>, %arg5: memref<1x128xf32, #tpu.memory_space<vmem>>, %arg6: memref<128x1xf32, #tpu.memory_space<vmem>>, %arg7: memref<1x1xf32, #tpu.memory_space<vmem>>, %arg8: memref<2000x1xf32, #tpu.memory_space<vmem>>) attributes {dimension_semantics = [#tpu.dimension_semantics<arbitrary>], iteration_bounds = array<i64: 5>, scalar_prefetch = 0 : i64, scratch_operands = 0 : i64, tpu.core_type = #tpu.core_type<tc>, window_params = [{transform_indices = @transform_0, window_bounds = array<i64: 2000, 128>}, {transform_indices = @transform_1, window_bounds = array<i64: 2000, 128>}, {transform_indices = @transform_2, window_bounds = array<i64: 2000, 128>}, {transform_indices = @transform_3, window_bounds = array<i64: 2000, 1>}, {pipeline_mode = #tpu.pipeline_mode<synchronous>, transform_indices = @transform_4, window_bounds = array<i64: 1, 128>}, {pipeline_mode = #tpu.pipeline_mode<synchronous>, transform_indices = @transform_5, window_bounds = array<i64: 128, 1>}, {pipeline_mode = #tpu.pipeline_mode<synchronous>, transform_indices = @transform_6, window_bounds = array<i64: 1, 1>}, {transform_indices = @transform_7, window_bounds = array<i64: 2000, 1>}]} {
    %get3A = arith.constant 0 : index
    %get3A_0 = arith.constant 0 : index
    %get3A_1 = vector.load %arg4[%get3A, %get3A_0] : memref<2000x1xf32, #tpu.memory_space<vmem>>, vector<2000x1xf32>
    %max3A = arith.constant 1.000000e+00 : f32
    %max3A_2 = vector.broadcast %max3A : f32 to vector<2000x1xf32>
    %max3A_3 = arith.maximumf %get3A_1, %max3A_2 : vector<2000x1xf32>
    %div3A = arith.constant 1.000000e+00 : f32
    %div3A_4 = vector.broadcast %div3A : f32 to vector<2000x1xf32>
    %div3A_5 = arith.divf %div3A_4, %max3A_3 : vector<2000x1xf32>
    %get3A_6 = arith.constant 0 : index
    %get3A_7 = arith.constant 0 : index
    %get3A_8 = vector.load %arg2[%get3A_6, %get3A_7] : memref<2000x128xf32, #tpu.memory_space<vmem>>, vector<2000x128xf32>
    %get3A_9 = arith.constant 0 : index
    %get3A_10 = arith.constant 0 : index
    %get3A_11 = vector.load %arg3[%get3A_9, %get3A_10] : memref<2000x128xf32, #tpu.memory_space<vmem>>, vector<2000x128xf32>
    %add3A = arith.addf %get3A_8, %get3A_11 : vector<2000x128xf32>
    %mul3A = vector.broadcast %div3A_5 : vector<2000x1xf32> to vector<2000x128xf32>
    %mul3A_12 = arith.mulf %add3A, %mul3A : vector<2000x128xf32>
    %get3A_13 = arith.constant 0 : index
    %get3A_14 = arith.constant 0 : index
    %get3A_15 = vector.load %arg1[%get3A_13, %get3A_14] : memref<2000x128xf32, #tpu.memory_space<vmem>>, vector<2000x128xf32>
    %add3A_16 = arith.addf %get3A_15, %mul3A_12 : vector<2000x128xf32>
    %get3A_17 = arith.constant 0 : index
    %get3A_18 = arith.constant 0 : index
    %get3A_19 = vector.load %arg5[%get3A_17, %get3A_18] : memref<1x128xf32, #tpu.memory_space<vmem>>, vector<1x128xf32>
    %add3A_20 = vector.broadcast %get3A_19 : vector<1x128xf32> to vector<2000x128xf32>
    %add3A_21 = arith.addf %add3A_16, %add3A_20 : vector<2000x128xf32>
    %max3A_22 = arith.constant 0.000000e+00 : f32
    %max3A_23 = vector.broadcast %max3A_22 : f32 to vector<2000x128xf32>
    %max3A_24 = arith.maximumf %add3A_21, %max3A_23 : vector<2000x128xf32>
    %get3A_25 = arith.constant 0 : index
    %get3A_26 = arith.constant 0 : index
    %get3A_27 = vector.load %arg6[%get3A_25, %get3A_26] : memref<128x1xf32, #tpu.memory_space<vmem>>, vector<128x1xf32>
    %dot_general3A = arith.constant dense<0.000000e+00> : vector<2000x1xf32>
    %dot_general3A_28 = tpu.matmul %max3A_24, %get3A_27, %dot_general3A {dimension_numbers = #tpu.dot_dimension_numbers<[1], [0], [0], [1], [0, 0, 1, 1], [], []>, transpose_lhs_hint = false} : vector<2000x128xf32>, vector<128x1xf32>, vector<2000x1xf32> -> vector<2000x1xf32>
    %get3A_29 = arith.constant 0 : index
    %get3A_30 = arith.constant 0 : index
    %get3A_31 = vector.load %arg7[%get3A_29, %get3A_30] : memref<1x1xf32, #tpu.memory_space<vmem>>, vector<1x1xf32>
    %add3A_32 = vector.broadcast %get3A_31 : vector<1x1xf32> to vector<2000x1xf32>
    %add3A_33 = arith.addf %dot_general3A_28, %add3A_32 : vector<2000x1xf32>
    %swap3A = arith.constant 0 : index
    %swap3A_34 = arith.constant 0 : index
    %swap3A_35 = vector.load %arg8[%swap3A, %swap3A_34] : memref<2000x1xf32, #tpu.memory_space<vmem>>, vector<2000x1xf32>
    tpu.vector_store %arg8[%swap3A, %swap3A_34], %add3A_33 {strides = array<i32>} : memref<2000x1xf32, #tpu.memory_space<vmem>>, vector<2000x1xf32>,
    return
  }
  func.func @transform_0(%arg0: i32) -> (i32, i32) {
    %c0_i32 = arith.constant 0 : i32
    %c0_i32_0 = arith.constant 0 : i32
    return %arg0, %c0_i32 : i32, i32
  }
  func.func @transform_1(%arg0: i32) -> (i32, i32) {
    %c0_i32 = arith.constant 0 : i32
    %c0_i32_0 = arith.constant 0 : i32
    return %arg0, %c0_i32 : i32, i32
  }
  func.func @transform_2(%arg0: i32) -> (i32, i32) {
    %c0_i32 = arith.constant 0 : i32
    %c0_i32_0 = arith.constant 0 : i32
    return %arg0, %c0_i32 : i32, i32
  }
  func.func @transform_3(%arg0: i32) -> (i32, i32) {
    %c0_i32 = arith.constant 0 : i32
    %c0_i32_0 = arith.constant 0 : i32
    return %arg0, %c0_i32 : i32, i32
  }
  func.func @transform_4(%arg0: i32) -> (i32, i32) {
    %c0_i32 = arith.constant 0 : i32
    %c0_i32_0 = arith.constant 0 : i32
    %c0_i32_1 = arith.constant 0 : i32
    return %c0_i32, %c0_i32_0 : i32, i32
  }
  func.func @transform_5(%arg0: i32) -> (i32, i32) {
    %c0_i32 = arith.constant 0 : i32
    %c0_i32_0 = arith.constant 0 : i32
    %c0_i32_1 = arith.constant 0 : i32
    return %c0_i32, %c0_i32_0 : i32, i32
  }
  func.func @transform_6(%arg0: i32) -> (i32, i32) {
    %c0_i32 = arith.constant 0 : i32
    %c0_i32_0 = arith.constant 0 : i32
    %c0_i32_1 = arith.constant 0 : i32
    return %c0_i32, %c0_i32_0 : i32, i32
  }
  func.func @transform_7(%arg0: i32) -> (i32, i32) {
    %c0_i32 = arith.constant 0 : i32
    %c0_i32_0 = arith.constant 0 : i32
    return %arg0, %c0_i32 : i32, i32
  }
}

</mosaic_0001>

<sc_bundles>
// kernel: kernel.11.cloned.1.call-start
scs
__scs_entry_jumppad:
0x0: {  	(pc) =	sbr.rel $0x88, $3  }
0x1: {  	(tag) =	ssettag $0x0;
	lr =	simm.s32 $0x1  }
0x2: {  	[smem:$0x3F95] =	sst lr;
	_ =	strace $0xD0000000  }
0x3: {  	_ = 	snop  }
0x4: {  	_ = 	snop  }
0x5: {  	_ = 	snop  }
0x6: {  	_ = 	snop  }
0x7: {  	_ = 	snop  }
__scs_overlays_trampoline_lowered:
0x8: {  	[smem:$0x3FA4] =	sst s0  }
0x9: {  	[smem:$0x3FA5] =	sst s1  }
0xa: {  	[smem:$0x3FA6] =	sst s2  }
0xb: {  	[smem:$0x3FA7] =	sst s3  }
0xc: {  	[smem:$0x3FA8] =	sst s4  }
0xd: {  	[smem:$0x3FA9] =	sst s5  }
0xe: {  	[smem:$0x3FAA] =	sst s6  }
0xf: {  	[smem:$0x3FAB] =	sst s7  }
0x10: {  	[smem:$0x3FAC] =	sst s8  }
0x11: {  	[smem:$0x3FAD] =	sst s9;
	s0 =	simm.s32 @!p0 $0x0  }
0x12: {  	s1 =	sld [smem:$0x3F93];
	s0 =	simm.s32 @p0 $0x1  }
0x13: {  	[smem:$0x3FAE] =	sst s0;
	s0 =	simm.s32 @!p1 $0x0  }
0x14: {  	s2 =	sld [smem:$0x3F92];
	s0 =	simm.s32 @p1 $0x1  }
0x15: {  	[smem:$0x3FAF] =	sst s0;
	s0 =	simm.s32 @!p2 $0x0  }
0x16: {  	s3 =	sld [smem:$0x3FDB];
	s0 =	simm.s32 @p2 $0x1  }
0x17: {  	s4 =	simm.s32 $0x1BF5;
	[smem:$0x3FB1] =	sst s0  }
0x18: {  	s0 =	sld [smem:$0x3F94];
	_ =	swait.ge [sflag:s4], $0x0  }
0x19: {  	s7 =	sld [smem:$0x3F95]  }
0x1a: {  	s8 =	sadd.s32 $0xFFFFE003, lr  }
0x1b: {  	s9 =	sadd.s32 $0xFFFFFEF7, lr;
	s5 =	simm.s32 $0xFFFFFFFF;
	p2 =	slt.u32 s8, $0xFFFFF086  }
0x1c: {  	p1 =	slt.u32 s9, $0xF7A;
	s5 =	simm.s32 @!p2 $0x0  }
0x1d: {  	s5 =	simm.s32 @p1 $0x1;
	p0 =	seq.s32 s7, s2  }
0x1e: {  	s7 =	smul.u32 @!p0 $0xF7A, s2;
	p2 =	seq.s32 @!p0 s5, $0x0  }
0x1f: {  	s9 =	smul.u32 $0xF7A, s1;
	s8 =	simm.s32 @!p0 $0x1BF5;
	p2 =	por !p2, p0  }
0x20: {  	[sflag:s8] =	ssyncset.s32 @!p0 $0xFFFFF086;
	s6 =	sadd.s32 @!p0 s3, s7;
	s7 =	simm.s32 @!p0 $0x108  }
0x21: {  	s3 =	sadd.s32 s3, s9;
	s6 =	sadd.s32 @!p0 $0x88, s6;
	s7 =	simm.s32 @p2 $0x1082  }
0x22: {  	[simem:s7], [sflag:s8] =	dma.local @!p0 [hbm:s6], $0xF7A  }
0x23: {  	s9 =	sor.u32 $0xD0000000, s2;
	s6 =	simm.s32 $0x108;
	_ =	swait.ge @!p0 [sflag:s8], $0x0  }
0x24: {  	s3 =	sadd.s32 $0x88, s3;
	s6 =	simm.s32 @!p1 $0x1082;
	[sflag:s4] =	ssyncset.s32 $0xFFFFF086  }
0x25: {  	[simem:s6], [sflag:s4] =	dma.local [hbm:s3], $0xF7A  }
0x26: {  	[smem:$0x3F95] =	sst s1;
	(tag) =	ssettag s2;
	_ =	strace s9  }
0x27: {  	s1 =	sld [smem:$0x3FA5]  }
0x28: {  	s2 =	sld [smem:$0x3FA6]  }
0x29: {  	s4 =	sld [smem:$0x3FA8]  }
0x2a: {  	p0 =	seq.s32 s5, $0x0;
	s5 =	sld [smem:$0x3FA9]  }
0x2b: {  	s6 =	sld [smem:$0x3FAA]  }
0x2c: {  	s7 =	sld [smem:$0x3FAB]  }
0x2d: {  	s3 =	simm.s32 $0x108;
	s8 =	sld [smem:$0x3FAC]  }
0x2e: {  	s3 =	simm.s32 @!p0 $0x1082;
	s9 =	sld [smem:$0x3FAD]  }
0x2f: {  	lr =	sadd.s32 s0, s3;
	s0 =	sld [smem:$0x3FA4]  }
0x30: {  	s3 =	sld [smem:$0x3FA7]  }
0x31: {  	[smem:$0x3FB0] =	sst s10  }
0x32: {  	s10 =	sld [smem:$0x3FAE];
	_ =	sdelay $0x3  }
0x33: {  	p0 =	seq.s32 s10, $0x1;
	s10 =	sld [smem:$0x3FB0];
	_ =	sdelay $0x3  }
0x34: {  	[smem:$0x3FB0] =	sst s10  }
0x35: {  	s10 =	sld [smem:$0x3FAF];
	_ =	sdelay $0x3  }
0x36: {  	p1 =	seq.s32 s10, $0x1;
	s10 =	sld [smem:$0x3FB0];
	_ =	sdelay $0x3  }
0x37: {  	[smem:$0x3FB0] =	sst s10  }
0x38: {  	s10 =	sld [smem:$0x3FB1]  }
0x39: {  	_ = 	snop;
	(pc) =	sbr.ind lr, $3  }
0x3a: {  	_ = 	snop  }
0x3b: {  	_ = 	snop  }
0x3c: {  	p2 =	seq.s32 s10, $0x1;
	s10 =	sld [smem:$0x3FB0]  }
0x3d: {  	_ =	shalt  }
0x3e: {  	_ =	shalt  }
0x3f: {  	_ =	shalt  }
0x40: {  	_ =	shalt  }
0x41: {  	_ =	shalt  }
0x42: {  	_ =	shalt  }
0x43: {  	_ =	shalt  }
0x44: {  	_ =	shalt  }
0x45: {  	_ =	shalt  }
0x46: {  	_ =	shalt  }
0x47: {  	_ =	shalt  }
0x48: {  	_ =	shalt  }
0x49: {  	_ =	shalt  }
0x4a: {  	_ =	shalt  }
0x4b: {  	_ =	shalt  }
0x4c: {  	_ =	shalt  }
0x4d: {  	_ =	shalt  }
0x4e: {  	_ =	shalt  }
0x4f: {  	_ =	shalt  }
0x50: {  	_ =	shalt  }
0x51: {  	_ =	shalt  }
0x52: {  	_ =	shalt  }
0x53: {  	_ =	shalt  }
0x54: {  	_ =	shalt  }
0x55: {  	_ =	shalt  }
0x56: {  	_ =	shalt  }
0x57: {  	_ =	shalt  }
0x58: {  	_ =	shalt  }
0x59: {  	_ =	shalt  }
0x5a: {  	_ =	shalt  }
0x5b: {  	_ =	shalt  }
0x5c: {  	_ =	shalt  }
0x5d: {  	_ =	shalt  }
0x5e: {  	_ =	shalt  }
0x5f: {  	_ =	shalt  }
0x60: {  	_ =	shalt  }
0x61: {  	_ =	shalt  }
0x62: {  	_ =	shalt  }
0x63: {  	_ =	shalt  }
0x64: {  	_ =	shalt  }
0x65: {  	_ =	shalt  }
0x66: {  	_ =	shalt  }
0x67: {  	_ =	shalt  }
0x68: {  	_ =	shalt  }
0x69: {  	_ =	shalt  }
0x6a: {  	_ =	shalt  }
0x6b: {  	_ =	shalt  }
0x6c: {  	_ =	shalt  }
0x6d: {  	_ =	shalt  }
0x6e: {  	_ =	shalt  }
0x6f: {  	_ =	shalt  }
0x70: {  	_ =	shalt  }
0x71: {  	_ =	shalt  }
0x72: {  	_ =	shalt  }
0x73: {  	_ =	shalt  }
0x74: {  	_ =	shalt  }
0x75: {  	_ =	shalt  }
0x76: {  	_ =	shalt  }
0x77: {  	_ =	shalt  }
0x78: {  	_ =	shalt  }
0x79: {  	_ =	shalt  }
0x7a: {  	_ =	shalt  }
0x7b: {  	_ =	shalt  }
0x7c: {  	_ =	shalt  }
0x7d: {  	_ =	shalt  }
0x7e: {  	_ =	shalt  }
0x7f: {  	_ =	shalt  }
0x80: {  	_ =	shalt  }
0x81: {  	_ =	shalt  }
0x82: {  	_ =	shalt  }
0x83: {  	_ =	shalt  }
0x84: {  	_ =	shalt  }
0x85: {  	_ =	shalt  }
0x86: {  	_ =	shalt  }
0x87: {  	_ =	shalt  }
.Lfunc_end0:
.L_simem_size_0:
called_computation.1_lowered:
.L_overlay_start_0:
0x88: {  	s2 =	sld [smem:$0x3FD9]  }
0x89: {  	s3 =	sld [smem:$0x3FFE];
	_ =	sdelay $0x1  }
0x8a: {  	s1 =	srdreg.scid  }
0x8b: {  	s0 =	sand.u32 $0x1, s1  }
0x8c: {  	s16 =	sshll.u32 s0, $0xA;
	s2 =	sadd.s32 s3, s2  }
0x8d: {  	s2 =	sadd.s32 s2, s16  }
0x8e: {  	[smem:$0x3FBC] =	sst s2  }
0x8f: {  	_ = 	snop  }
0x90: {  	(tm) =	ssettm $0x1  }
0x91: {  	s17 =	sld [smem:$0x3FFB];
	_ =	sdelay $0x3  }
0x92: {  	_ =	strace s17  }
0x93: {  	s2 =	sld [smem:$0x3FFC];
	_ =	sdelay $0x3  }
0x94: {  	_ =	strace s2  }
0x95: {  	s2 =	sld [smem:$0x3FFD];
	_ =	sdelay $0x3  }
0x96: {  	_ =	strace s2  }
0x97: {  	_ =	strace $0x8FFFFFFF  }
0x98: {  	s18 =	sld [smem:$0x3FDB];
	_ =	sdelay $0x1  }
0x99: {  	s19 =	simm.s32 $_scs_section_size  }
0x9a: {  	s4 =	simm.s32 $_size__tile_overlayer_lowered;
	s5 =	simm.s32 $_tile_overlayer_lowered  }
0x9b: {  	s22 =	simm.s32 $0x1BFF;
	s21 =	sshll.u32 s5, $0x1;
	s2 =	sadd.s32 s19, s18  }
0x9c: {  	s6 =	simm.s32 $0x0;
	s20 =	sshll.u32 s4, $0x1;
	s4 =	sadd.s32 s21, s2  }
0x9d: {  	[timem:s6], [sflag:s22] =	dma.local [hbm:s4], s20  }
0x9e: {  	_ =	swait.ge [sflag:s22], s20  }
0x9f: {  	s3 =	ssub.s32 $0x0, s20;
	[sflag:s22] =	ssyncset.done $0x0  }
0xa0: {  	[sflag:s22] =	ssyncadd.s32 s3;
	_ =	sdelay $0x1  }
0xa1: {  	s23 =	simm.s32 $0x1B8B  }
0xa2: {  	_ =	swait.ge [sflag:s23], $0x1  }
0xa3: {  	[sflag:s23] =	ssyncset.done $0x0  }
0xa4: {  	s25 =	simm.s32 $0x1B8E;
	s24 =	sld [smem:$0x3FFE];
	[sflag:s23] =	ssyncadd.s32 $0xFFFFFFFF  }
0xa5: {  	s26 =	simm.s32 $execute0_lowered;
	[smem:$0x3FD2] =	sst s25  }
0xa6: {  	s4 =	sshll.u32 s26, $0x1;
	_ =	strace $0x80000046;
	[dreg:$0x1] =	wrdreg $0xFFFFFFFF  }
0xa7: {  	s28 =	simm.s32 $_size_execute0_lowered;
	s2 =	sadd.s32 s2, s4;
	[dreg:$0x0] =	wrdreg $0x0  }
0xa8: {  	s4 =	sshll.u32 s28, $0x1;
	[dreg:$0x2] =	wrdreg s2  }
0xa9: {  	[dreg:$0x3] =	wrdreg s4  }
0xaa: {  	[dreg:$0x4] =	wrdreg $0xC0  }
0xab: {  	_ =	task [dreg:s6], $0x5FFFF  }
0xac: {  	[dreg:$0x1] =	wrdreg $0xFFFFFFFF  }
0xad: {  	[dreg:$0x0] =	wrdreg $0x60  }
0xae: {  	[dreg:$0x2] =	wrdreg s24  }
0xaf: {  	[dreg:$0x3] =	wrdreg $0xA8000  }
0xb0: {  	[dreg:$0x4] =	wrdreg $0xA  }
0xb1: {  	_ =	task.clear_ibuf [dreg:s6], $0x5FFFF;
	_ =	strace $0x90000046  }
0xb2: {  	s29 =	simm.s32 $0xA;
	_ =	strace $0x80000048  }
0xb3: {  	_ =	swait.ge [sflag:s29], $0x1  }
0xb4: {  	[sflag:s29] =	ssyncadd.s32 $0xFFFFFFFF  }
0xb5: {  	_ =	strace $0x90000048  }
0xb6: {  	_ =	sfence  }
0xb7: {  	s30 =	sld [smem:$0x0];
	_ =	sdelay $0x2  }
0xb8: {  	s31 =	sshll.u32 s1, $0xD;
	s1 =	sshrl.u32 s1, $0x2  }
0xb9: {  	s3 =	sand.u32 $0x4000, s31;
	s1 =	sadd.s32 s1, s30  }
0xba: {  	s0 =	sor.u32 s3, s0;
	s1 =	sshll.u32 s1, $0x11  }
0xbb: {  	s0 =	sor.u32 s1, s0  }
0xbc: {  	s0 =	sadd.s32 $0x8F2B, s0  }
0xbd: {  	[sflag:s0] =	ssyncadd.remote.s32 $0x1  }
0xbe: {  	_ =	sfence.sel $0xFFFF  }
0xbf: {  	[dreg:$0x0] =	wrdreg $0xFFFFFFFF;
	(pc) =	sbr.abs _section_cstart, $3  }
0xc0: {  	[dreg:$0x1] =	wrdreg $0xFFFFFFFF  }
0xc1: {  	_ =	task.clear_ibuf [dreg:s6], $0x2FFFF;
	_ =	strace $0x9FFFFFFF  }
0xc2: {  	(tm) =	ssettm $0x7FFFFFFF  }
0xc3: {  	_ =	shalt  }
tec
execute0_lowered:
.L_overlay_start_1:
0x0: {  	(tag) =	ssettag $0x1  }
0x1: {  	s0 =	srdreg.scid  }
0x2: {  	s1 =	rddreg [dreg:$0x0];
	s11 =	stileid.u32  }
0x3: {  	s2 =	rddreg [dreg:$0x1];
	s3 =	simm.s32 $0x0;
	s5 =	smul.u32 $0x50, s11  }
0x4: {  	s22 =	simm.s32 $0x5;
	s23 =	simm.s32 $0x1400;
	s15 =	smul.u32 $0x280, s11  }
0x5: {  	s28 =	simm.s32 $0x2;
	s30 =	simm.s32 $0x3;
	s8 =	smul.u32 $0x50000, s11  }
0x6: {  	s31 =	simm.s32 $0x4;
	s0 =	sand.u32 $0x1, s0;
	s12 =	smul.u32 $0x500, s11  }
0x7: {  	[smem:$0x7FF] =	sst s3;
	s14 =	sadd.s32 $0x2800, s1;
	s21 =	smul.u32 $0x2800, s11  }
0x8: {  	s24 =	sadd.s32 $0xB2C00, s1;
	s4 =	smul.u32 $0x500, s0;
	_ =	strace $0x80000047  }
0x9: {  	[dreg:$0x3] =	wrdreg s24;
	s6 =	ssub.s32 $0x2, s0;
	s0 =	smul.u32 $0x2800, s0  }
0xa: {  	s24 =	simm.s32 $0x80;
	s7 =	sshrl.u32 s6, $0x1;
	s16 =	sadd.s32 $0x80, s15  }
0xb: {  	s17 =	sadd.s32 $0x100, s15;
	s25 =	sshrl.u32 s8, $0x2;
	s18 =	sadd.s32 $0x180, s15  }
0xc: {  	s19 =	sadd.s32 $0x200, s15;
	s12 =	sadd.s32 s14, s12;
	s21 =	sshrl.u32 s21, $0x3  }
0xd: {  	s4 =	sadd.s32 s5, s4;
	s20 =	ssub.s32 s6, s7;
	s26 =	sshll.u32 s16, $0x7  }
0xe: {  	s29 =	sshll.u32 s17, $0x7;
	s6 =	sadd.s32 s25, s2;
	s9 =	sshll.u32 s18, $0x7  }
0xf: {  	s10 =	sshll.u32 s19, $0x7;
	s15 =	sadd.s32 s15, s0;
	s16 =	sadd.s32 s0, s16  }
0x10: {  	s14 =	sadd.s32 s14, s21;
	s17 =	sadd.s32 s0, s17;
	s18 =	sadd.s32 s0, s18  }
0x11: {  	s0 =	sadd.s32 s0, s19;
	s21 =	simm.s32 $0x2800;
	s25 =	simm.s32 $0x1  }
0x12: {  	s4 =	sshll.u32 s4, $0x4;
	s7 =	sadd.s32 s26, s2;
	s8 =	sadd.s32 s29, s2  }
0x13: {  	s9 =	sadd.s32 s9, s2;
	s10 =	sadd.s32 s10, s2;
	s15 =	sshll.u32 s15, $0x4  }
0x14: {  	s16 =	sshll.u32 s16, $0x4;
	s14 =	sadd.s32 $0x280, s14;
	s17 =	sshll.u32 s17, $0x4  }
0x15: {  	s18 =	sshll.u32 s18, $0x4;
	s0 =	sshll.u32 s0, $0x4;
	s20 =	smax.u32 s20, $0x1  }
0x16: {  	s26 =	simm.s32 $0x6800;
	s13 =	sadd.s32 s4, s1;
	s4 =	sadd.s32 $0x64A00, s1  }
0x17: {  	s1 =	sadd.s32 $0xB3400, s1;
	s11 =	sadd.s32 $0x5AA00, s13;
	s13 =	sadd.s32 $0x5AC80, s13  }
0x18: {  	s15 =	sadd.s32 s1, s15;
	s16 =	sadd.s32 s1, s16;
	s17 =	sadd.s32 s1, s17  }
0x19: {  	s18 =	sadd.s32 s1, s18;
	s19 =	sadd.s32 s1, s0;
	s1 =	simm.s32 $0x0  }
.LBB2_1:
0x1a: {  	s0 =	rddreg [dreg:$0x3]  }
0x1b: {  	[tilespmem:s21], [sflag:$0x5] =	stream.linear.gather [hbm4b:s0+s3], $0x4000, $0x38;
	[tilespmem:$0x1E800] =	vst v63  }
0x1c: {  	_ =	swait.ge [sflag:s22], $0x4000  }
0x1d: {  	[sflag:s22] =	ssyncset.done $0x0  }
0x1e: {  	[sflag:s22] =	ssyncadd.s32 $0xFFFFC000  }
0x1f: {  	[spmem:s6] =	stream.linear.scatter [tilespmem:s21], [sflag:$0x5], $0x4000, $0x38;
	[tilespmem:$0x1E800] =	vst v63  }
0x20: {  	_ =	swait.ge [sflag:s22], $0x4000  }
0x21: {  	[sflag:s22] =	ssyncset.done $0x0  }
0x22: {  	[sflag:s22] =	ssyncadd.s32 $0xFFFFC000  }
0x23: {  	[spmem:s7] =	stream.linear.scatter [tilespmem:s21], [sflag:$0x5], $0x4000, $0x38;
	[tilespmem:$0x1E800] =	vst v63  }
0x24: {  	_ =	swait.ge [sflag:s22], $0x4000  }
0x25: {  	[sflag:s22] =	ssyncset.done $0x0  }
0x26: {  	[sflag:s22] =	ssyncadd.s32 $0xFFFFC000  }
0x27: {  	[spmem:s8] =	stream.linear.scatter [tilespmem:s21], [sflag:$0x5], $0x4000, $0x38;
	[tilespmem:$0x1E800] =	vst v63  }
0x28: {  	_ =	swait.ge [sflag:s22], $0x4000  }
0x29: {  	[sflag:s22] =	ssyncset.done $0x0  }
0x2a: {  	[sflag:s22] =	ssyncadd.s32 $0xFFFFC000  }
0x2b: {  	[spmem:s9] =	stream.linear.scatter [tilespmem:s21], [sflag:$0x5], $0x4000, $0x38;
	[tilespmem:$0x1E800] =	vst v63  }
0x2c: {  	_ =	swait.ge [sflag:s22], $0x4000  }
0x2d: {  	[sflag:s22] =	ssyncset.done $0x0  }
0x2e: {  	[sflag:s22] =	ssyncadd.s32 $0xFFFFC000  }
0x2f: {  	[spmem:s10] =	stream.linear.scatter [tilespmem:s21], [sflag:$0x5], $0x4000, $0x38;
	[tilespmem:$0x1E800] =	vst v63  }
0x30: {  	_ =	swait.ge [sflag:s22], $0x4000  }
0x31: {  	[sflag:s22] =	ssyncset.done $0x0  }
0x32: {  	[sflag:s22] =	ssyncadd.s32 $0xFFFFC000  }
0x33: {  	[bflag:$0x0] =	sbarrier.arrive $0xFFFF  }
0x34: {  	[tilespmem:s3], [sflag:$0x5] =	stream.linear.gather [hbm4b:s11+s3], $0x1400, $0x38;
	[tilespmem:$0x1E800] =	vst v63  }
0x35: {  	_ =	swait.ge [sflag:s22], $0x1400  }
0x36: {  	[sflag:s22] =	ssyncset.done $0x0  }
0x37: {  	[sflag:s22] =	ssyncadd.s32 $0xFFFFEC00  }
0x38: {  	[tilespmem:s23], [sflag:$0x5] =	stream.linear.gather [hbm4b:s12+s3], $0x1400, $0x38;
	[tilespmem:$0x1E800] =	vst v63  }
0x39: {  	_ =	swait.ge [sflag:s22], $0x1400  }
0x3a: {  	[sflag:s22] =	ssyncset.done $0x0  }
0x3b: {  	[sflag:s22] =	ssyncadd.s32 $0xFFFFEC00  }
0x3c: {  	[tilespmem:s21], [sflag:$0x1] =	stream.indirect.gather [hbm4b:s4+s24], $0x80, s3, s24, $0xb8;
	[tilespmem:$0x1E800] =	vst v63  }
0x3d: {  	_ =	swait.ge [sflag:s25], $0x4000  }
0x3e: {  	[sflag:s25] =	ssyncset.done $0x0  }
0x3f: {  	[sflag:s25] =	ssyncadd.s32 $0xFFFFC000  }
0x40: {  	[spmem:s2] =	stream.indirect.scatter.add.f32 [tilespmem:s21], [sflag:$0x3], $0x80, s23, s24, $0xb8;
	[tilespmem:$0x1E800] =	vst v63  }
0x41: {  	_ = 	snop  }
0x42: {  	[tilespmem:s26], [sflag:$0x2] =	stream.indirect.gather [hbm4b:s4+s24], $0x80, s24, s24, $0xb8;
	[tilespmem:$0x1E800] =	vst v63  }
0x43: {  	_ =	swait.ge [sflag:s28], $0x4000  }
0x44: {  	[sflag:s28] =	ssyncset.done $0x0  }
0x45: {  	s5 =	simm.s32 $0x1480;
	[sflag:s28] =	ssyncadd.s32 $0xFFFFC000  }
0x46: {  	[spmem:s2] =	stream.indirect.scatter.add.f32 [tilespmem:s26], [sflag:$0x4], $0x80, s5, s24, $0xb8;
	[tilespmem:$0x1E800] =	vst v63  }
0x47: {  	_ =	swait.ge [sflag:s30], $0x4000  }
0x48: {  	[sflag:s30] =	ssyncset.done $0x0  }
0x49: {  	s5 =	simm.s32 $0x100;
	[sflag:s30] =	ssyncadd.s32 $0xFFFFC000  }
0x4a: {  	[tilespmem:s21], [sflag:$0x1] =	stream.indirect.gather [hbm4b:s4+s24], $0x80, s5, s24, $0xb8;
	[tilespmem:$0x1E800] =	vst v63  }
0x4b: {  	_ =	swait.ge [sflag:s25], $0x4000  }
0x4c: {  	[sflag:s25] =	ssyncset.done $0x0  }
0x4d: {  	s5 =	simm.s32 $0x1500;
	[sflag:s25] =	ssyncadd.s32 $0xFFFFC000  }
0x4e: {  	[spmem:s2] =	stream.indirect.scatter.add.f32 [tilespmem:s21], [sflag:$0x3], $0x80, s5, s24, $0xb8;
	[tilespmem:$0x1E800] =	vst v63  }
0x4f: {  	_ =	swait.ge [sflag:s31], $0x4000  }
0x50: {  	[sflag:s31] =	ssyncset.done $0x0  }
0x51: {  	s5 =	simm.s32 $0x180;
	[sflag:s31] =	ssyncadd.s32 $0xFFFFC000  }
0x52: {  	[tilespmem:s26], [sflag:$0x2] =	stream.indirect.gather [hbm4b:s4+s24], $0x80, s5, s24, $0xb8;
	[tilespmem:$0x1E800] =	vst v63  }
0x53: {  	_ =	swait.ge [sflag:s28], $0x4000  }
0x54: {  	[sflag:s28] =	ssyncset.done $0x0  }
0x55: {  	s29 =	simm.s32 $0x1580;
	s0 =	simm.s32 $0xFFFFB800;
	[sflag:s28] =	ssyncadd.s32 $0xFFFFC000  }
.LBB2_2:
0x56: {  	[spmem:s2] =	stream.indirect.scatter.add.f32 [tilespmem:s26], [sflag:$0x4], $0x80, s29, s24, $0xb8;
	[tilespmem:$0x1E800] =	vst v63  }
0x57: {  	s29 =	smov.u32 s0  }
0x58: {  	p0 =	sne.s32 s0, $0xFFFFFC00;
	s0 =	sadd.s32 $0x400, s0;
	_ =	swait.ge [sflag:s30], $0x4000  }
0x59: {  	s29 =	sshra.s32 s29, $0x2;
	[sflag:s30] =	ssyncset.done $0x0  }
0x5a: {  	s5 =	sadd.s32 $0x1400, s29;
	[sflag:s30] =	ssyncadd.s32 $0xFFFFC000  }
0x5b: {  	[tilespmem:s21], [sflag:$0x1] =	stream.indirect.gather [hbm4b:s4+s24], $0x80, s5, s24, $0xb8;
	[tilespmem:$0x1E800] =	vst v63  }
0x5c: {  	_ =	swait.ge [sflag:s25], $0x4000  }
0x5d: {  	[sflag:s25] =	ssyncset.done $0x0  }
0x5e: {  	s5 =	sadd.s32 $0x2800, s29;
	[sflag:s25] =	ssyncadd.s32 $0xFFFFC000  }
0x5f: {  	[spmem:s2] =	stream.indirect.scatter.add.f32 [tilespmem:s21], [sflag:$0x3], $0x80, s5, s24, $0xb8;
	[tilespmem:$0x1E800] =	vst v63  }
0x60: {  	_ =	swait.ge [sflag:s31], $0x4000  }
0x61: {  	[sflag:s31] =	ssyncset.done $0x0  }
.Ltmp0:
0x62: {  	s5 =	sadd.s32 $0x1480, s29;
	[sflag:s31] =	ssyncadd.s32 $0xFFFFC000;
	(pc) =	sbr.rel @p0 .LBB2_2-.Ltmp0, $4  }
0x63: {  	[tilespmem:s26], [sflag:$0x2] =	stream.indirect.gather [hbm4b:s4+s24], $0x80, s5, s24, $0xb8;
	[tilespmem:$0x1E800] =	vst v63  }
0x64: {  	_ =	swait.ge [sflag:s28], $0x4000  }
0x65: {  	[sflag:s28] =	ssyncset.done $0x0  }
0x66: {  	s29 =	sadd.s32 $0x2880, s29;
	[sflag:s28] =	ssyncadd.s32 $0xFFFFC000  }
0x67: {  	[spmem:s2] =	stream.indirect.scatter.add.f32 [tilespmem:s26], [sflag:$0x4], $0x80, s29, s24, $0xb8;
	[tilespmem:$0x1E800] =	vst v63  }
0x68: {  	s0 =	simm.s32 $0x0  }
0x69: {  	[tilespmem:s0], [sflag:$0x5] =	stream.linear.gather [hbm4b:s13+s0], $0x1400, $0x38;
	[tilespmem:$0x1E800] =	vst v63  }
0x6a: {  	_ =	swait.ge [sflag:s22], $0x1400  }
0x6b: {  	[sflag:s22] =	ssyncset.done $0x0  }
0x6c: {  	[sflag:s22] =	ssyncadd.s32 $0xFFFFEC00  }
0x6d: {  	[tilespmem:s23], [sflag:$0x5] =	stream.linear.gather [hbm4b:s14+s0], $0x1400, $0x38;
	[tilespmem:$0x1E800] =	vst v63  }
0x6e: {  	_ =	swait.ge [sflag:s22], $0x1400  }
0x6f: {  	[sflag:s22] =	ssyncset.done $0x0  }
0x70: {  	[sflag:s22] =	ssyncadd.s32 $0xFFFFEC00  }
0x71: {  	_ =	swait.ge [sflag:s30], $0x4000  }
0x72: {  	[sflag:s30] =	ssyncset.done $0x0  }
0x73: {  	s5 =	simm.s32 $0x0;
	[sflag:s30] =	ssyncadd.s32 $0xFFFFC000  }
0x74: {  	[tilespmem:s21], [sflag:$0x1] =	stream.indirect.gather [hbm4b:s4+s24], $0x80, s5, s24, $0xb8;
	[tilespmem:$0x1E800] =	vst v63  }
0x75: {  	_ =	swait.ge [sflag:s25], $0x4000  }
0x76: {  	[sflag:s25] =	ssyncset.done $0x0  }
0x77: {  	s5 =	simm.s32 $0x1400;
	[sflag:s25] =	ssyncadd.s32 $0xFFFFC000  }
0x78: {  	[spmem:s2] =	stream.indirect.scatter.add.f32 [tilespmem:s21], [sflag:$0x3], $0x80, s5, s24, $0xb8;
	[tilespmem:$0x1E800] =	vst v63  }
0x79: {  	_ =	swait.ge [sflag:s31], $0x4000  }
0x7a: {  	[sflag:s31] =	ssyncset.done $0x0  }
0x7b: {  	s5 =	simm.s32 $0x80;
	[sflag:s31] =	ssyncadd.s32 $0xFFFFC000  }
0x7c: {  	[tilespmem:s26], [sflag:$0x2] =	stream.indirect.gather [hbm4b:s4+s24], $0x80, s5, s24, $0xb8;
	[tilespmem:$0x1E800] =	vst v63  }
0x7d: {  	_ =	swait.ge [sflag:s28], $0x4000  }
0x7e: {  	[sflag:s28] =	ssyncset.done $0x0  }
0x7f: {  	s29 =	simm.s32 $0x1480;
	s0 =	simm.s32 $0x400;
	[sflag:s28] =	ssyncadd.s32 $0xFFFFC000  }
.LBB2_4:
0x80: {  	[spmem:s2] =	stream.indirect.scatter.add.f32 [tilespmem:s26], [sflag:$0x4], $0x80, s29, s24, $0xb8;
	[tilespmem:$0x1E800] =	vst v63  }
0x81: {  	s5 =	smov.u32 s0  }
0x82: {  	p0 =	sne.s32 s0, $0x4C00;
	s0 =	sadd.s32 $0x400, s0;
	_ =	swait.ge [sflag:s30], $0x4000  }
0x83: {  	[sflag:s30] =	ssyncset.done $0x0  }
0x84: {  	s5 =	sshra.s32 s5, $0x2;
	[sflag:s30] =	ssyncadd.s32 $0xFFFFC000  }
0x85: {  	[tilespmem:s21], [sflag:$0x1] =	stream.indirect.gather [hbm4b:s4+s24], $0x80, s5, s24, $0xb8;
	[tilespmem:$0x1E800] =	vst v63  }
0x86: {  	_ =	swait.ge [sflag:s25], $0x4000  }
0x87: {  	[sflag:s25] =	ssyncset.done $0x0  }
0x88: {  	s29 =	sadd.s32 $0x1400, s5;
	[sflag:s25] =	ssyncadd.s32 $0xFFFFC000  }
0x89: {  	[spmem:s2] =	stream.indirect.scatter.add.f32 [tilespmem:s21], [sflag:$0x3], $0x80, s29, s24, $0xb8;
	[tilespmem:$0x1E800] =	vst v63  }
0x8a: {  	_ =	swait.ge [sflag:s31], $0x4000  }
0x8b: {  	[sflag:s31] =	ssyncset.done $0x0  }
.Ltmp1:
0x8c: {  	s29 =	sadd.s32 $0x80, s5;
	[sflag:s31] =	ssyncadd.s32 $0xFFFFC000;
	(pc) =	sbr.rel @p0 .LBB2_4-.Ltmp1, $4  }
0x8d: {  	[tilespmem:s26], [sflag:$0x2] =	stream.indirect.gather [hbm4b:s4+s24], $0x80, s29, s24, $0xb8;
	[tilespmem:$0x1E800] =	vst v63  }
0x8e: {  	_ =	swait.ge [sflag:s28], $0x4000  }
0x8f: {  	[sflag:s28] =	ssyncset.done $0x0  }
0x90: {  	s29 =	sadd.s32 $0x1480, s5;
	[sflag:s28] =	ssyncadd.s32 $0xFFFFC000  }
0x91: {  	[spmem:s2] =	stream.indirect.scatter.add.f32 [tilespmem:s26], [sflag:$0x4], $0x80, s29, s24, $0xb8;
	[tilespmem:$0x1E800] =	vst v63  }
0x92: {  	_ =	swait.ge [sflag:s30], $0x4000  }
0x93: {  	[sflag:s30] =	ssyncset.done $0x0  }
0x94: {  	[sflag:s30] =	ssyncadd.s32 $0xFFFFC000  }
0x95: {  	_ =	swait.ge [sflag:s31], $0x4000  }
0x96: {  	[sflag:s31] =	ssyncset.done $0x0  }
0x97: {  	[sflag:s31] =	ssyncadd.s32 $0xFFFFC000  }
0x98: {  	[bflag:$0x0] =	sbarrier.arrive $0xFFFF  }
0x99: {  	[tilespmem:s21], [sflag:$0x5] =	stream.linear.gather [spmem:s6], $0x4000, $0x38;
	[tilespmem:$0x1E800] =	vst v63  }
0x9a: {  	_ =	swait.ge [sflag:s22], $0x4000  }
0x9b: {  	[sflag:s22] =	ssyncset.done $0x0  }
0x9c: {  	[sflag:s22] =	ssyncadd.s32 $0xFFFFC000  }
0x9d: {  	[hbm4b:s15+s3] =	stream.linear.scatter [tilespmem:s21], [sflag:$0x5], $0x4000, $0x38;
	[tilespmem:$0x1E800] =	vst v63  }
0x9e: {  	_ =	swait.ge [sflag:s22], $0x4000  }
0x9f: {  	[sflag:s22] =	ssyncset.done $0x0  }
0xa0: {  	[sflag:s22] =	ssyncadd.s32 $0xFFFFC000  }
0xa1: {  	[tilespmem:s26], [sflag:$0x5] =	stream.linear.gather [spmem:s7], $0x4000, $0x38;
	[tilespmem:$0x1E800] =	vst v63  }
0xa2: {  	_ =	swait.ge [sflag:s22], $0x4000  }
0xa3: {  	[sflag:s22] =	ssyncset.done $0x0  }
0xa4: {  	[sflag:s22] =	ssyncadd.s32 $0xFFFFC000  }
0xa5: {  	[hbm4b:s16+s3] =	stream.linear.scatter [tilespmem:s26], [sflag:$0x5], $0x4000, $0x38;
	[tilespmem:$0x1E800] =	vst v63  }
0xa6: {  	_ =	swait.ge [sflag:s22], $0x4000  }
0xa7: {  	[sflag:s22] =	ssyncset.done $0x0  }
0xa8: {  	[sflag:s22] =	ssyncadd.s32 $0xFFFFC000  }
0xa9: {  	[tilespmem:s21], [sflag:$0x5] =	stream.linear.gather [spmem:s8], $0x4000, $0x38;
	[tilespmem:$0x1E800] =	vst v63  }
0xaa: {  	_ =	swait.ge [sflag:s22], $0x4000  }
0xab: {  	[sflag:s22] =	ssyncset.done $0x0  }
0xac: {  	[sflag:s22] =	ssyncadd.s32 $0xFFFFC000  }
0xad: {  	[hbm4b:s17+s3] =	stream.linear.scatter [tilespmem:s21], [sflag:$0x5], $0x4000, $0x38;
	[tilespmem:$0x1E800] =	vst v63  }
0xae: {  	_ =	swait.ge [sflag:s22], $0x4000  }
0xaf: {  	[sflag:s22] =	ssyncset.done $0x0  }
0xb0: {  	[sflag:s22] =	ssyncadd.s32 $0xFFFFC000  }
0xb1: {  	[tilespmem:s26], [sflag:$0x5] =	stream.linear.gather [spmem:s9], $0x4000, $0x38;
	[tilespmem:$0x1E800] =	vst v63  }
0xb2: {  	_ =	swait.ge [sflag:s22], $0x4000  }
0xb3: {  	[sflag:s22] =	ssyncset.done $0x0  }
0xb4: {  	[sflag:s22] =	ssyncadd.s32 $0xFFFFC000  }
0xb5: {  	[hbm4b:s18+s3] =	stream.linear.scatter [tilespmem:s26], [sflag:$0x5], $0x4000, $0x38;
	[tilespmem:$0x1E800] =	vst v63  }
0xb6: {  	_ =	swait.ge [sflag:s22], $0x4000  }
0xb7: {  	[sflag:s22] =	ssyncset.done $0x0  }
0xb8: {  	[sflag:s22] =	ssyncadd.s32 $0xFFFFC000  }
0xb9: {  	[tilespmem:s21], [sflag:$0x5] =	stream.linear.gather [spmem:s10], $0x4000, $0x38;
	[tilespmem:$0x1E800] =	vst v63  }
0xba: {  	s1 =	sadd.s32 $0x1, s1;
	_ =	swait.ge [sflag:s22], $0x4000  }
0xbb: {  	p0 =	sne.s32 s1, s20;
	[sflag:s22] =	ssyncset.done $0x0  }
.Ltmp2:
0xbc: {  	[sflag:s22] =	ssyncadd.s32 $0xFFFFC000;
	(pc) =	sbr.rel @p0 .LBB2_1-.Ltmp2, $4  }
0xbd: {  	[hbm4b:s19+s3] =	stream.linear.scatter [tilespmem:s21], [sflag:$0x5], $0x4000, $0x38;
	[tilespmem:$0x1E800] =	vst v63  }
0xbe: {  	_ =	swait.ge [sflag:s22], $0x4000  }
0xbf: {  	[sflag:s22] =	ssyncset.done $0x0  }
0xc0: {  	[sflag:s22] =	ssyncadd.s32 $0xFFFFC000  }
0xc1: {  	_ =	sfence.sel $0x180000  }
0xc2: {  	[bflag:$0x0] =	sbarrier.arrive $0xFFFF  }
0xc3: {  	_ =	strace $0x90000047  }
0xc4: {  	s0 =	stileid.u32;
	[bflag:$0x2] =	sbarrier.arrive $0xFFFF  }
0xc5: {  	p0 =	sne.s32 s0, $0x0;
	s0 =	rddreg [dreg:$0x2]  }
0xc6: {  	s0 =	sadd.s32 @!p0 $0x100000, s0  }
0xc7: {  	[sflag:s0] =	ssyncadd.tile.s32 @!p0 $0x1;
	_ =	shalt  }
.Lfunc_end2:
_tile_overlayer_lowered:
.L_overlay_start_2:
0xc8: {  	(tag) =	ssettag $0x2  }
0xc9: {  	s0 =	rddreg [dreg:$0x0];
	s2 =	stileid.u32  }
0xca: {  	s1 =	rddreg [dreg:$0x1];
	p0 =	sne.s32 s2, $0x0  }
0xcb: {  	s3 =	rddreg [dreg:$0x2];
	[bflag:$0x3] =	sbarrier.arrive $0xFFFF;
	s2 =	simm.s32 @!p0 $0x1C05  }
0xcc: {  	[timem:s3], [sflag:s2] =	dma.local @!p0 [hbm:s0], s1  }
0xcd: {  	s0 =	simm.s32 @!p0 $0x5  }
0xce: {  	_ =	swait.ge @!p0 [sflag:s0], s1  }
0xcf: {  	s1 =	ssub.s32 @!p0 $0x0, s1;
	[sflag:s0] =	ssyncset.done @!p0 $0x0  }
0xd0: {  	[sflag:s0] =	ssyncadd.s32 @!p0 s1  }
0xd1: {  	[bflag:$0x3] =	sbarrier.arrive $0xFFFF  }
0xd2: {  	_ =	shalt  }

// kernel: kernel.14.cloned.1.call-start
scs
__scs_entry_jumppad:
0x0: {  	(pc) =	sbr.rel $0x88, $3  }
0x1: {  	(tag) =	ssettag $0x0;
	lr =	simm.s32 $0x1  }
0x2: {  	[smem:$0x3F95] =	sst lr;
	_ =	strace $0xD0000000  }
0x3: {  	_ = 	snop  }
0x4: {  	_ = 	snop  }
0x5: {  	_ = 	snop  }
0x6: {  	_ = 	snop  }
0x7: {  	_ = 	snop  }
__scs_overlays_trampoline_lowered:
0x8: {  	[smem:$0x3FA4] =	sst s0  }
0x9: {  	[smem:$0x3FA5] =	sst s1  }
0xa: {  	[smem:$0x3FA6] =	sst s2  }
0xb: {  	[smem:$0x3FA7] =	sst s3  }
0xc: {  	[smem:$0x3FA8] =	sst s4  }
0xd: {  	[smem:$0x3FA9] =	sst s5  }
0xe: {  	[smem:$0x3FAA] =	sst s6  }
0xf: {  	[smem:$0x3FAB] =	sst s7  }
0x10: {  	[smem:$0x3FAC] =	sst s8  }
0x11: {  	[smem:$0x3FAD] =	sst s9;
	s0 =	simm.s32 @!p0 $0x0  }
0x12: {  	s1 =	sld [smem:$0x3F93];
	s0 =	simm.s32 @p0 $0x1  }
0x13: {  	[smem:$0x3FAE] =	sst s0;
	s0 =	simm.s32 @!p1 $0x0  }
0x14: {  	s2 =	sld [smem:$0x3F92];
	s0 =	simm.s32 @p1 $0x1  }
0x15: {  	[smem:$0x3FAF] =	sst s0;
	s0 =	simm.s32 @!p2 $0x0  }
0x16: {  	s3 =	sld [smem:$0x3FDB];
	s0 =	simm.s32 @p2 $0x1  }
0x17: {  	s4 =	simm.s32 $0x1BF5;
	[smem:$0x3FB1] =	sst s0  }
0x18: {  	s0 =	sld [smem:$0x3F94];
	_ =	swait.ge [sflag:s4], $0x0  }
0x19: {  	s7 =	sld [smem:$0x3F95]  }
0x1a: {  	s8 =	sadd.s32 $0xFFFFE003, lr  }
0x1b: {  	s9 =	sadd.s32 $0xFFFFFEF7, lr;
	s5 =	simm.s32 $0xFFFFFFFF;
	p2 =	slt.u32 s8, $0xFFFFF086  }
0x1c: {  	p1 =	slt.u32 s9, $0xF7A;
	s5 =	simm.s32 @!p2 $0x0  }
0x1d: {  	s5 =	simm.s32 @p1 $0x1;
	p0 =	seq.s32 s7, s2  }
0x1e: {  	s7 =	smul.u32 @!p0 $0xF7A, s2;
	p2 =	seq.s32 @!p0 s5, $0x0  }
0x1f: {  	s9 =	smul.u32 $0xF7A, s1;
	s8 =	simm.s32 @!p0 $0x1BF5;
	p2 =	por !p2, p0  }
0x20: {  	[sflag:s8] =	ssyncset.s32 @!p0 $0xFFFFF086;
	s6 =	sadd.s32 @!p0 s3, s7;
	s7 =	simm.s32 @!p0 $0x108  }
0x21: {  	s3 =	sadd.s32 s3, s9;
	s6 =	sadd.s32 @!p0 $0x88, s6;
	s7 =	simm.s32 @p2 $0x1082  }
0x22: {  	[simem:s7], [sflag:s8] =	dma.local @!p0 [hbm:s6], $0xF7A  }
0x23: {  	s9 =	sor.u32 $0xD0000000, s2;
	s6 =	simm.s32 $0x108;
	_ =	swait.ge @!p0 [sflag:s8], $0x0  }
0x24: {  	s3 =	sadd.s32 $0x88, s3;
	s6 =	simm.s32 @!p1 $0x1082;
	[sflag:s4] =	ssyncset.s32 $0xFFFFF086  }
0x25: {  	[simem:s6], [sflag:s4] =	dma.local [hbm:s3], $0xF7A  }
0x26: {  	[smem:$0x3F95] =	sst s1;
	(tag) =	ssettag s2;
	_ =	strace s9  }
0x27: {  	s1 =	sld [smem:$0x3FA5]  }
0x28: {  	s2 =	sld [smem:$0x3FA6]  }
0x29: {  	s4 =	sld [smem:$0x3FA8]  }
0x2a: {  	p0 =	seq.s32 s5, $0x0;
	s5 =	sld [smem:$0x3FA9]  }
0x2b: {  	s6 =	sld [smem:$0x3FAA]  }
0x2c: {  	s7 =	sld [smem:$0x3FAB]  }
0x2d: {  	s3 =	simm.s32 $0x108;
	s8 =	sld [smem:$0x3FAC]  }
0x2e: {  	s3 =	simm.s32 @!p0 $0x1082;
	s9 =	sld [smem:$0x3FAD]  }
0x2f: {  	lr =	sadd.s32 s0, s3;
	s0 =	sld [smem:$0x3FA4]  }
0x30: {  	s3 =	sld [smem:$0x3FA7]  }
0x31: {  	[smem:$0x3FB0] =	sst s10  }
0x32: {  	s10 =	sld [smem:$0x3FAE];
	_ =	sdelay $0x3  }
0x33: {  	p0 =	seq.s32 s10, $0x1;
	s10 =	sld [smem:$0x3FB0];
	_ =	sdelay $0x3  }
0x34: {  	[smem:$0x3FB0] =	sst s10  }
0x35: {  	s10 =	sld [smem:$0x3FAF];
	_ =	sdelay $0x3  }
0x36: {  	p1 =	seq.s32 s10, $0x1;
	s10 =	sld [smem:$0x3FB0];
	_ =	sdelay $0x3  }
0x37: {  	[smem:$0x3FB0] =	sst s10  }
0x38: {  	s10 =	sld [smem:$0x3FB1]  }
0x39: {  	_ = 	snop;
	(pc) =	sbr.ind lr, $3  }
0x3a: {  	_ = 	snop  }
0x3b: {  	_ = 	snop  }
0x3c: {  	p2 =	seq.s32 s10, $0x1;
	s10 =	sld [smem:$0x3FB0]  }
0x3d: {  	_ =	shalt  }
0x3e: {  	_ =	shalt  }
0x3f: {  	_ =	shalt  }
0x40: {  	_ =	shalt  }
0x41: {  	_ =	shalt  }
0x42: {  	_ =	shalt  }
0x43: {  	_ =	shalt  }
0x44: {  	_ =	shalt  }
0x45: {  	_ =	shalt  }
0x46: {  	_ =	shalt  }
0x47: {  	_ =	shalt  }
0x48: {  	_ =	shalt  }
0x49: {  	_ =	shalt  }
0x4a: {  	_ =	shalt  }
0x4b: {  	_ =	shalt  }
0x4c: {  	_ =	shalt  }
0x4d: {  	_ =	shalt  }
0x4e: {  	_ =	shalt  }
0x4f: {  	_ =	shalt  }
0x50: {  	_ =	shalt  }
0x51: {  	_ =	shalt  }
0x52: {  	_ =	shalt  }
0x53: {  	_ =	shalt  }
0x54: {  	_ =	shalt  }
0x55: {  	_ =	shalt  }
0x56: {  	_ =	shalt  }
0x57: {  	_ =	shalt  }
0x58: {  	_ =	shalt  }
0x59: {  	_ =	shalt  }
0x5a: {  	_ =	shalt  }
0x5b: {  	_ =	shalt  }
0x5c: {  	_ =	shalt  }
0x5d: {  	_ =	shalt  }
0x5e: {  	_ =	shalt  }
0x5f: {  	_ =	shalt  }
0x60: {  	_ =	shalt  }
0x61: {  	_ =	shalt  }
0x62: {  	_ =	shalt  }
0x63: {  	_ =	shalt  }
0x64: {  	_ =	shalt  }
0x65: {  	_ =	shalt  }
0x66: {  	_ =	shalt  }
0x67: {  	_ =	shalt  }
0x68: {  	_ =	shalt  }
0x69: {  	_ =	shalt  }
0x6a: {  	_ =	shalt  }
0x6b: {  	_ =	shalt  }
0x6c: {  	_ =	shalt  }
0x6d: {  	_ =	shalt  }
0x6e: {  	_ =	shalt  }
0x6f: {  	_ =	shalt  }
0x70: {  	_ =	shalt  }
0x71: {  	_ =	shalt  }
0x72: {  	_ =	shalt  }
0x73: {  	_ =	shalt  }
0x74: {  	_ =	shalt  }
0x75: {  	_ =	shalt  }
0x76: {  	_ =	shalt  }
0x77: {  	_ =	shalt  }
0x78: {  	_ =	shalt  }
0x79: {  	_ =	shalt  }
0x7a: {  	_ =	shalt  }
0x7b: {  	_ =	shalt  }
0x7c: {  	_ =	shalt  }
0x7d: {  	_ =	shalt  }
0x7e: {  	_ =	shalt  }
0x7f: {  	_ =	shalt  }
0x80: {  	_ =	shalt  }
0x81: {  	_ =	shalt  }
0x82: {  	_ =	shalt  }
0x83: {  	_ =	shalt  }
0x84: {  	_ =	shalt  }
0x85: {  	_ =	shalt  }
0x86: {  	_ =	shalt  }
0x87: {  	_ =	shalt  }
.Lfunc_end0:
.L_simem_size_0:
called_computation.2_lowered:
.L_overlay_start_0:
0x88: {  	s2 =	sld [smem:$0x3FD9]  }
0x89: {  	s3 =	sld [smem:$0x3FFE];
	_ =	sdelay $0x1  }
0x8a: {  	s1 =	srdreg.scid  }
0x8b: {  	s0 =	sand.u32 $0x1, s1  }
0x8c: {  	s16 =	sshll.u32 s0, $0xA;
	s2 =	sadd.s32 s3, s2  }
0x8d: {  	s2 =	sadd.s32 s2, s16  }
0x8e: {  	[smem:$0x3FBC] =	sst s2  }
0x8f: {  	_ = 	snop  }
0x90: {  	(tm) =	ssettm $0x1  }
0x91: {  	s17 =	sld [smem:$0x3FFB];
	_ =	sdelay $0x3  }
0x92: {  	_ =	strace s17  }
0x93: {  	s2 =	sld [smem:$0x3FFC];
	_ =	sdelay $0x3  }
0x94: {  	_ =	strace s2  }
0x95: {  	s2 =	sld [smem:$0x3FFD];
	_ =	sdelay $0x3  }
0x96: {  	_ =	strace s2  }
0x97: {  	_ =	strace $0x8FFFFFFF  }
0x98: {  	s18 =	sld [smem:$0x3FDB];
	_ =	sdelay $0x1  }
0x99: {  	s19 =	simm.s32 $_scs_section_size  }
0x9a: {  	s4 =	simm.s32 $_size__tile_overlayer_lowered;
	s5 =	simm.s32 $_tile_overlayer_lowered  }
0x9b: {  	s22 =	simm.s32 $0x1BFF;
	s21 =	sshll.u32 s5, $0x1;
	s2 =	sadd.s32 s19, s18  }
0x9c: {  	s6 =	simm.s32 $0x0;
	s20 =	sshll.u32 s4, $0x1;
	s4 =	sadd.s32 s21, s2  }
0x9d: {  	[timem:s6], [sflag:s22] =	dma.local [hbm:s4], s20  }
0x9e: {  	_ =	swait.ge [sflag:s22], s20  }
0x9f: {  	s3 =	ssub.s32 $0x0, s20;
	[sflag:s22] =	ssyncset.done $0x0  }
0xa0: {  	[sflag:s22] =	ssyncadd.s32 s3;
	_ =	sdelay $0x1  }
0xa1: {  	s23 =	simm.s32 $0x1B8B  }
0xa2: {  	_ =	swait.ge [sflag:s23], $0x1  }
0xa3: {  	[sflag:s23] =	ssyncset.done $0x0  }
0xa4: {  	s25 =	simm.s32 $0x1B8E;
	s24 =	sld [smem:$0x3FFE];
	[sflag:s23] =	ssyncadd.s32 $0xFFFFFFFF  }
0xa5: {  	s26 =	simm.s32 $execute0_lowered;
	[smem:$0x3FD2] =	sst s25  }
0xa6: {  	s4 =	sshll.u32 s26, $0x1;
	_ =	strace $0x8000004C;
	[dreg:$0x1] =	wrdreg $0xFFFFFFFF  }
0xa7: {  	s28 =	simm.s32 $_size_execute0_lowered;
	s2 =	sadd.s32 s2, s4;
	[dreg:$0x0] =	wrdreg $0x0  }
0xa8: {  	s4 =	sshll.u32 s28, $0x1;
	[dreg:$0x2] =	wrdreg s2  }
0xa9: {  	[dreg:$0x3] =	wrdreg s4  }
0xaa: {  	[dreg:$0x4] =	wrdreg $0xC0  }
0xab: {  	_ =	task [dreg:s6], $0x5FFFF  }
0xac: {  	[dreg:$0x1] =	wrdreg $0xFFFFFFFF  }
0xad: {  	[dreg:$0x0] =	wrdreg $0x60  }
0xae: {  	[dreg:$0x2] =	wrdreg s24  }
0xaf: {  	[dreg:$0x3] =	wrdreg $0xA8000  }
0xb0: {  	[dreg:$0x4] =	wrdreg $0x9  }
0xb1: {  	_ =	task.clear_ibuf [dreg:s6], $0x5FFFF;
	_ =	strace $0x9000004C  }
0xb2: {  	s29 =	simm.s32 $0x9;
	_ =	strace $0x8000004E  }
0xb3: {  	_ =	swait.ge [sflag:s29], $0x1  }
0xb4: {  	[sflag:s29] =	ssyncadd.s32 $0xFFFFFFFF  }
0xb5: {  	_ =	strace $0x9000004E  }
0xb6: {  	_ =	sfence  }
0xb7: {  	s30 =	sld [smem:$0x0];
	_ =	sdelay $0x2  }
0xb8: {  	s31 =	sshll.u32 s1, $0xD;
	s1 =	sshrl.u32 s1, $0x2  }
0xb9: {  	s3 =	sand.u32 $0x4000, s31;
	s1 =	sadd.s32 s1, s30  }
0xba: {  	s0 =	sor.u32 s3, s0;
	s1 =	sshll.u32 s1, $0x11  }
0xbb: {  	s0 =	sor.u32 s1, s0  }
0xbc: {  	s0 =	sadd.s32 $0x8F2B, s0  }
0xbd: {  	[sflag:s0] =	ssyncadd.remote.s32 $0x1  }
0xbe: {  	_ =	sfence.sel $0xFFFF  }
0xbf: {  	[dreg:$0x0] =	wrdreg $0xFFFFFFFF;
	(pc) =	sbr.abs _section_cstart, $3  }
0xc0: {  	[dreg:$0x1] =	wrdreg $0xFFFFFFFF  }
0xc1: {  	_ =	task.clear_ibuf [dreg:s6], $0x2FFFF;
	_ =	strace $0x9FFFFFFF  }
0xc2: {  	(tm) =	ssettm $0x7FFFFFFF  }
0xc3: {  	_ =	shalt  }
tec
execute0_lowered:
.L_overlay_start_1:
0x0: {  	(tag) =	ssettag $0x1  }
0x1: {  	s0 =	srdreg.scid;
	s6 =	rddreg [dreg:$0x0]  }
0x2: {  	s23 =	stileid.u32;
	s2 =	rddreg [dreg:$0x1]  }
0x3: {  	s21 =	simm.s32 $0x1400;
	s22 =	simm.s32 $0x80;
	s28 =	simm.s32 $0x3  }
0x4: {  	s29 =	simm.s32 $0x4;
	s30 =	simm.s32 $0x0;
	s11 =	smul.u32 $0x280, s23  }
0x5: {  	s1 =	sand.u32 $0x1, s0;
	s8 =	smul.u32 $0x50000, s23;
	s5 =	sadd.s32 $0xB2C00, s6  }
0x6: {  	s17 =	sadd.s32 $0x33A00, s6;
	s3 =	sshll.u32 s1, $0x4;
	s7 =	ssub.s32 $0x2, s1  }
0x7: {  	s1 =	smul.u32 $0x2800, s1;
	s4 =	sor.u32 s23, s3;
	s3 =	simm.s32 $0x0  }
0x8: {  	s24 =	sshrl.u32 s7, $0x1;
	s25 =	sshrl.u32 s8, $0x2;
	s13 =	sadd.s32 $0x80, s11  }
0x9: {  	s15 =	sadd.s32 $0x100, s11;
	s16 =	sadd.s32 $0x180, s11;
	s19 =	sadd.s32 $0x200, s11  }
0xa: {  	s23 =	simm.s32 $0x1;
	s4 =	smul.u32 $0x280, s4;
	[smem:$0x7FF] =	sst s3  }
0xb: {  	s18 =	ssub.s32 s7, s24;
	s26 =	sshll.u32 s13, $0x7;
	s31 =	sshll.u32 s15, $0x7  }
0xc: {  	s9 =	sshll.u32 s16, $0x7;
	s10 =	sshll.u32 s19, $0x7;
	s14 =	sadd.s32 s11, s1  }
0xd: {  	s13 =	sadd.s32 s1, s13;
	s15 =	sadd.s32 s1, s15;
	s16 =	sadd.s32 s1, s16  }
0xe: {  	s1 =	sadd.s32 s1, s19;
	s19 =	simm.s32 $0x2800;
	s24 =	simm.s32 $0x6800  }
0xf: {  	_ =	strace $0x8000004D;
	s7 =	sadd.s32 s26, s2;
	s8 =	sadd.s32 s31, s2  }
0x10: {  	s9 =	sadd.s32 s9, s2;
	s10 =	sadd.s32 s10, s2;
	s14 =	sshll.u32 s14, $0x4  }
0x11: {  	s20 =	sshll.u32 s13, $0x4;
	s15 =	sshll.u32 s15, $0x4;
	s16 =	sshll.u32 s16, $0x4  }
0x12: {  	s1 =	sshll.u32 s1, $0x4;
	s18 =	smax.u32 s18, $0x1;
	s26 =	simm.s32 $0x1480  }
0x13: {  	s12 =	sadd.s32 s4, s6;
	s4 =	sadd.s32 $0xC800, s6;
	s6 =	sadd.s32 s25, s2  }
0x14: {  	s13 =	sadd.s32 s17, s14;
	s14 =	sadd.s32 s17, s20;
	s15 =	sadd.s32 s17, s15  }
0x15: {  	s16 =	sadd.s32 s17, s16;
	s17 =	sadd.s32 s17, s1;
	s20 =	simm.s32 $0x5  }
0x16: {  	s25 =	simm.s32 $0x2;
	s11 =	sadd.s32 $0x7800, s12;
	s12 =	sadd.s32 $0x2800, s12  }
.LBB2_1:
0x17: {  	[tilespmem:s19], [sflag:$0x5] =	stream.linear.gather [hbm4b:s5+s3], $0x4000, $0x38;
	[tilespmem:$0x1E800] =	vst v63  }
0x18: {  	_ =	swait.ge [sflag:s20], $0x4000  }
0x19: {  	[sflag:s20] =	ssyncset.done $0x0  }
0x1a: {  	[sflag:s20] =	ssyncadd.s32 $0xFFFFC000  }
0x1b: {  	[spmem:s6] =	stream.linear.scatter [tilespmem:s19], [sflag:$0x5], $0x4000, $0x38;
	[tilespmem:$0x1E800] =	vst v63  }
0x1c: {  	_ =	swait.ge [sflag:s20], $0x4000  }
0x1d: {  	[sflag:s20] =	ssyncset.done $0x0  }
0x1e: {  	[sflag:s20] =	ssyncadd.s32 $0xFFFFC000  }
0x1f: {  	[spmem:s7] =	stream.linear.scatter [tilespmem:s19], [sflag:$0x5], $0x4000, $0x38;
	[tilespmem:$0x1E800] =	vst v63  }
0x20: {  	_ =	swait.ge [sflag:s20], $0x4000  }
0x21: {  	[sflag:s20] =	ssyncset.done $0x0  }
0x22: {  	[sflag:s20] =	ssyncadd.s32 $0xFFFFC000  }
0x23: {  	[spmem:s8] =	stream.linear.scatter [tilespmem:s19], [sflag:$0x5], $0x4000, $0x38;
	[tilespmem:$0x1E800] =	vst v63  }
0x24: {  	_ =	swait.ge [sflag:s20], $0x4000  }
0x25: {  	[sflag:s20] =	ssyncset.done $0x0  }
0x26: {  	[sflag:s20] =	ssyncadd.s32 $0xFFFFC000  }
0x27: {  	[spmem:s9] =	stream.linear.scatter [tilespmem:s19], [sflag:$0x5], $0x4000, $0x38;
	[tilespmem:$0x1E800] =	vst v63  }
0x28: {  	_ =	swait.ge [sflag:s20], $0x4000  }
0x29: {  	[sflag:s20] =	ssyncset.done $0x0  }
0x2a: {  	[sflag:s20] =	ssyncadd.s32 $0xFFFFC000  }
0x2b: {  	[spmem:s10] =	stream.linear.scatter [tilespmem:s19], [sflag:$0x5], $0x4000, $0x38;
	[tilespmem:$0x1E800] =	vst v63  }
0x2c: {  	_ =	swait.ge [sflag:s20], $0x4000  }
0x2d: {  	[sflag:s20] =	ssyncset.done $0x0  }
0x2e: {  	[sflag:s20] =	ssyncadd.s32 $0xFFFFC000  }
0x2f: {  	[bflag:$0x0] =	sbarrier.arrive $0xFFFF  }
0x30: {  	[tilespmem:s3], [sflag:$0x5] =	stream.linear.gather [hbm4b:s11+s3], $0x1400, $0x38;
	[tilespmem:$0x1E800] =	vst v63  }
0x31: {  	_ =	swait.ge [sflag:s20], $0x1400  }
0x32: {  	[sflag:s20] =	ssyncset.done $0x0  }
0x33: {  	[sflag:s20] =	ssyncadd.s32 $0xFFFFEC00  }
0x34: {  	[tilespmem:s21], [sflag:$0x5] =	stream.linear.gather [hbm4b:s12+s3], $0x1400, $0x38;
	[tilespmem:$0x1E800] =	vst v63  }
0x35: {  	_ =	swait.ge [sflag:s20], $0x1400  }
0x36: {  	[sflag:s20] =	ssyncset.done $0x0  }
0x37: {  	[sflag:s20] =	ssyncadd.s32 $0xFFFFEC00  }
0x38: {  	[tilespmem:s19], [sflag:$0x1] =	stream.indirect.gather [hbm4b:s4+s22], $0x80, s3, s22, $0xb8;
	[tilespmem:$0x1E800] =	vst v63  }
0x39: {  	_ =	swait.ge [sflag:s23], $0x4000  }
0x3a: {  	[sflag:s23] =	ssyncset.done $0x0  }
0x3b: {  	[sflag:s23] =	ssyncadd.s32 $0xFFFFC000  }
0x3c: {  	[spmem:s2] =	stream.indirect.scatter.add.f32 [tilespmem:s19], [sflag:$0x3], $0x80, s21, s22, $0xb8;
	[tilespmem:$0x1E800] =	vst v63  }
0x3d: {  	_ = 	snop  }
0x3e: {  	[tilespmem:s24], [sflag:$0x2] =	stream.indirect.gather [hbm4b:s4+s22], $0x80, s22, s22, $0xb8;
	[tilespmem:$0x1E800] =	vst v63  }
0x3f: {  	_ =	swait.ge [sflag:s25], $0x4000  }
0x40: {  	[sflag:s25] =	ssyncset.done $0x0  }
0x41: {  	[sflag:s25] =	ssyncadd.s32 $0xFFFFC000  }
0x42: {  	[spmem:s2] =	stream.indirect.scatter.add.f32 [tilespmem:s24], [sflag:$0x4], $0x80, s26, s22, $0xb8;
	[tilespmem:$0x1E800] =	vst v63  }
0x43: {  	_ =	swait.ge [sflag:s28], $0x4000  }
0x44: {  	[sflag:s28] =	ssyncset.done $0x0  }
0x45: {  	s1 =	simm.s32 $0x100;
	[sflag:s28] =	ssyncadd.s32 $0xFFFFC000  }
0x46: {  	[tilespmem:s19], [sflag:$0x1] =	stream.indirect.gather [hbm4b:s4+s22], $0x80, s1, s22, $0xb8;
	[tilespmem:$0x1E800] =	vst v63  }
0x47: {  	_ =	swait.ge [sflag:s23], $0x4000  }
0x48: {  	[sflag:s23] =	ssyncset.done $0x0  }
0x49: {  	s0 =	simm.s32 $0x1500;
	[sflag:s23] =	ssyncadd.s32 $0xFFFFC000  }
0x4a: {  	[spmem:s2] =	stream.indirect.scatter.add.f32 [tilespmem:s19], [sflag:$0x3], $0x80, s0, s22, $0xb8;
	[tilespmem:$0x1E800] =	vst v63  }
0x4b: {  	_ =	swait.ge [sflag:s29], $0x4000  }
0x4c: {  	[sflag:s29] =	ssyncset.done $0x0  }
0x4d: {  	s0 =	simm.s32 $0x180;
	[sflag:s29] =	ssyncadd.s32 $0xFFFFC000  }
0x4e: {  	[tilespmem:s24], [sflag:$0x2] =	stream.indirect.gather [hbm4b:s4+s22], $0x80, s0, s22, $0xb8;
	[tilespmem:$0x1E800] =	vst v63  }
0x4f: {  	_ =	swait.ge [sflag:s25], $0x4000  }
0x50: {  	[sflag:s25] =	ssyncset.done $0x0  }
0x51: {  	s31 =	simm.s32 $0xFFFFB800;
	s1 =	simm.s32 $0x1580;
	[sflag:s25] =	ssyncadd.s32 $0xFFFFC000  }
.LBB2_2:
0x52: {  	[spmem:s2] =	stream.indirect.scatter.add.f32 [tilespmem:s24], [sflag:$0x4], $0x80, s1, s22, $0xb8;
	[tilespmem:$0x1E800] =	vst v63  }
0x53: {  	s1 =	smov.u32 s31  }
0x54: {  	p0 =	sne.s32 s31, $0xFFFFFC00;
	s31 =	sadd.s32 $0x400, s31;
	_ =	swait.ge [sflag:s28], $0x4000  }
0x55: {  	s1 =	sshra.s32 s1, $0x2;
	[sflag:s28] =	ssyncset.done $0x0  }
0x56: {  	s0 =	sadd.s32 $0x1400, s1;
	[sflag:s28] =	ssyncadd.s32 $0xFFFFC000  }
0x57: {  	[tilespmem:s19], [sflag:$0x1] =	stream.indirect.gather [hbm4b:s4+s22], $0x80, s0, s22, $0xb8;
	[tilespmem:$0x1E800] =	vst v63  }
0x58: {  	_ =	swait.ge [sflag:s23], $0x4000  }
0x59: {  	[sflag:s23] =	ssyncset.done $0x0  }
0x5a: {  	s0 =	sadd.s32 $0x2800, s1;
	[sflag:s23] =	ssyncadd.s32 $0xFFFFC000  }
0x5b: {  	[spmem:s2] =	stream.indirect.scatter.add.f32 [tilespmem:s19], [sflag:$0x3], $0x80, s0, s22, $0xb8;
	[tilespmem:$0x1E800] =	vst v63  }
0x5c: {  	_ =	swait.ge [sflag:s29], $0x4000  }
0x5d: {  	[sflag:s29] =	ssyncset.done $0x0  }
.Ltmp0:
0x5e: {  	s0 =	sadd.s32 $0x1480, s1;
	[sflag:s29] =	ssyncadd.s32 $0xFFFFC000;
	(pc) =	sbr.rel @p0 .LBB2_2-.Ltmp0, $4  }
0x5f: {  	[tilespmem:s24], [sflag:$0x2] =	stream.indirect.gather [hbm4b:s4+s22], $0x80, s0, s22, $0xb8;
	[tilespmem:$0x1E800] =	vst v63  }
0x60: {  	_ =	swait.ge [sflag:s25], $0x4000  }
0x61: {  	[sflag:s25] =	ssyncset.done $0x0  }
0x62: {  	s1 =	sadd.s32 $0x2880, s1;
	[sflag:s25] =	ssyncadd.s32 $0xFFFFC000  }
0x63: {  	[spmem:s2] =	stream.indirect.scatter.add.f32 [tilespmem:s24], [sflag:$0x4], $0x80, s1, s22, $0xb8;
	[tilespmem:$0x1E800] =	vst v63  }
0x64: {  	_ =	swait.ge [sflag:s28], $0x4000  }
0x65: {  	[sflag:s28] =	ssyncset.done $0x0  }
0x66: {  	[sflag:s28] =	ssyncadd.s32 $0xFFFFC000  }
0x67: {  	_ =	swait.ge [sflag:s29], $0x4000  }
0x68: {  	[sflag:s29] =	ssyncset.done $0x0  }
0x69: {  	[sflag:s29] =	ssyncadd.s32 $0xFFFFC000  }
0x6a: {  	[bflag:$0x0] =	sbarrier.arrive $0xFFFF  }
0x6b: {  	[tilespmem:s19], [sflag:$0x5] =	stream.linear.gather [spmem:s6], $0x4000, $0x38;
	[tilespmem:$0x1E800] =	vst v63  }
0x6c: {  	_ =	swait.ge [sflag:s20], $0x4000  }
0x6d: {  	[sflag:s20] =	ssyncset.done $0x0  }
0x6e: {  	[sflag:s20] =	ssyncadd.s32 $0xFFFFC000  }
0x6f: {  	[hbm4b:s13+s3] =	stream.linear.scatter [tilespmem:s19], [sflag:$0x5], $0x4000, $0x38;
	[tilespmem:$0x1E800] =	vst v63  }
0x70: {  	_ =	swait.ge [sflag:s20], $0x4000  }
0x71: {  	[sflag:s20] =	ssyncset.done $0x0  }
0x72: {  	[sflag:s20] =	ssyncadd.s32 $0xFFFFC000  }
0x73: {  	[tilespmem:s24], [sflag:$0x5] =	stream.linear.gather [spmem:s7], $0x4000, $0x38;
	[tilespmem:$0x1E800] =	vst v63  }
0x74: {  	_ =	swait.ge [sflag:s20], $0x4000  }
0x75: {  	[sflag:s20] =	ssyncset.done $0x0  }
0x76: {  	[sflag:s20] =	ssyncadd.s32 $0xFFFFC000  }
0x77: {  	[hbm4b:s14+s3] =	stream.linear.scatter [tilespmem:s24], [sflag:$0x5], $0x4000, $0x38;
	[tilespmem:$0x1E800] =	vst v63  }
0x78: {  	_ =	swait.ge [sflag:s20], $0x4000  }
0x79: {  	[sflag:s20] =	ssyncset.done $0x0  }
0x7a: {  	[sflag:s20] =	ssyncadd.s32 $0xFFFFC000  }
0x7b: {  	[tilespmem:s19], [sflag:$0x5] =	stream.linear.gather [spmem:s8], $0x4000, $0x38;
	[tilespmem:$0x1E800] =	vst v63  }
0x7c: {  	_ =	swait.ge [sflag:s20], $0x4000  }
0x7d: {  	[sflag:s20] =	ssyncset.done $0x0  }
0x7e: {  	[sflag:s20] =	ssyncadd.s32 $0xFFFFC000  }
0x7f: {  	[hbm4b:s15+s3] =	stream.linear.scatter [tilespmem:s19], [sflag:$0x5], $0x4000, $0x38;
	[tilespmem:$0x1E800] =	vst v63  }
0x80: {  	_ =	swait.ge [sflag:s20], $0x4000  }
0x81: {  	[sflag:s20] =	ssyncset.done $0x0  }
0x82: {  	[sflag:s20] =	ssyncadd.s32 $0xFFFFC000  }
0x83: {  	[tilespmem:s24], [sflag:$0x5] =	stream.linear.gather [spmem:s9], $0x4000, $0x38;
	[tilespmem:$0x1E800] =	vst v63  }
0x84: {  	_ =	swait.ge [sflag:s20], $0x4000  }
0x85: {  	[sflag:s20] =	ssyncset.done $0x0  }
0x86: {  	[sflag:s20] =	ssyncadd.s32 $0xFFFFC000  }
0x87: {  	[hbm4b:s16+s3] =	stream.linear.scatter [tilespmem:s24], [sflag:$0x5], $0x4000, $0x38;
	[tilespmem:$0x1E800] =	vst v63  }
0x88: {  	_ =	swait.ge [sflag:s20], $0x4000  }
0x89: {  	[sflag:s20] =	ssyncset.done $0x0  }
0x8a: {  	[sflag:s20] =	ssyncadd.s32 $0xFFFFC000  }
0x8b: {  	[tilespmem:s19], [sflag:$0x5] =	stream.linear.gather [spmem:s10], $0x4000, $0x38;
	[tilespmem:$0x1E800] =	vst v63  }
0x8c: {  	s30 =	sadd.s32 $0x1, s30;
	_ =	swait.ge [sflag:s20], $0x4000  }
0x8d: {  	p0 =	sne.s32 s30, s18;
	[sflag:s20] =	ssyncset.done $0x0  }
.Ltmp1:
0x8e: {  	[sflag:s20] =	ssyncadd.s32 $0xFFFFC000;
	(pc) =	sbr.rel @p0 .LBB2_1-.Ltmp1, $4  }
0x8f: {  	[hbm4b:s17+s3] =	stream.linear.scatter [tilespmem:s19], [sflag:$0x5], $0x4000, $0x38;
	[tilespmem:$0x1E800] =	vst v63  }
0x90: {  	_ =	swait.ge [sflag:s20], $0x4000  }
0x91: {  	[sflag:s20] =	ssyncset.done $0x0  }
0x92: {  	[sflag:s20] =	ssyncadd.s32 $0xFFFFC000  }
0x93: {  	_ =	sfence.sel $0x180000  }
0x94: {  	[bflag:$0x0] =	sbarrier.arrive $0xFFFF  }
0x95: {  	_ =	strace $0x9000004D  }
0x96: {  	s0 =	stileid.u32;
	[bflag:$0x2] =	sbarrier.arrive $0xFFFF  }
0x97: {  	p0 =	sne.s32 s0, $0x0;
	s0 =	rddreg [dreg:$0x2]  }
0x98: {  	s0 =	sadd.s32 @!p0 $0x100000, s0  }
0x99: {  	[sflag:s0] =	ssyncadd.tile.s32 @!p0 $0x1;
	_ =	shalt  }
.Lfunc_end2:
_tile_overlayer_lowered:
.L_overlay_start_2:
0x9a: {  	(tag) =	ssettag $0x2  }
0x9b: {  	s0 =	rddreg [dreg:$0x0];
	s2 =	stileid.u32  }
0x9c: {  	s1 =	rddreg [dreg:$0x1];
	p0 =	sne.s32 s2, $0x0  }
0x9d: {  	s3 =	rddreg [dreg:$0x2];
	[bflag:$0x3] =	sbarrier.arrive $0xFFFF;
	s2 =	simm.s32 @!p0 $0x1C05  }
0x9e: {  	[timem:s3], [sflag:s2] =	dma.local @!p0 [hbm:s0], s1  }
0x9f: {  	s0 =	simm.s32 @!p0 $0x5  }
0xa0: {  	_ =	swait.ge @!p0 [sflag:s0], s1  }
0xa1: {  	s1 =	ssub.s32 @!p0 $0x0, s1;
	[sflag:s0] =	ssyncset.done @!p0 $0x0  }
0xa2: {  	[sflag:s0] =	ssyncadd.s32 @!p0 s1  }
0xa3: {  	[bflag:$0x3] =	sbarrier.arrive $0xFFFF  }
0xa4: {  	_ =	shalt  }

// kernel: kernel.8.cloned.1.call-start
scs
__scs_entry_jumppad:
0x0: {  	(pc) =	sbr.rel $0x88, $3  }
0x1: {  	(tag) =	ssettag $0x0;
	lr =	simm.s32 $0x1  }
0x2: {  	[smem:$0x3F95] =	sst lr;
	_ =	strace $0xD0000000  }
0x3: {  	_ = 	snop  }
0x4: {  	_ = 	snop  }
0x5: {  	_ = 	snop  }
0x6: {  	_ = 	snop  }
0x7: {  	_ = 	snop  }
__scs_overlays_trampoline_lowered:
0x8: {  	[smem:$0x3FA4] =	sst s0  }
0x9: {  	[smem:$0x3FA5] =	sst s1  }
0xa: {  	[smem:$0x3FA6] =	sst s2  }
0xb: {  	[smem:$0x3FA7] =	sst s3  }
0xc: {  	[smem:$0x3FA8] =	sst s4  }
0xd: {  	[smem:$0x3FA9] =	sst s5  }
0xe: {  	[smem:$0x3FAA] =	sst s6  }
0xf: {  	[smem:$0x3FAB] =	sst s7  }
0x10: {  	[smem:$0x3FAC] =	sst s8  }
0x11: {  	[smem:$0x3FAD] =	sst s9;
	s0 =	simm.s32 @!p0 $0x0  }
0x12: {  	s1 =	sld [smem:$0x3F93];
	s0 =	simm.s32 @p0 $0x1  }
0x13: {  	[smem:$0x3FAE] =	sst s0;
	s0 =	simm.s32 @!p1 $0x0  }
0x14: {  	s2 =	sld [smem:$0x3F92];
	s0 =	simm.s32 @p1 $0x1  }
0x15: {  	[smem:$0x3FAF] =	sst s0;
	s0 =	simm.s32 @!p2 $0x0  }
0x16: {  	s3 =	sld [smem:$0x3FDB];
	s0 =	simm.s32 @p2 $0x1  }
0x17: {  	s4 =	simm.s32 $0x1BF5;
	[smem:$0x3FB1] =	sst s0  }
0x18: {  	s0 =	sld [smem:$0x3F94];
	_ =	swait.ge [sflag:s4], $0x0  }
0x19: {  	s7 =	sld [smem:$0x3F95]  }
0x1a: {  	s8 =	sadd.s32 $0xFFFFE003, lr  }
0x1b: {  	s9 =	sadd.s32 $0xFFFFFEF7, lr;
	s5 =	simm.s32 $0xFFFFFFFF;
	p2 =	slt.u32 s8, $0xFFFFF086  }
0x1c: {  	p1 =	slt.u32 s9, $0xF7A;
	s5 =	simm.s32 @!p2 $0x0  }
0x1d: {  	s5 =	simm.s32 @p1 $0x1;
	p0 =	seq.s32 s7, s2  }
0x1e: {  	s7 =	smul.u32 @!p0 $0xF7A, s2;
	p2 =	seq.s32 @!p0 s5, $0x0  }
0x1f: {  	s9 =	smul.u32 $0xF7A, s1;
	s8 =	simm.s32 @!p0 $0x1BF5;
	p2 =	por !p2, p0  }
0x20: {  	[sflag:s8] =	ssyncset.s32 @!p0 $0xFFFFF086;
	s6 =	sadd.s32 @!p0 s3, s7;
	s7 =	simm.s32 @!p0 $0x108  }
0x21: {  	s3 =	sadd.s32 s3, s9;
	s6 =	sadd.s32 @!p0 $0x88, s6;
	s7 =	simm.s32 @p2 $0x1082  }
0x22: {  	[simem:s7], [sflag:s8] =	dma.local @!p0 [hbm:s6], $0xF7A  }
0x23: {  	s9 =	sor.u32 $0xD0000000, s2;
	s6 =	simm.s32 $0x108;
	_ =	swait.ge @!p0 [sflag:s8], $0x0  }
0x24: {  	s3 =	sadd.s32 $0x88, s3;
	s6 =	simm.s32 @!p1 $0x1082;
	[sflag:s4] =	ssyncset.s32 $0xFFFFF086  }
0x25: {  	[simem:s6], [sflag:s4] =	dma.local [hbm:s3], $0xF7A  }
0x26: {  	[smem:$0x3F95] =	sst s1;
	(tag) =	ssettag s2;
	_ =	strace s9  }
0x27: {  	s1 =	sld [smem:$0x3FA5]  }
0x28: {  	s2 =	sld [smem:$0x3FA6]  }
0x29: {  	s4 =	sld [smem:$0x3FA8]  }
0x2a: {  	p0 =	seq.s32 s5, $0x0;
	s5 =	sld [smem:$0x3FA9]  }
0x2b: {  	s6 =	sld [smem:$0x3FAA]  }
0x2c: {  	s7 =	sld [smem:$0x3FAB]  }
0x2d: {  	s3 =	simm.s32 $0x108;
	s8 =	sld [smem:$0x3FAC]  }
0x2e: {  	s3 =	simm.s32 @!p0 $0x1082;
	s9 =	sld [smem:$0x3FAD]  }
0x2f: {  	lr =	sadd.s32 s0, s3;
	s0 =	sld [smem:$0x3FA4]  }
0x30: {  	s3 =	sld [smem:$0x3FA7]  }
0x31: {  	[smem:$0x3FB0] =	sst s10  }
0x32: {  	s10 =	sld [smem:$0x3FAE];
	_ =	sdelay $0x3  }
0x33: {  	p0 =	seq.s32 s10, $0x1;
	s10 =	sld [smem:$0x3FB0];
	_ =	sdelay $0x3  }
0x34: {  	[smem:$0x3FB0] =	sst s10  }
0x35: {  	s10 =	sld [smem:$0x3FAF];
	_ =	sdelay $0x3  }
0x36: {  	p1 =	seq.s32 s10, $0x1;
	s10 =	sld [smem:$0x3FB0];
	_ =	sdelay $0x3  }
0x37: {  	[smem:$0x3FB0] =	sst s10  }
0x38: {  	s10 =	sld [smem:$0x3FB1]  }
0x39: {  	_ = 	snop;
	(pc) =	sbr.ind lr, $3  }
0x3a: {  	_ = 	snop  }
0x3b: {  	_ = 	snop  }
0x3c: {  	p2 =	seq.s32 s10, $0x1;
	s10 =	sld [smem:$0x3FB0]  }
0x3d: {  	_ =	shalt  }
0x3e: {  	_ =	shalt  }
0x3f: {  	_ =	shalt  }
0x40: {  	_ =	shalt  }
0x41: {  	_ =	shalt  }
0x42: {  	_ =	shalt  }
0x43: {  	_ =	shalt  }
0x44: {  	_ =	shalt  }
0x45: {  	_ =	shalt  }
0x46: {  	_ =	shalt  }
0x47: {  	_ =	shalt  }
0x48: {  	_ =	shalt  }
0x49: {  	_ =	shalt  }
0x4a: {  	_ =	shalt  }
0x4b: {  	_ =	shalt  }
0x4c: {  	_ =	shalt  }
0x4d: {  	_ =	shalt  }
0x4e: {  	_ =	shalt  }
0x4f: {  	_ =	shalt  }
0x50: {  	_ =	shalt  }
0x51: {  	_ =	shalt  }
0x52: {  	_ =	shalt  }
0x53: {  	_ =	shalt  }
0x54: {  	_ =	shalt  }
0x55: {  	_ =	shalt  }
0x56: {  	_ =	shalt  }
0x57: {  	_ =	shalt  }
0x58: {  	_ =	shalt  }
0x59: {  	_ =	shalt  }
0x5a: {  	_ =	shalt  }
0x5b: {  	_ =	shalt  }
0x5c: {  	_ =	shalt  }
0x5d: {  	_ =	shalt  }
0x5e: {  	_ =	shalt  }
0x5f: {  	_ =	shalt  }
0x60: {  	_ =	shalt  }
0x61: {  	_ =	shalt  }
0x62: {  	_ =	shalt  }
0x63: {  	_ =	shalt  }
0x64: {  	_ =	shalt  }
0x65: {  	_ =	shalt  }
0x66: {  	_ =	shalt  }
0x67: {  	_ =	shalt  }
0x68: {  	_ =	shalt  }
0x69: {  	_ =	shalt  }
0x6a: {  	_ =	shalt  }
0x6b: {  	_ =	shalt  }
0x6c: {  	_ =	shalt  }
0x6d: {  	_ =	shalt  }
0x6e: {  	_ =	shalt  }
0x6f: {  	_ =	shalt  }
0x70: {  	_ =	shalt  }
0x71: {  	_ =	shalt  }
0x72: {  	_ =	shalt  }
0x73: {  	_ =	shalt  }
0x74: {  	_ =	shalt  }
0x75: {  	_ =	shalt  }
0x76: {  	_ =	shalt  }
0x77: {  	_ =	shalt  }
0x78: {  	_ =	shalt  }
0x79: {  	_ =	shalt  }
0x7a: {  	_ =	shalt  }
0x7b: {  	_ =	shalt  }
0x7c: {  	_ =	shalt  }
0x7d: {  	_ =	shalt  }
0x7e: {  	_ =	shalt  }
0x7f: {  	_ =	shalt  }
0x80: {  	_ =	shalt  }
0x81: {  	_ =	shalt  }
0x82: {  	_ =	shalt  }
0x83: {  	_ =	shalt  }
0x84: {  	_ =	shalt  }
0x85: {  	_ =	shalt  }
0x86: {  	_ =	shalt  }
0x87: {  	_ =	shalt  }
.Lfunc_end0:
.L_simem_size_0:
called_computation_lowered:
.L_overlay_start_0:
0x88: {  	s2 =	sld [smem:$0x3FD9]  }
0x89: {  	s3 =	sld [smem:$0x3FFE];
	_ =	sdelay $0x1  }
0x8a: {  	s1 =	srdreg.scid  }
0x8b: {  	s0 =	sand.u32 $0x1, s1  }
0x8c: {  	s17 =	sshll.u32 s0, $0xA;
	s2 =	sadd.s32 s3, s2  }
0x8d: {  	s2 =	sadd.s32 s2, s17  }
0x8e: {  	[smem:$0x3FBC] =	sst s2  }
0x8f: {  	_ = 	snop  }
0x90: {  	(tm) =	ssettm $0x1  }
0x91: {  	s18 =	sld [smem:$0x3FFB];
	_ =	sdelay $0x3  }
0x92: {  	_ =	strace s18  }
0x93: {  	s2 =	sld [smem:$0x3FFC];
	_ =	sdelay $0x3  }
0x94: {  	_ =	strace s2  }
0x95: {  	s2 =	sld [smem:$0x3FFD];
	_ =	sdelay $0x3  }
0x96: {  	_ =	strace s2  }
0x97: {  	_ =	strace $0x8FFFFFFF  }
0x98: {  	s19 =	sld [smem:$0x3FDB];
	_ =	sdelay $0x1  }
0x99: {  	s20 =	simm.s32 $_scs_section_size  }
0x9a: {  	s4 =	simm.s32 $_size__tile_overlayer_lowered;
	s5 =	simm.s32 $_tile_overlayer_lowered  }
0x9b: {  	s6 =	simm.s32 $0x1BFF;
	s21 =	sshll.u32 s5, $0x1;
	s3 =	sadd.s32 s20, s19  }
0x9c: {  	s22 =	simm.s32 $0x0;
	s4 =	sshll.u32 s4, $0x1;
	s5 =	sadd.s32 s21, s3  }
0x9d: {  	[timem:s22], [sflag:s6] =	dma.local [hbm:s5], s4  }
0x9e: {  	_ =	swait.ge [sflag:s6], s4  }
0x9f: {  	s4 =	ssub.s32 $0x0, s4;
	[sflag:s6] =	ssyncset.done $0x0  }
0xa0: {  	[sflag:s6] =	ssyncadd.s32 s4;
	_ =	sdelay $0x1  }
0xa1: {  	s23 =	simm.s32 $0x1B8B  }
0xa2: {  	_ =	swait.ge [sflag:s23], $0x1  }
0xa3: {  	[sflag:s23] =	ssyncset.done $0x0  }
0xa4: {  	[sflag:s23] =	ssyncadd.s32 $0xFFFFFFFF  }
0xa5: {  	s4 =	sld [smem:$0x0]  }
0xa6: {  	s5 =	sand.u32 $0xFFFFFFFE, s1  }
0xa7: {  	p0 =	sne.s32 s1, s5  }
0xa8: {  	s5 =	sshll.u32 @p0 s5, $0xE  }
0xa9: {  	s5 =	sadd.s32 @p0 $0x11B8D, s5;
	s6 =	sshll.u32 @p0 s4, $0x11  }
0xaa: {  	s5 =	sor.u32 @p0 s6, s5  }
0xab: {  	[sflag:s5] =	ssyncadd.remote.s32 @p0 $0x1;
	_ =	sdelay $0x1  }
0xac: {  	s5 =	simm.s32 @p0 $0x1B8D  }
0xad: {  	_ =	swait.eq @p0 [sflag:s5], $0x1  }
0xae: {  	[sflag:s5] =	ssyncadd.s32 @p0 $0xFFFFFFFF  }
0xaf: {  	s6 =	sshll.u32 @!p0 s1, $0xE  }
0xb0: {  	s6 =	sor.u32 @!p0 $0x4000, s6;
	s5 =	simm.s32 @!p0 $0x1B8D  }
0xb1: {  	s4 =	sshll.u32 @!p0 s4, $0x11;
	s6 =	sadd.s32 @!p0 $0x11B8D, s6;
	_ =	swait.eq @!p0 [sflag:s5], $0x1  }
0xb2: {  	s4 =	sor.u32 @!p0 s4, s6;
	[sflag:s5] =	ssyncadd.s32 @!p0 $0xFFFFFFFF  }
0xb3: {  	s25 =	simm.s32 $0x1B8E;
	s24 =	sld [smem:$0x3FFE];
	[sflag:s4] =	ssyncadd.remote.s32 @!p0 $0x1  }
0xb4: {  	s26 =	simm.s32 $execute0_lowered;
	[smem:$0x3FD2] =	sst s25  }
0xb5: {  	s5 =	sshll.u32 s26, $0x1;
	_ =	strace $0x80000049;
	[dreg:$0x1] =	wrdreg $0xFFFFFFFF  }
0xb6: {  	s28 =	simm.s32 $_size_execute0_lowered;
	s3 =	sadd.s32 s3, s5;
	[dreg:$0x0] =	wrdreg $0x0  }
0xb7: {  	s5 =	sshll.u32 s28, $0x1;
	[dreg:$0x2] =	wrdreg s3  }
0xb8: {  	[dreg:$0x3] =	wrdreg s5  }
0xb9: {  	[dreg:$0x4] =	wrdreg $0xC0  }
0xba: {  	_ =	task [dreg:s22], $0x5FFFF  }
0xbb: {  	[dreg:$0x1] =	wrdreg $0xFFFFFFFF  }
0xbc: {  	[dreg:$0x0] =	wrdreg $0x60  }
0xbd: {  	[dreg:$0x2] =	wrdreg s24  }
0xbe: {  	[dreg:$0x3] =	wrdreg $0x94000  }
0xbf: {  	[dreg:$0x4] =	wrdreg $0x9  }
0xc0: {  	_ =	task.clear_ibuf [dreg:s22], $0x5FFFF;
	_ =	strace $0x90000049  }
0xc1: {  	s29 =	simm.s32 $0x9;
	_ =	strace $0x8000004B  }
0xc2: {  	_ =	swait.ge [sflag:s29], $0x1  }
0xc3: {  	[sflag:s29] =	ssyncadd.s32 $0xFFFFFFFF  }
0xc4: {  	_ =	strace $0x9000004B  }
0xc5: {  	_ =	sfence  }
0xc6: {  	s30 =	sld [smem:$0x0];
	_ =	sdelay $0x2  }
0xc7: {  	s31 =	sshll.u32 s1, $0xD;
	s1 =	sshrl.u32 s1, $0x2  }
0xc8: {  	s4 =	sand.u32 $0x4000, s31;
	s1 =	sadd.s32 s1, s30  }
0xc9: {  	s0 =	sor.u32 s4, s0;
	s1 =	sshll.u32 s1, $0x11  }
0xca: {  	s0 =	sor.u32 s1, s0  }
0xcb: {  	s0 =	sadd.s32 $0x8F2B, s0  }
0xcc: {  	[sflag:s0] =	ssyncadd.remote.s32 $0x1  }
0xcd: {  	_ =	sfence.sel $0xFFFF  }
0xce: {  	[dreg:$0x0] =	wrdreg $0xFFFFFFFF;
	(pc) =	sbr.abs _section_cstart, $3  }
0xcf: {  	[dreg:$0x1] =	wrdreg $0xFFFFFFFF  }
0xd0: {  	_ =	task.clear_ibuf [dreg:s22], $0x2FFFF;
	_ =	strace $0x9FFFFFFF  }
0xd1: {  	(tm) =	ssettm $0x7FFFFFFF  }
tec
execute0_lowered:
.L_overlay_start_1:
0x0: {  	(tag) =	ssettag $0x1  }
0x1: {  	s0 =	srdreg.scid;
	s6 =	rddreg [dreg:$0x0]  }
0x2: {  	s2 =	rddreg [dreg:$0x1];
	s3 =	simm.s32 $0x0;
	s21 =	simm.s32 $0x80  }
0x3: {  	s22 =	simm.s32 $0x1;
	s9 =	sand.u32 $0x1, s0;
	s0 =	stileid.u32  }
0x4: {  	s23 =	simm.s32 $0x0;
	[smem:$0x7FF] =	sst s3;
	s11 =	smul.u32 $0x280, s0  }
0x5: {  	s5 =	sadd.s32 $0xB2C00, s6;
	s16 =	sadd.s32 $0x103C00, s6;
	s10 =	smul.u32 $0x50000, s0  }
0x6: {  	s1 =	sshll.u32 s9, $0x4;
	s8 =	ssub.s32 $0x2, s9;
	s18 =	smul.u32 $0x2800, s9  }
0x7: {  	s4 =	sor.u32 s0, s1;
	s1 =	rddreg [dreg:$0x2];
	s24 =	sshrl.u32 s8, $0x1  }
0x8: {  	_ =	strace $0x8000004A;
	s4 =	smul.u32 $0x280, s4;
	s17 =	ssub.s32 s8, s24  }
0x9: {  	s25 =	sshrl.u32 s10, $0x2;
	s12 =	sadd.s32 $0x80, s11;
	s14 =	sadd.s32 $0x100, s11  }
0xa: {  	s15 =	sadd.s32 $0x180, s11;
	s19 =	sadd.s32 $0x200, s11;
	s20 =	sadd.s32 s11, s18  }
0xb: {  	s26 =	sshll.u32 s12, $0x7;
	s28 =	sshll.u32 s14, $0x7;
	s13 =	sshll.u32 s15, $0x7  }
0xc: {  	s29 =	sshll.u32 s19, $0x7;
	s12 =	sadd.s32 s18, s12;
	s30 =	sshll.u32 s20, $0x4  }
0xd: {  	s14 =	sadd.s32 s18, s14;
	s15 =	sadd.s32 s18, s15;
	s18 =	sadd.s32 s18, s19  }
0xe: {  	s17 =	smax.u32 s17, $0x1;
	s19 =	simm.s32 $0x1400;
	s20 =	simm.s32 $0x5400  }
0xf: {  	s7 =	sadd.s32 s4, s6;
	s4 =	sadd.s32 $0x103400, s6;
	s8 =	sadd.s32 s26, s2  }
0x10: {  	s9 =	sadd.s32 s28, s2;
	s10 =	sadd.s32 s13, s2;
	s11 =	sadd.s32 s29, s2  }
0x11: {  	s31 =	sshll.u32 s12, $0x4;
	s12 =	sadd.s32 s16, s30;
	s14 =	sshll.u32 s14, $0x4  }
0x12: {  	s15 =	sshll.u32 s15, $0x4;
	s18 =	sshll.u32 s18, $0x4;
	s6 =	sadd.s32 $0x2800, s7  }
0x13: {  	s7 =	sadd.s32 s25, s2;
	s13 =	sadd.s32 s16, s31;
	s14 =	sadd.s32 s16, s14  }
0x14: {  	s15 =	sadd.s32 s16, s15;
	s16 =	sadd.s32 s16, s18;
	s18 =	simm.s32 $0x2  }
.LBB2_1:
0x15: {  	[tilespmem:s3], [sflag:$0x2] =	stream.linear.gather [hbm4b:s6+s3], $0x1400, $0x38;
	[tilespmem:$0x1D400] =	vst v63  }
0x16: {  	_ =	swait.ge [sflag:s18], $0x1400  }
0x17: {  	[sflag:s18] =	ssyncset.done $0x0  }
0x18: {  	[sflag:s18] =	ssyncadd.s32 $0xFFFFEC00  }
0x19: {  	[tilespmem:s19], [sflag:$0x2] =	stream.linear.gather [hbm4b:s4+s3], $0x4000, $0x38;
	[tilespmem:$0x1D400] =	vst v63  }
0x1a: {  	_ =	swait.ge [sflag:s18], $0x4000  }
0x1b: {  	[sflag:s18] =	ssyncset.done $0x0  }
0x1c: {  	[sflag:s18] =	ssyncadd.s32 $0xFFFFC000  }
0x1d: {  	[tilespmem:s20], [sflag:$0x2] =	stream.linear.gather [hbm4b:s5+s3], $0x4000, $0x38;
	[tilespmem:$0x1D400] =	vst v63  }
0x1e: {  	_ =	swait.ge [sflag:s18], $0x4000  }
0x1f: {  	[sflag:s18] =	ssyncset.done $0x0  }
0x20: {  	[sflag:s18] =	ssyncadd.s32 $0xFFFFC000  }
0x21: {  	[spmem:s7] =	stream.linear.scatter [tilespmem:s20], [sflag:$0x2], $0x4000, $0x38;
	[tilespmem:$0x1D400] =	vst v63  }
0x22: {  	_ =	swait.ge [sflag:s18], $0x4000  }
0x23: {  	[sflag:s18] =	ssyncset.done $0x0  }
0x24: {  	[sflag:s18] =	ssyncadd.s32 $0xFFFFC000  }
0x25: {  	[spmem:s8] =	stream.linear.scatter [tilespmem:s20], [sflag:$0x2], $0x4000, $0x38;
	[tilespmem:$0x1D400] =	vst v63  }
0x26: {  	_ =	swait.ge [sflag:s18], $0x4000  }
0x27: {  	[sflag:s18] =	ssyncset.done $0x0  }
0x28: {  	[sflag:s18] =	ssyncadd.s32 $0xFFFFC000  }
0x29: {  	[spmem:s9] =	stream.linear.scatter [tilespmem:s20], [sflag:$0x2], $0x4000, $0x38;
	[tilespmem:$0x1D400] =	vst v63  }
0x2a: {  	_ =	swait.ge [sflag:s18], $0x4000  }
0x2b: {  	[sflag:s18] =	ssyncset.done $0x0  }
0x2c: {  	[sflag:s18] =	ssyncadd.s32 $0xFFFFC000  }
0x2d: {  	[spmem:s10] =	stream.linear.scatter [tilespmem:s20], [sflag:$0x2], $0x4000, $0x38;
	[tilespmem:$0x1D400] =	vst v63  }
0x2e: {  	_ =	swait.ge [sflag:s18], $0x4000  }
0x2f: {  	[sflag:s18] =	ssyncset.done $0x0  }
0x30: {  	[sflag:s18] =	ssyncadd.s32 $0xFFFFC000  }
0x31: {  	[spmem:s11] =	stream.linear.scatter [tilespmem:s20], [sflag:$0x2], $0x4000, $0x38;
	[tilespmem:$0x1D400] =	vst v63  }
0x32: {  	_ =	swait.ge [sflag:s18], $0x4000  }
0x33: {  	[sflag:s18] =	ssyncset.done $0x0  }
0x34: {  	p0 =	por $0x1, $0x1;
	[sflag:s18] =	ssyncadd.s32 $0xFFFFC000  }
0x35: {  	s26 =	simm.s32 @!p0 $0x1;
	[bflag:$0x0] =	sbarrier.arrive $0xFFFF  }
0x36: {  	[spmem:s2] =	stream.indirect.scatter.add.f32 [tilespmem:s19], [sflag:$0x1], $0x80, s3, s21, $0xb8;
	[tilespmem:$0x1D400] =	vst v63  }
0x37: {  	_ =	swait.ge @!p0 [sflag:s26], $0x4000  }
0x38: {  	s24 =	simm.s32 $0x1;
	s25 =	simm.s32 $0x0;
	[sflag:s26] =	ssyncset.done @!p0 $0x0  }
.LBB2_2:
0x39: {  	[sflag:s26] =	ssyncadd.s32 @!p0 $0xFFFFC000  }
0x3a: {  	s25 =	sadd.s32 $0x80, s25;
	s26 =	smov.u32 s24;
	s24 =	sadd.s32 $0x1, s24  }
0x3b: {  	p1 =	sne.s32 s24, $0x28  }
0x3c: {  	[spmem:s2] =	stream.indirect.scatter.add.f32 [tilespmem:s19], [sflag:$0x1], $0x80, s25, s21, $0xb8;
	[tilespmem:$0x1D400] =	vst v63  }
.Ltmp0:
0x3d: {  	_ = 	snop;
	(pc) =	sbr.rel @p1 .LBB2_2-.Ltmp0, $4  }
0x3e: {  	p0 =	slt.u32 s26, $0x8  }
0x3f: {  	s26 =	simm.s32 @!p0 $0x1  }
0x40: {  	_ =	swait.ge @!p0 [sflag:s26], $0x4000  }
0x41: {  	[sflag:s26] =	ssyncset.done @!p0 $0x0  }
0x42: {  	[sflag:s26] =	ssyncadd.s32 @!p0 $0xFFFFC000  }
0x43: {  	_ =	swait.ge [sflag:s22], $0x4000  }
0x44: {  	[sflag:s22] =	ssyncset.done $0x0  }
0x45: {  	[sflag:s22] =	ssyncadd.s32 $0xFFFFC000  }
0x46: {  	_ =	swait.ge [sflag:s22], $0x4000  }
0x47: {  	[sflag:s22] =	ssyncset.done $0x0  }
0x48: {  	[sflag:s22] =	ssyncadd.s32 $0xFFFFC000  }
0x49: {  	_ =	swait.ge [sflag:s22], $0x4000  }
0x4a: {  	[sflag:s22] =	ssyncset.done $0x0  }
0x4b: {  	[sflag:s22] =	ssyncadd.s32 $0xFFFFC000  }
0x4c: {  	_ =	swait.ge [sflag:s22], $0x4000  }
0x4d: {  	[sflag:s22] =	ssyncset.done $0x0  }
0x4e: {  	[sflag:s22] =	ssyncadd.s32 $0xFFFFC000  }
0x4f: {  	_ =	swait.ge [sflag:s22], $0x4000  }
0x50: {  	[sflag:s22] =	ssyncset.done $0x0  }
0x51: {  	[sflag:s22] =	ssyncadd.s32 $0xFFFFC000  }
0x52: {  	_ =	swait.ge [sflag:s22], $0x4000  }
0x53: {  	[sflag:s22] =	ssyncset.done $0x0  }
0x54: {  	[sflag:s22] =	ssyncadd.s32 $0xFFFFC000  }
0x55: {  	_ =	swait.ge [sflag:s22], $0x4000  }
0x56: {  	[sflag:s22] =	ssyncset.done $0x0  }
0x57: {  	[sflag:s22] =	ssyncadd.s32 $0xFFFFC000  }
0x58: {  	_ =	swait.ge [sflag:s22], $0x4000  }
0x59: {  	[sflag:s22] =	ssyncset.done $0x0  }
0x5a: {  	[sflag:s22] =	ssyncadd.s32 $0xFFFFC000  }
0x5b: {  	[bflag:$0x0] =	sbarrier.arrive $0xFFFF  }
0x5c: {  	[tilespmem:s20], [sflag:$0x2] =	stream.linear.gather [spmem:s7], $0x4000, $0x38;
	[tilespmem:$0x1D400] =	vst v63  }
0x5d: {  	_ =	swait.ge [sflag:s18], $0x4000  }
0x5e: {  	[sflag:s18] =	ssyncset.done $0x0  }
0x5f: {  	[sflag:s18] =	ssyncadd.s32 $0xFFFFC000  }
0x60: {  	[hbm4b:s12+s3] =	stream.linear.scatter [tilespmem:s20], [sflag:$0x2], $0x4000, $0x38;
	[tilespmem:$0x1D400] =	vst v63  }
0x61: {  	_ =	swait.ge [sflag:s18], $0x4000  }
0x62: {  	[sflag:s18] =	ssyncset.done $0x0  }
0x63: {  	[sflag:s18] =	ssyncadd.s32 $0xFFFFC000  }
0x64: {  	[tilespmem:s20], [sflag:$0x2] =	stream.linear.gather [spmem:s8], $0x4000, $0x38;
	[tilespmem:$0x1D400] =	vst v63  }
0x65: {  	_ =	swait.ge [sflag:s18], $0x4000  }
0x66: {  	[sflag:s18] =	ssyncset.done $0x0  }
0x67: {  	[sflag:s18] =	ssyncadd.s32 $0xFFFFC000  }
0x68: {  	[hbm4b:s13+s3] =	stream.linear.scatter [tilespmem:s20], [sflag:$0x2], $0x4000, $0x38;
	[tilespmem:$0x1D400] =	vst v63  }
0x69: {  	_ =	swait.ge [sflag:s18], $0x4000  }
0x6a: {  	[sflag:s18] =	ssyncset.done $0x0  }
0x6b: {  	[sflag:s18] =	ssyncadd.s32 $0xFFFFC000  }
0x6c: {  	[tilespmem:s20], [sflag:$0x2] =	stream.linear.gather [spmem:s9], $0x4000, $0x38;
	[tilespmem:$0x1D400] =	vst v63  }
0x6d: {  	_ =	swait.ge [sflag:s18], $0x4000  }
0x6e: {  	[sflag:s18] =	ssyncset.done $0x0  }
0x6f: {  	[sflag:s18] =	ssyncadd.s32 $0xFFFFC000  }
0x70: {  	[hbm4b:s14+s3] =	stream.linear.scatter [tilespmem:s20], [sflag:$0x2], $0x4000, $0x38;
	[tilespmem:$0x1D400] =	vst v63  }
0x71: {  	_ =	swait.ge [sflag:s18], $0x4000  }
0x72: {  	[sflag:s18] =	ssyncset.done $0x0  }
0x73: {  	[sflag:s18] =	ssyncadd.s32 $0xFFFFC000  }
0x74: {  	[tilespmem:s20], [sflag:$0x2] =	stream.linear.gather [spmem:s10], $0x4000, $0x38;
	[tilespmem:$0x1D400] =	vst v63  }
0x75: {  	_ =	swait.ge [sflag:s18], $0x4000  }
0x76: {  	[sflag:s18] =	ssyncset.done $0x0  }
0x77: {  	[sflag:s18] =	ssyncadd.s32 $0xFFFFC000  }
0x78: {  	[hbm4b:s15+s3] =	stream.linear.scatter [tilespmem:s20], [sflag:$0x2], $0x4000, $0x38;
	[tilespmem:$0x1D400] =	vst v63  }
0x79: {  	_ =	swait.ge [sflag:s18], $0x4000  }
0x7a: {  	[sflag:s18] =	ssyncset.done $0x0  }
0x7b: {  	[sflag:s18] =	ssyncadd.s32 $0xFFFFC000  }
0x7c: {  	[tilespmem:s20], [sflag:$0x2] =	stream.linear.gather [spmem:s11], $0x4000, $0x38;
	[tilespmem:$0x1D400] =	vst v63  }
0x7d: {  	s23 =	sadd.s32 $0x1, s23;
	_ =	swait.ge [sflag:s18], $0x4000  }
0x7e: {  	p0 =	sne.s32 s23, s17;
	[sflag:s18] =	ssyncset.done $0x0  }
.Ltmp1:
0x7f: {  	[sflag:s18] =	ssyncadd.s32 $0xFFFFC000;
	(pc) =	sbr.rel @p0 .LBB2_1-.Ltmp1, $4  }
0x80: {  	[hbm4b:s16+s3] =	stream.linear.scatter [tilespmem:s20], [sflag:$0x2], $0x4000, $0x38;
	[tilespmem:$0x1D400] =	vst v63  }
0x81: {  	_ =	swait.ge [sflag:s18], $0x4000  }
0x82: {  	[sflag:s18] =	ssyncset.done $0x0  }
0x83: {  	[sflag:s18] =	ssyncadd.s32 $0xFFFFC000  }
0x84: {  	_ =	sfence.sel $0x180000  }
0x85: {  	[bflag:$0x0] =	sbarrier.arrive $0xFFFF  }
0x86: {  	p0 =	sne.s32 s0, $0x0;
	_ =	strace $0x9000004A  }
0x87: {  	s0 =	sadd.s32 @!p0 $0x100000, s1;
	[bflag:$0x2] =	sbarrier.arrive $0xFFFF  }
0x88: {  	[sflag:s0] =	ssyncadd.tile.s32 @!p0 $0x1;
	_ =	shalt  }
.Lfunc_end2:
_tile_overlayer_lowered:
.L_overlay_start_2:
0x89: {  	(tag) =	ssettag $0x2  }
0x8a: {  	s0 =	rddreg [dreg:$0x0];
	s2 =	stileid.u32  }
0x8b: {  	s1 =	rddreg [dreg:$0x1];
	p0 =	sne.s32 s2, $0x0  }
0x8c: {  	s3 =	rddreg [dreg:$0x2];
	[bflag:$0x3] =	sbarrier.arrive $0xFFFF;
	s2 =	simm.s32 @!p0 $0x1C02  }
0x8d: {  	[timem:s3], [sflag:s2] =	dma.local @!p0 [hbm:s0], s1  }
0x8e: {  	s0 =	simm.s32 @!p0 $0x2  }
0x8f: {  	_ =	swait.ge @!p0 [sflag:s0], s1  }
0x90: {  	s1 =	ssub.s32 @!p0 $0x0, s1;
	[sflag:s0] =	ssyncset.done @!p0 $0x0  }
0x91: {  	[sflag:s0] =	ssyncadd.s32 @!p0 s1  }
0x92: {  	[bflag:$0x3] =	sbarrier.arrive $0xFFFF  }
0x93: {  	_ =	shalt  }

</sc_bundles>
